<compile_context>
chip_gen: v7x
topology: tpu7x:2x2x1
jax: 0.10.2.dev20260603
libtpu: 0.0.44.dev20260713+nightly
codegen_flags: <defaults>
</compile_context>

<pallas_src>
import jax
import jax.numpy as jnp
from jax import lax
from jax.experimental import pallas as pl
from jax.experimental.pallas import tpu as pltpu
from jax.experimental.pallas import tpu_sc as plsc

M = 500000
C = 65536
B = 250000
D = 128

NC, NS = 2, 16
NW = NC * NS
Bp = 253952
PW = Bp // NW
GCH = 64
NCH = PW // GCH
SCH = Bp // NCH

KPW = 15632
R0F = 154880
FPW = R0F // NW
FCH = 440
CPB = 2000
CPO = 77
RCH = 128
NBUF = 4
WCAP = 15872

_mesh = plsc.VectorSubcoreMesh(core_axis_name="c", subcore_axis_name="s")
_sc_params = pltpu.CompilerParams(needs_layout_passes=False)


def _wid():
    return lax.axis_index("s") * NC + lax.axis_index("c")


def _merged_body(prev_hbm, cfg_hbm, key_hbm, val_hbm,
                 psel_hbm, upd_hbm, wids_hbm, wkeys_hbm, nw_hbm,
                 kbuf, vbuf, keybufA, keybufB, lastidx,
                 rowsP0, rowsP1, rowsC0, rowsC1, wids, wkeys,
                 semK, semGP, semGC, semSP, semSC):
    w = _wid()
    ebase = w * PW
    kbase = w * KPW
    lane = lax.iota(jnp.int32, 16)
    keybuf2 = [keybufA, keybufB]
    rowsP = [rowsP0, rowsP1]
    rowsC = [rowsC0, rowsC1]

    def init(j, _):
        lastidx[pl.ds(j * 16, 16)] = jnp.full((16,), -1, jnp.int32)
        return 0

    lax.fori_loop(0, KPW // 16, init, 0)

    pltpu.sync_copy(key_hbm.at[pl.ds(ebase, PW)], kbuf)
    pltpu.sync_copy(val_hbm.at[pl.ds(ebase, PW)], vbuf)
    for b in range(2):
        pltpu.async_copy(key_hbm.at[pl.ds(b * SCH, SCH)], keybuf2[b],
                         semK.at[b])

    def _wait_gathers(c, bb):
        pltpu.make_async_copy(
            prev_hbm.at[kbuf.at[pl.ds(c * GCH, GCH)]], rowsP[bb],
            semGP.at[bb]).wait()
        pltpu.make_async_copy(
            cfg_hbm.at[vbuf.at[pl.ds(c * GCH, GCH)]], rowsC[bb],
            semGC.at[bb]).wait()

    def _issue_stores(c, bb):
        pltpu.async_copy(rowsP[bb],
                         psel_hbm.at[pl.ds(ebase + c * GCH, GCH)],
                         semSP.at[bb])
        pltpu.async_copy(rowsC[bb],
                         upd_hbm.at[pl.ds(ebase + c * GCH, GCH)],
                         semSC.at[bb])

    def _wait_stores(c, bb):
        pltpu.make_async_copy(rowsP[bb],
                              psel_hbm.at[pl.ds(ebase + c * GCH, GCH)],
                              semSP.at[bb]).wait()
        pltpu.make_async_copy(rowsC[bb],
                              upd_hbm.at[pl.ds(ebase + c * GCH, GCH)],
                              semSC.at[bb]).wait()

    def outer(o, _):
        for b in range(2):
            c = 2 * o + b
            pltpu.make_async_copy(key_hbm.at[pl.ds(c * SCH, SCH)],
                                  keybuf2[b], semK.at[b]).wait()

            @pl.when(o >= 1)
            def _():
                _wait_stores(c - 2, b)

            pltpu.async_copy(
                prev_hbm.at[kbuf.at[pl.ds(c * GCH, GCH)]], rowsP[b],
                semGP.at[b])
            pltpu.async_copy(
                cfg_hbm.at[vbuf.at[pl.ds(c * GCH, GCH)]], rowsC[b],
                semGC.at[b])

            kb = keybuf2[b]

            def vstep(j2, _):
                for u in range(4):
                    j = j2 * 4 + u
                    k16 = kb[pl.ds(j * 16, 16)]
                    ids = (c * SCH + j * 16) + lane
                    loc = k16 - kbase
                    inr = (loc >= 0) & (loc < KPW) & (ids < B)
                    plsc.store_scatter(lastidx, [loc], ids, mask=inr)
                return 0

            lax.fori_loop(0, SCH // 16 // 4, vstep, 0)

            @pl.when(c + 2 < NCH)
            def _():
                pltpu.async_copy(key_hbm.at[pl.ds((c + 2) * SCH, SCH)],
                                 keybuf2[b], semK.at[b])

            if b == 0:
                @pl.when(o >= 1)
                def _():
                    _wait_gathers(c - 1, 1)
                    _issue_stores(c - 1, 1)
            else:
                _wait_gathers(c - 1, 0)
                _issue_stores(c - 1, 0)
        return 0

    lax.fori_loop(0, NCH // 2, outer, 0)
    _wait_gathers(NCH - 1, 1)
    _issue_stores(NCH - 1, 1)
    _wait_stores(NCH - 2, 0)
    _wait_stores(NCH - 1, 1)

    def compress(j, off):
        li = lastidx[pl.ds(j * 16, 16)]
        m = li >= 0
        dk = (kbase + j * 16) + lane
        plsc.store_compressed(wids.at[pl.ds(off, 16)], li, mask=m)
        plsc.store_compressed(wkeys.at[pl.ds(off, 16)], dk, mask=m)
        return off + jnp.max(plsc.all_reduce_population_count(m))

    nw = lax.fori_loop(0, KPW // 16, compress, jnp.int32(0))

    @pl.when(nw > 0)
    def _():
        pad_sel = jnp.full((16,), nw - 1, jnp.int32)
        pid = plsc.load_gather(wids, [pad_sel])
        pkey = plsc.load_gather(wkeys, [pad_sel])
        p0 = (nw // 16) * 16
        mpad = (p0 + lane) >= nw
        plsc.store_scatter(wids, [p0 + lane], pid, mask=mpad)
        plsc.store_scatter(wkeys, [p0 + lane], pkey, mask=mpad)
        nwr = ((nw + NBUF * RCH - 1) // (NBUF * RCH)) * (NBUF * RCH)

        def padv(q, _):
            wids[pl.ds(q * 16, 16)] = pid
            wkeys[pl.ds(q * 16, 16)] = pkey
            return 0

        lax.fori_loop(p0 // 16 + 1, nwr // 16, padv, 0)

    pltpu.sync_copy(wids, wids_hbm.at[pl.ds(w * WCAP, WCAP)])
    pltpu.sync_copy(wkeys, wkeys_hbm.at[pl.ds(w * WCAP, WCAP)])
    kb0 = keybufA
    kb0[pl.ds(0, 16)] = jnp.full((16,), nw, jnp.int32)
    pltpu.sync_copy(kb0.at[pl.ds(0, 16)], nw_hbm.at[pl.ds(w * 16, 16)])


_sc_merged = pl.kernel(
    _merged_body,
    out_type=(jax.ShapeDtypeStruct((Bp, D), jnp.float32),
              jax.ShapeDtypeStruct((Bp, D), jnp.float32),
              jax.ShapeDtypeStruct((NW * WCAP,), jnp.int32),
              jax.ShapeDtypeStruct((NW * WCAP,), jnp.int32),
              jax.ShapeDtypeStruct((NW * 16,), jnp.int32)),
    mesh=_mesh,
    scratch_types=[
        pltpu.VMEM((PW,), jnp.int32),
        pltpu.VMEM((PW,), jnp.int32),
        pltpu.VMEM((SCH,), jnp.int32),
        pltpu.VMEM((SCH,), jnp.int32),
        pltpu.VMEM((KPW,), jnp.int32),
        pltpu.VMEM((GCH, D), jnp.float32),
        pltpu.VMEM((GCH, D), jnp.float32),
        pltpu.VMEM((GCH, D), jnp.float32),
        pltpu.VMEM((GCH, D), jnp.float32),
        pltpu.VMEM((WCAP,), jnp.int32),
        pltpu.VMEM((WCAP,), jnp.int32),
        pltpu.SemaphoreType.DMA((2,)),
        pltpu.SemaphoreType.DMA((2,)),
        pltpu.SemaphoreType.DMA((2,)),
        pltpu.SemaphoreType.DMA((2,)),
        pltpu.SemaphoreType.DMA((2,)),
    ],
    compiler_params=_sc_params,
)


def _fill_body(prev_hbm, out_hbm, fb0, fb1, semR, semW):
    w = _wid()
    base = w * FPW
    fb = [fb0, fb1]
    nch = FPW // FCH
    for c in range(nch):
        b = c & 1
        lo = base + c * FCH
        if c >= 2:
            pltpu.make_async_copy(fb[b], out_hbm.at[pl.ds(lo - 2 * FCH, FCH)],
                                  semW.at[b]).wait()
        pltpu.async_copy(prev_hbm.at[pl.ds(lo, FCH)], fb[b],
                         semR.at[b]).wait()
        pltpu.async_copy(fb[b], out_hbm.at[pl.ds(lo, FCH)], semW.at[b])
    for c in range(nch - 2, nch):
        b = c & 1
        lo = base + c * FCH
        pltpu.make_async_copy(fb[b], out_hbm.at[pl.ds(lo, FCH)],
                              semW.at[b]).wait()


_sc_fill = pl.kernel(
    _fill_body,
    out_type=(),
    mesh=_mesh,
    scratch_types=[
        pltpu.VMEM((FCH, D), jnp.float32),
        pltpu.VMEM((FCH, D), jnp.float32),
        pltpu.SemaphoreType.DMA((2,)),
        pltpu.SemaphoreType.DMA((2,)),
    ],
    compiler_params=_sc_params,
)


def _scatter_body(wids_hbm, wkeys_hbm, nw_hbm, updates_hbm, out_hbm,
                  widv, wkeyv, nwbuf, rb0, rb1, rb2, rb3, semG, semS):
    rowbuf = [rb0, rb1, rb2, rb3]
    w = _wid()
    pltpu.sync_copy(wids_hbm.at[pl.ds(w * WCAP, WCAP)], widv)
    pltpu.sync_copy(wkeys_hbm.at[pl.ds(w * WCAP, WCAP)], wkeyv)
    pltpu.sync_copy(nw_hbm.at[pl.ds(w * 16, 16)], nwbuf)
    nw = jnp.max(nwbuf[...])

    @pl.when(nw > 0)
    def _():
        ngrp = (nw + NBUF * RCH - 1) // (NBUF * RCH)

        def move(o, _):
            for b in range(NBUF):
                c = NBUF * o + b

                @pl.when(o >= 1)
                def _():
                    pltpu.make_async_copy(
                        rowbuf[b],
                        out_hbm.at[wkeyv.at[pl.ds((c - NBUF) * RCH, RCH)]],
                        semS.at[b]).wait()

                pltpu.async_copy(
                    updates_hbm.at[widv.at[pl.ds(c * RCH, RCH)]],
                    rowbuf[b], semG.at[b])
            for b in range(NBUF):
                c = NBUF * o + b
                pltpu.make_async_copy(
                    updates_hbm.at[widv.at[pl.ds(c * RCH, RCH)]],
                    rowbuf[b], semG.at[b]).wait()
                pltpu.async_copy(
                    rowbuf[b],
                    out_hbm.at[wkeyv.at[pl.ds(c * RCH, RCH)]],
                    semS.at[b])
            return 0

        lax.fori_loop(0, ngrp, move, 0)
        for b in range(NBUF):
            c = NBUF * (ngrp - 1) + b
            pltpu.make_async_copy(
                rowbuf[b],
                out_hbm.at[wkeyv.at[pl.ds(c * RCH, RCH)]],
                semS.at[b]).wait()


_sc_scatter = pl.kernel(
    _scatter_body,
    out_type=(),
    mesh=_mesh,
    scratch_types=[
        pltpu.VMEM((WCAP,), jnp.int32),
        pltpu.VMEM((WCAP,), jnp.int32),
        pltpu.VMEM((16,), jnp.int32),
        pltpu.VMEM((RCH, D), jnp.float32),
        pltpu.VMEM((RCH, D), jnp.float32),
        pltpu.VMEM((RCH, D), jnp.float32),
        pltpu.VMEM((RCH, D), jnp.float32),
        pltpu.SemaphoreType.DMA((NBUF,)),
        pltpu.SemaphoreType.DMA((NBUF,)),
    ],
    compiler_params=_sc_params,
)


def _copy_body(x_ref, o_ref):
    o_ref[...] = x_ref[...]


def _tc_copy_tail(x):
    return pl.pallas_call(
        _copy_body,
        grid=(M // CPB - CPO,),
        in_specs=[pl.BlockSpec((CPB, D), lambda i: (i + CPO, 0))],
        out_specs=pl.BlockSpec((CPB, D), lambda i: (i + CPO, 0)),
        out_shape=jax.ShapeDtypeStruct((M, D), jnp.float32),
    )(x)


UR = 8192


def _update_body(ps_ref, up_ref, wg_ref, bg_ref, wc_ref, bc_ref, o_ref):
    ps = ps_ref[...]
    up = up_ref[...]
    g = ps @ wg_ref[0:D, :] + up @ wg_ref[D:2 * D, :] + bg_ref[...]
    gate = jax.nn.sigmoid(g)
    c = ps @ wc_ref[0:D, :] + up @ wc_ref[D:2 * D, :] + bc_ref[...]
    cand = jnp.maximum(c, 0.0)
    o_ref[...] = gate * ps + (1.0 - gate) * cand


def _tc_update(ps, up, wg, bg, wc, bc):
    return pl.pallas_call(
        _update_body,
        grid=(Bp // UR,),
        in_specs=[
            pl.BlockSpec((UR, D), lambda i: (i, 0)),
            pl.BlockSpec((UR, D), lambda i: (i, 0)),
            pl.BlockSpec((2 * D, D), lambda i: (0, 0)),
            pl.BlockSpec((1, D), lambda i: (0, 0)),
            pl.BlockSpec((2 * D, D), lambda i: (0, 0)),
            pl.BlockSpec((1, D), lambda i: (0, 0)),
        ],
        out_specs=pl.BlockSpec((UR, D), lambda i: (i, 0)),
        out_shape=jax.ShapeDtypeStruct((Bp, D), jnp.float32),
    )(ps, up, wg, bg.reshape(1, D), wc, bc.reshape(1, D))


def kernel(previous_ast_nodes_encodings, new_cfg_nodes_encodings,
           key_indices, value_indices, W_gate, b_gate, W_cand, b_cand):
    pad = Bp - B
    padk = jnp.arange(pad, dtype=jnp.int32) % M
    padv = jnp.arange(pad, dtype=jnp.int32) % C
    kp = jnp.concatenate([key_indices.astype(jnp.int32), padk])
    vp = jnp.concatenate([value_indices.astype(jnp.int32), padv])

    psel, upd, wids, wkeys, nwv = _sc_merged(
        previous_ast_nodes_encodings, new_cfg_nodes_encodings, kp, vp)
    updates = _tc_update(psel, upd, W_gate, b_gate, W_cand, b_cand)

    out0 = _tc_copy_tail(previous_ast_nodes_encodings)
    oref = jax.new_ref(out0)
    _sc_fill(previous_ast_nodes_encodings, oref)
    _sc_scatter(wids, wkeys, nwv, updates, oref)
    return oref[...]

# --- scband reference (transcript-rebuilt; emitter-appended) ---
"""Pipeline reference for scband-code-expression-context-mixer-2705829396959 (READ-ONLY COPY).

The authoritative reference and input builder live on the scoring server;
editing this copy changes nothing except your own understanding.
"""

import jax, jax.numpy as jnp
import numpy as np

M = 500000   # nr ast nodes (memory rows)
C = 65536    # nr cfg nodes
B = 250000   # nr ast<->pdg mapping entries
D = 128      # encoding dim (ast == cfg dim)


def setup_inputs(seed: int = 0) -> dict:
    key = jax.random.key(seed)
    ks = jax.random.split(key, 8)
    previous_ast_nodes_encodings = jax.random.normal(ks[0], (M, D), dtype=jnp.float32)
    new_cfg_nodes_encodings = jax.random.normal(ks[1], (C, D), dtype=jnp.float32)
    key_indices = jax.random.randint(ks[2], (B,), 0, M)
    value_indices = jax.random.randint(ks[3], (B,), 0, C)
    # StateUpdater ('gate' method) learned params: gate + candidate projections over [prev_state; update]
    W_gate = jax.random.normal(ks[4], (2 * D, D), dtype=jnp.float32) * 0.05
    b_gate = jnp.zeros((D,), dtype=jnp.float32)
    W_cand = jax.random.normal(ks[5], (2 * D, D), dtype=jnp.float32) * 0.05
    b_cand = jnp.zeros((D,), dtype=jnp.float32)
    return {
        'previous_ast_nodes_encodings': previous_ast_nodes_encodings,
        'new_cfg_nodes_encodings': new_cfg_nodes_encodings,
        'key_indices': key_indices,
        'value_indices': value_indices,
        'W_gate': W_gate,
        'b_gate': b_gate,
        'W_cand': W_cand,
        'b_cand': b_cand,
    }


def reference(previous_ast_nodes_encodings, new_cfg_nodes_encodings,
              key_indices, value_indices, W_gate, b_gate, W_cand, b_cand):
    # MacroContextAdderToSubASTNodes.forward (PathsFolded/Tree/GNN branch of CodeExpressionContextMixer)
    # 1) gather previous ast-node states for mapping keys
    prev_sel = jnp.take(previous_ast_nodes_encodings, key_indices, axis=0)      # [B, D]
    # 2) gather new cfg-node encodings for mapping values
    upd = jnp.take(new_cfg_nodes_encodings, value_indices, axis=0)              # [B, D]
    # 3) StateUpdater gate: gated blend of previous state and candidate from update
    cat = jnp.concatenate([prev_sel, upd], axis=-1)                             # [B, 2D]
    gate = jax.nn.sigmoid(cat @ W_gate + b_gate)                                # [B, D]
    cand = jax.nn.relu(cat @ W_cand + b_cand)                                   # [B, D]
    ast_nodes_encodings_updates = gate * prev_sel + (1.0 - gate) * cand        # [B, D]
    # 4) scatter-overwrite updates back into the ast-node memory (torch .scatter dim=0)
    out = previous_ast_nodes_encodings.at[key_indices].set(ast_nodes_encodings_updates)
    return out

if __name__ == "__main__":
    import jax
    _d = setup_inputs()
    print(jax.jit(kernel)(*tuple(_d.values())))

</pallas_src>

<mosaic_0001>
#map = affine_map<(d0, d1) -> (0, 0)>
#map1 = affine_map<(d0, d1) -> (0)>
module attributes {stable_mosaic.version = 14 : i64} {
  func.func @_merged_body(%arg0: i32, %arg1: i32, %arg2: memref<500000x128xf32, #tpu.memory_space<hbm>>, %arg3: memref<65536x128xf32, #tpu.memory_space<hbm>>, %arg4: memref<253952xi32, #tpu.memory_space<hbm>>, %arg5: memref<253952xi32, #tpu.memory_space<hbm>>, %arg6: memref<253952x128xf32, #tpu.memory_space<hbm>>, %arg7: memref<253952x128xf32, #tpu.memory_space<hbm>>, %arg8: memref<507904xi32, #tpu.memory_space<hbm>>, %arg9: memref<507904xi32, #tpu.memory_space<hbm>>, %arg10: memref<512xi32, #tpu.memory_space<hbm>>, %arg11: memref<7936xi32, #tpu.memory_space<vmem>>, %arg12: memref<7936xi32, #tpu.memory_space<vmem>>, %arg13: memref<2048xi32, #tpu.memory_space<vmem>>, %arg14: memref<2048xi32, #tpu.memory_space<vmem>>, %arg15: memref<15632xi32, #tpu.memory_space<vmem>>, %arg16: memref<64x128xf32, #tpu.memory_space<vmem>>, %arg17: memref<64x128xf32, #tpu.memory_space<vmem>>, %arg18: memref<64x128xf32, #tpu.memory_space<vmem>>, %arg19: memref<64x128xf32, #tpu.memory_space<vmem>>, %arg20: memref<15872xi32, #tpu.memory_space<vmem>>, %arg21: memref<15872xi32, #tpu.memory_space<vmem>>, %arg22: memref<2x!tpu.dma_semaphore, #tpu.memory_space<semaphore_mem>>, %arg23: memref<2x!tpu.dma_semaphore, #tpu.memory_space<semaphore_mem>>, %arg24: memref<2x!tpu.dma_semaphore, #tpu.memory_space<semaphore_mem>>, %arg25: memref<2x!tpu.dma_semaphore, #tpu.memory_space<semaphore_mem>>, %arg26: memref<2x!tpu.dma_semaphore, #tpu.memory_space<semaphore_mem>>) attributes {dimension_semantics = [#tpu.dimension_semantics<core_parallel>, #tpu.dimension_semantics<subcore_parallel>], iteration_bounds = array<i64: 2, 16>, scalar_prefetch = 0 : i64, scratch_operands = 16 : i64, tpu.core_type = #tpu.core_type<sc_vector_subcore>, window_params = [{transform_indices = #map}, {transform_indices = #map}, {transform_indices = #map1}, {transform_indices = #map1}, {transform_indices = #map}, {transform_indices = #map}, {transform_indices = #map1}, {transform_indices = #map1}, {transform_indices = #map1}]} {
    %mul3A = arith.constant 2 : i32
    %mul3A_0 = arith.muli %arg1, %mul3A : i32
    %add3A = arith.addi %mul3A_0, %arg0 : i32
    %mul3A_1 = arith.constant 7936 : i32
    %mul3A_2 = arith.muli %add3A, %mul3A_1 : i32
    %mul3A_3 = arith.constant 15632 : i32
    %mul3A_4 = arith.muli %add3A, %mul3A_3 : i32
    %iota3A = tpu.iota {dimensions = array<i32: 0>} : vector<16xi32>
    %scan3A = arith.constant 0 : i32
    %scan3A_5 = arith.constant 0 : i32
    %scan3A_6 = arith.constant 977 : i32
    %scan3A_7 = arith.addi %scan3A_5, %scan3A_6 : i32
    %scan3A_8 = arith.constant 1 : i32
    %scan3A_9 = scf.for %scan3A_116 = %scan3A_5 to %scan3A_7 step %scan3A_8 iter_args(%scan3A_117 = %scan3A) -> (i32)  : i32 {
      %broadcast_in_dim3A_118 = arith.constant -1 : i32
      %broadcast_in_dim3A_119 = vector.broadcast %broadcast_in_dim3A_118 : i32 to vector<16xi32>
      %mul3A_120 = arith.constant 16 : i32
      %mul3A_121 = arith.muli %scan3A_116, %mul3A_120 : i32
      %swap3A_122 = arith.index_cast %mul3A_121 : i32 to index
      %swap3A_123 = tpu.vector_load %arg15[%swap3A_122] {strides = array<i32>} : memref<15632xi32, #tpu.memory_space<vmem>>, vector<16xi32>,
      tpu.vector_store %arg15[%swap3A_122], %broadcast_in_dim3A_119 {strides = array<i32>} : memref<15632xi32, #tpu.memory_space<vmem>>, vector<16xi32>,
      %scan3A_124 = arith.constant 0 : i32
      scf.yield %scan3A_124 : i32
    }
    %scan3A_10 = arith.constant 977 : i32
    "tpu.region"() ({
      %run_scoped3A = tpu.sem_alloc : memref<!tpu.dma_semaphore, #tpu.memory_space<semaphore_mem>>
      %dma_start3A_116 = tpu.memref_slice %arg4[%mul3A_2] : memref<253952xi32, #tpu.memory_space<hbm>> -> memref<7936xi32, #tpu.memory_space<hbm>>
      %dma_start3A_117 = tpu.memref_slice %arg4[%mul3A_2] : memref<253952xi32, #tpu.memory_space<hbm>> -> memref<7936xi32, #tpu.memory_space<hbm>>
      tpu.enqueue_dma source(%dma_start3A_117 : memref<7936xi32, #tpu.memory_space<hbm>>) target(%arg11 : memref<7936xi32, #tpu.memory_space<vmem>>) target_semaphore(%run_scoped3A : memref<!tpu.dma_semaphore, #tpu.memory_space<semaphore_mem>>)
      %dma_wait3A_118 = tpu.memref_slice %arg4[%mul3A_2] : memref<253952xi32, #tpu.memory_space<hbm>> -> memref<7936xi32, #tpu.memory_space<hbm>>
      %dma_wait3A_119 = tpu.memref_slice %arg4[%mul3A_2] : memref<253952xi32, #tpu.memory_space<hbm>> -> memref<7936xi32, #tpu.memory_space<hbm>>
      tpu.wait_dma2 semaphore(%run_scoped3A : memref<!tpu.dma_semaphore, #tpu.memory_space<semaphore_mem>>) src(%dma_wait3A_119 : memref<7936xi32, #tpu.memory_space<hbm>>) dst(%arg11 : memref<7936xi32, #tpu.memory_space<vmem>>)
      tpu.yield
    }) : () -> ()
    "tpu.region"() ({
      %run_scoped3A = tpu.sem_alloc : memref<!tpu.dma_semaphore, #tpu.memory_space<semaphore_mem>>
      %dma_start3A_116 = tpu.memref_slice %arg5[%mul3A_2] : memref<253952xi32, #tpu.memory_space<hbm>> -> memref<7936xi32, #tpu.memory_space<hbm>>
      %dma_start3A_117 = tpu.memref_slice %arg5[%mul3A_2] : memref<253952xi32, #tpu.memory_space<hbm>> -> memref<7936xi32, #tpu.memory_space<hbm>>
      tpu.enqueue_dma source(%dma_start3A_117 : memref<7936xi32, #tpu.memory_space<hbm>>) target(%arg12 : memref<7936xi32, #tpu.memory_space<vmem>>) target_semaphore(%run_scoped3A : memref<!tpu.dma_semaphore, #tpu.memory_space<semaphore_mem>>)
      %dma_wait3A_118 = tpu.memref_slice %arg5[%mul3A_2] : memref<253952xi32, #tpu.memory_space<hbm>> -> memref<7936xi32, #tpu.memory_space<hbm>>
      %dma_wait3A_119 = tpu.memref_slice %arg5[%mul3A_2] : memref<253952xi32, #tpu.memory_space<hbm>> -> memref<7936xi32, #tpu.memory_space<hbm>>
      tpu.wait_dma2 semaphore(%run_scoped3A : memref<!tpu.dma_semaphore, #tpu.memory_space<semaphore_mem>>) src(%dma_wait3A_119 : memref<7936xi32, #tpu.memory_space<hbm>>) dst(%arg12 : memref<7936xi32, #tpu.memory_space<vmem>>)
      tpu.yield
    }) : () -> ()
    %dma_start3A = arith.constant 0 : i32
    %dma_start3A_11 = arith.constant 0 : i32
    %dma_start3A_12 = tpu.memref_slice %arg4[%dma_start3A_11] : memref<253952xi32, #tpu.memory_space<hbm>> -> memref<2048xi32, #tpu.memory_space<hbm>>
    %dma_start3A_13 = tpu.memref_slice %arg22[%dma_start3A] : memref<2x!tpu.dma_semaphore, #tpu.memory_space<semaphore_mem>> -> memref<1x!tpu.dma_semaphore, #tpu.memory_space<semaphore_mem>>
    %dma_start3A_14 = tpu.memref_squeeze %dma_start3A_13 : memref<1x!tpu.dma_semaphore, #tpu.memory_space<semaphore_mem>> -> memref<!tpu.dma_semaphore, #tpu.memory_space<semaphore_mem>>
    %dma_start3A_15 = arith.constant 0 : i32
    %dma_start3A_16 = tpu.memref_slice %arg4[%dma_start3A_15] : memref<253952xi32, #tpu.memory_space<hbm>> -> memref<2048xi32, #tpu.memory_space<hbm>>
    tpu.enqueue_dma source(%dma_start3A_16 : memref<2048xi32, #tpu.memory_space<hbm>>) target(%arg13 : memref<2048xi32, #tpu.memory_space<vmem>>) target_semaphore(%dma_start3A_14 : memref<!tpu.dma_semaphore, #tpu.memory_space<semaphore_mem>>)
    %dma_start3A_17 = arith.constant 1 : i32
    %dma_start3A_18 = arith.constant 2048 : i32
    %dma_start3A_19 = tpu.memref_slice %arg4[%dma_start3A_18] : memref<253952xi32, #tpu.memory_space<hbm>> -> memref<2048xi32, #tpu.memory_space<hbm>>
    %dma_start3A_20 = tpu.memref_slice %arg22[%dma_start3A_17] : memref<2x!tpu.dma_semaphore, #tpu.memory_space<semaphore_mem>> -> memref<1x!tpu.dma_semaphore, #tpu.memory_space<semaphore_mem>>
    %dma_start3A_21 = tpu.memref_squeeze %dma_start3A_20 : memref<1x!tpu.dma_semaphore, #tpu.memory_space<semaphore_mem>> -> memref<!tpu.dma_semaphore, #tpu.memory_space<semaphore_mem>>
    %dma_start3A_22 = arith.constant 2048 : i32
    %dma_start3A_23 = tpu.memref_slice %arg4[%dma_start3A_22] : memref<253952xi32, #tpu.memory_space<hbm>> -> memref<2048xi32, #tpu.memory_space<hbm>>
    tpu.enqueue_dma source(%dma_start3A_23 : memref<2048xi32, #tpu.memory_space<hbm>>) target(%arg14 : memref<2048xi32, #tpu.memory_space<vmem>>) target_semaphore(%dma_start3A_21 : memref<!tpu.dma_semaphore, #tpu.memory_space<semaphore_mem>>)
    %scan3A_24 = arith.constant 0 : i32
    %scan3A_25 = arith.constant 0 : i32
    %scan3A_26 = arith.constant 62 : i32
    %scan3A_27 = arith.addi %scan3A_25, %scan3A_26 : i32
    %scan3A_28 = arith.constant 1 : i32
    %scan3A_29 = scf.for %scan3A_116 = %scan3A_25 to %scan3A_27 step %scan3A_28 iter_args(%scan3A_117 = %scan3A_24) -> (i32)  : i32 {
      %mul3A_118 = arith.constant 2 : i32
      %mul3A_119 = arith.muli %mul3A_118, %scan3A_116 : i32
      %add3A_120 = arith.constant 0 : i32
      %add3A_121 = arith.addi %mul3A_119, %add3A_120 : i32
      %mul3A_122 = arith.constant 2048 : i32
      %mul3A_123 = arith.muli %add3A_121, %mul3A_122 : i32
      %dma_wait3A_124 = arith.constant 0 : i32
      %dma_wait3A_125 = tpu.memref_slice %arg4[%mul3A_123] : memref<253952xi32, #tpu.memory_space<hbm>> -> memref<2048xi32, #tpu.memory_space<hbm>>
      %dma_wait3A_126 = tpu.memref_slice %arg22[%dma_wait3A_124] : memref<2x!tpu.dma_semaphore, #tpu.memory_space<semaphore_mem>> -> memref<1x!tpu.dma_semaphore, #tpu.memory_space<semaphore_mem>>
      %dma_wait3A_127 = tpu.memref_squeeze %dma_wait3A_126 : memref<1x!tpu.dma_semaphore, #tpu.memory_space<semaphore_mem>> -> memref<!tpu.dma_semaphore, #tpu.memory_space<semaphore_mem>>
      %dma_wait3A_128 = tpu.memref_slice %arg4[%mul3A_123] : memref<253952xi32, #tpu.memory_space<hbm>> -> memref<2048xi32, #tpu.memory_space<hbm>>
      tpu.wait_dma2 semaphore(%dma_wait3A_127 : memref<!tpu.dma_semaphore, #tpu.memory_space<semaphore_mem>>) src(%dma_wait3A_128 : memref<2048xi32, #tpu.memory_space<hbm>>) dst(%arg13 : memref<2048xi32, #tpu.memory_space<vmem>>)
      %ge3A = arith.constant 1 : i32
      %ge3A_129 = arith.cmpi sge, %scan3A_116, %ge3A : i32
      %convert_element_type3A_130 = arith.extui %ge3A_129 : i1 to i32
      %cond3A_131 = arith.constant 0 : i32
      %cond3A_132 = arith.cmpi ne, %convert_element_type3A_130, %cond3A_131 : i32
      scf.if %cond3A_132 {
        %sub3A_259 = arith.constant 2 : i32
        %sub3A_260 = arith.subi %add3A_121, %sub3A_259 : i32
        %mul3A_261 = arith.constant 64 : i32
        %mul3A_262 = arith.muli %sub3A_260, %mul3A_261 : i32
        %add3A_263 = arith.addi %mul3A_2, %mul3A_262 : i32
        %dma_wait3A_264 = arith.constant 0 : i32
        %dma_wait3A_265 = arith.constant 0 : i32
        %dma_wait3A_266 = tpu.memref_slice %arg6[%add3A_263, %dma_wait3A_265] : memref<253952x128xf32, #tpu.memory_space<hbm>> -> memref<64x128xf32, #tpu.memory_space<hbm>>
        %dma_wait3A_267 = tpu.memref_slice %arg25[%dma_wait3A_264] : memref<2x!tpu.dma_semaphore, #tpu.memory_space<semaphore_mem>> -> memref<1x!tpu.dma_semaphore, #tpu.memory_space<semaphore_mem>>
        %dma_wait3A_268 = tpu.memref_squeeze %dma_wait3A_267 : memref<1x!tpu.dma_semaphore, #tpu.memory_space<semaphore_mem>> -> memref<!tpu.dma_semaphore, #tpu.memory_space<semaphore_mem>>
        %dma_wait3A_269 = arith.constant 0 : i32
        %dma_wait3A_270 = tpu.memref_slice %arg6[%add3A_263, %dma_wait3A_269] : memref<253952x128xf32, #tpu.memory_space<hbm>> -> memref<64x128xf32, #tpu.memory_space<hbm>>
        tpu.wait_dma2 semaphore(%dma_wait3A_268 : memref<!tpu.dma_semaphore, #tpu.memory_space<semaphore_mem>>) src(%arg16 : memref<64x128xf32, #tpu.memory_space<vmem>>) dst(%dma_wait3A_270 : memref<64x128xf32, #tpu.memory_space<hbm>>)
        %mul3A_271 = arith.constant 64 : i32
        %mul3A_272 = arith.muli %sub3A_260, %mul3A_271 : i32
        %add3A_273 = arith.addi %mul3A_2, %mul3A_272 : i32
        %dma_wait3A_274 = arith.constant 0 : i32
        %dma_wait3A_275 = arith.constant 0 : i32
        %dma_wait3A_276 = tpu.memref_slice %arg7[%add3A_273, %dma_wait3A_275] : memref<253952x128xf32, #tpu.memory_space<hbm>> -> memref<64x128xf32, #tpu.memory_space<hbm>>
        %dma_wait3A_277 = tpu.memref_slice %arg26[%dma_wait3A_274] : memref<2x!tpu.dma_semaphore, #tpu.memory_space<semaphore_mem>> -> memref<1x!tpu.dma_semaphore, #tpu.memory_space<semaphore_mem>>
        %dma_wait3A_278 = tpu.memref_squeeze %dma_wait3A_277 : memref<1x!tpu.dma_semaphore, #tpu.memory_space<semaphore_mem>> -> memref<!tpu.dma_semaphore, #tpu.memory_space<semaphore_mem>>
        %dma_wait3A_279 = arith.constant 0 : i32
        %dma_wait3A_280 = tpu.memref_slice %arg7[%add3A_273, %dma_wait3A_279] : memref<253952x128xf32, #tpu.memory_space<hbm>> -> memref<64x128xf32, #tpu.memory_space<hbm>>
        tpu.wait_dma2 semaphore(%dma_wait3A_278 : memref<!tpu.dma_semaphore, #tpu.memory_space<semaphore_mem>>) src(%arg18 : memref<64x128xf32, #tpu.memory_space<vmem>>) dst(%dma_wait3A_280 : memref<64x128xf32, #tpu.memory_space<hbm>>)
      } else {
      }
      %mul3A_133 = arith.constant 64 : i32
      %mul3A_134 = arith.muli %add3A_121, %mul3A_133 : i32
      %dma_start3A_135 = arith.constant 0 : i32
      %dma_start3A_136 = tpu.memref_slice %arg11[%mul3A_134] : memref<7936xi32, #tpu.memory_space<vmem>> -> memref<64xi32, #tpu.memory_space<vmem>>
      %dma_start3A_137 = arith.constant 0 : i32
      %dma_start3A_138 = arith.constant 0 : i32
      %dma_start3A_139 = tpu.memref_slice %arg2[%dma_start3A_137, %dma_start3A_138] : memref<500000x128xf32, #tpu.memory_space<hbm>> -> memref<500000x128xf32, #tpu.memory_space<hbm>>
      %dma_start3A_140 = tpu.memref_slice %arg23[%dma_start3A_135] : memref<2x!tpu.dma_semaphore, #tpu.memory_space<semaphore_mem>> -> memref<1x!tpu.dma_semaphore, #tpu.memory_space<semaphore_mem>>
      %dma_start3A_141 = tpu.memref_squeeze %dma_start3A_140 : memref<1x!tpu.dma_semaphore, #tpu.memory_space<semaphore_mem>> -> memref<!tpu.dma_semaphore, #tpu.memory_space<semaphore_mem>>
      tpu.enqueue_indirect_dma source(%dma_start3A_139 : memref<500000x128xf32, #tpu.memory_space<hbm>>) target(%arg16 : memref<64x128xf32, #tpu.memory_space<vmem>>) offsets(%dma_start3A_136 : memref<64xi32, #tpu.memory_space<vmem>>) semaphore(%dma_start3A_141 : memref<!tpu.dma_semaphore, #tpu.memory_space<semaphore_mem>>)
      %mul3A_142 = arith.constant 64 : i32
      %mul3A_143 = arith.muli %add3A_121, %mul3A_142 : i32
      %dma_start3A_144 = arith.constant 0 : i32
      %dma_start3A_145 = tpu.memref_slice %arg12[%mul3A_143] : memref<7936xi32, #tpu.memory_space<vmem>> -> memref<64xi32, #tpu.memory_space<vmem>>
      %dma_start3A_146 = arith.constant 0 : i32
      %dma_start3A_147 = arith.constant 0 : i32
      %dma_start3A_148 = tpu.memref_slice %arg3[%dma_start3A_146, %dma_start3A_147] : memref<65536x128xf32, #tpu.memory_space<hbm>> -> memref<65536x128xf32, #tpu.memory_space<hbm>>
      %dma_start3A_149 = tpu.memref_slice %arg24[%dma_start3A_144] : memref<2x!tpu.dma_semaphore, #tpu.memory_space<semaphore_mem>> -> memref<1x!tpu.dma_semaphore, #tpu.memory_space<semaphore_mem>>
      %dma_start3A_150 = tpu.memref_squeeze %dma_start3A_149 : memref<1x!tpu.dma_semaphore, #tpu.memory_space<semaphore_mem>> -> memref<!tpu.dma_semaphore, #tpu.memory_space<semaphore_mem>>
      tpu.enqueue_indirect_dma source(%dma_start3A_148 : memref<65536x128xf32, #tpu.memory_space<hbm>>) target(%arg18 : memref<64x128xf32, #tpu.memory_space<vmem>>) offsets(%dma_start3A_145 : memref<64xi32, #tpu.memory_space<vmem>>) semaphore(%dma_start3A_150 : memref<!tpu.dma_semaphore, #tpu.memory_space<semaphore_mem>>)
      %scan3A_151 = arith.constant 0 : i32
      %scan3A_152 = arith.constant 0 : i32
      %scan3A_153 = arith.constant 32 : i32
      %scan3A_154 = arith.addi %scan3A_152, %scan3A_153 : i32
      %scan3A_155 = arith.constant 1 : i32
      %scan3A_156 = scf.for %scan3A_259 = %scan3A_152 to %scan3A_154 step %scan3A_155 iter_args(%scan3A_260 = %scan3A_151) -> (i32)  : i32 {
        %mul3A_261 = arith.constant 4 : i32
        %mul3A_262 = arith.muli %scan3A_259, %mul3A_261 : i32
        %add3A_263 = arith.constant 0 : i32
        %add3A_264 = arith.addi %mul3A_262, %add3A_263 : i32
        %mul3A_265 = arith.constant 16 : i32
        %mul3A_266 = arith.muli %add3A_264, %mul3A_265 : i32
        %get3A = arith.index_cast %mul3A_266 : i32 to index
        %get3A_267 = tpu.vector_load %arg13[%get3A] {strides = array<i32>} : memref<2048xi32, #tpu.memory_space<vmem>>, vector<16xi32>,
        %mul3A_268 = arith.constant 2048 : i32
        %mul3A_269 = arith.muli %add3A_121, %mul3A_268 : i32
        %mul3A_270 = arith.constant 16 : i32
        %mul3A_271 = arith.muli %add3A_264, %mul3A_270 : i32
        %add3A_272 = arith.addi %mul3A_269, %mul3A_271 : i32
        %add3A_273 = vector.broadcast %add3A_272 : i32 to vector<16xi32>
        %add3A_274 = arith.addi %add3A_273, %iota3A : vector<16xi32>
        %sub3A_275 = vector.broadcast %mul3A_4 : i32 to vector<16xi32>
        %sub3A_276 = arith.subi %get3A_267, %sub3A_275 : vector<16xi32>
        %ge3A_277 = arith.constant 0 : i32
        %ge3A_278 = vector.broadcast %ge3A_277 : i32 to vector<16xi32>
        %ge3A_279 = arith.cmpi sge, %sub3A_276, %ge3A_278 : vector<16xi32>
        %lt3A_280 = arith.constant 15632 : i32
        %lt3A_281 = vector.broadcast %lt3A_280 : i32 to vector<16xi32>
        %lt3A_282 = arith.cmpi slt, %sub3A_276, %lt3A_281 : vector<16xi32>
        %and3A = arith.andi %ge3A_279, %lt3A_282 : vector<16xi1>
        %lt3A_283 = arith.constant 250000 : i32
        %lt3A_284 = vector.broadcast %lt3A_283 : i32 to vector<16xi32>
        %lt3A_285 = arith.cmpi slt, %add3A_274, %lt3A_284 : vector<16xi32>
        %and3A_286 = arith.andi %and3A, %lt3A_285 : vector<16xi1>
        tpu.vector_store_idx %arg15[%sub3A_276], %add3A_274 masked %and3A_286 : memref<15632xi32, #tpu.memory_space<vmem>>[vector<16xi32>], vector<16xi32>, vector<16xi1>
        %mul3A_287 = arith.constant 4 : i32
        %mul3A_288 = arith.muli %scan3A_259, %mul3A_287 : i32
        %add3A_289 = arith.constant 1 : i32
        %add3A_290 = arith.addi %mul3A_288, %add3A_289 : i32
        %mul3A_291 = arith.constant 16 : i32
        %mul3A_292 = arith.muli %add3A_290, %mul3A_291 : i32
        %get3A_293 = arith.index_cast %mul3A_292 : i32 to index
        %get3A_294 = tpu.vector_load %arg13[%get3A_293] {strides = array<i32>} : memref<2048xi32, #tpu.memory_space<vmem>>, vector<16xi32>,
        %mul3A_295 = arith.constant 2048 : i32
        %mul3A_296 = arith.muli %add3A_121, %mul3A_295 : i32
        %mul3A_297 = arith.constant 16 : i32
        %mul3A_298 = arith.muli %add3A_290, %mul3A_297 : i32
        %add3A_299 = arith.addi %mul3A_296, %mul3A_298 : i32
        %add3A_300 = vector.broadcast %add3A_299 : i32 to vector<16xi32>
        %add3A_301 = arith.addi %add3A_300, %iota3A : vector<16xi32>
        %sub3A_302 = vector.broadcast %mul3A_4 : i32 to vector<16xi32>
        %sub3A_303 = arith.subi %get3A_294, %sub3A_302 : vector<16xi32>
        %ge3A_304 = arith.constant 0 : i32
        %ge3A_305 = vector.broadcast %ge3A_304 : i32 to vector<16xi32>
        %ge3A_306 = arith.cmpi sge, %sub3A_303, %ge3A_305 : vector<16xi32>
        %lt3A_307 = arith.constant 15632 : i32
        %lt3A_308 = vector.broadcast %lt3A_307 : i32 to vector<16xi32>
        %lt3A_309 = arith.cmpi slt, %sub3A_303, %lt3A_308 : vector<16xi32>
        %and3A_310 = arith.andi %ge3A_306, %lt3A_309 : vector<16xi1>
        %lt3A_311 = arith.constant 250000 : i32
        %lt3A_312 = vector.broadcast %lt3A_311 : i32 to vector<16xi32>
        %lt3A_313 = arith.cmpi slt, %add3A_301, %lt3A_312 : vector<16xi32>
        %and3A_314 = arith.andi %and3A_310, %lt3A_313 : vector<16xi1>
        tpu.vector_store_idx %arg15[%sub3A_303], %add3A_301 masked %and3A_314 : memref<15632xi32, #tpu.memory_space<vmem>>[vector<16xi32>], vector<16xi32>, vector<16xi1>
        %mul3A_315 = arith.constant 4 : i32
        %mul3A_316 = arith.muli %scan3A_259, %mul3A_315 : i32
        %add3A_317 = arith.constant 2 : i32
        %add3A_318 = arith.addi %mul3A_316, %add3A_317 : i32
        %mul3A_319 = arith.constant 16 : i32
        %mul3A_320 = arith.muli %add3A_318, %mul3A_319 : i32
        %get3A_321 = arith.index_cast %mul3A_320 : i32 to index
        %get3A_322 = tpu.vector_load %arg13[%get3A_321] {strides = array<i32>} : memref<2048xi32, #tpu.memory_space<vmem>>, vector<16xi32>,
        %mul3A_323 = arith.constant 2048 : i32
        %mul3A_324 = arith.muli %add3A_121, %mul3A_323 : i32
        %mul3A_325 = arith.constant 16 : i32
        %mul3A_326 = arith.muli %add3A_318, %mul3A_325 : i32
        %add3A_327 = arith.addi %mul3A_324, %mul3A_326 : i32
        %add3A_328 = vector.broadcast %add3A_327 : i32 to vector<16xi32>
        %add3A_329 = arith.addi %add3A_328, %iota3A : vector<16xi32>
        %sub3A_330 = vector.broadcast %mul3A_4 : i32 to vector<16xi32>
        %sub3A_331 = arith.subi %get3A_322, %sub3A_330 : vector<16xi32>
        %ge3A_332 = arith.constant 0 : i32
        %ge3A_333 = vector.broadcast %ge3A_332 : i32 to vector<16xi32>
        %ge3A_334 = arith.cmpi sge, %sub3A_331, %ge3A_333 : vector<16xi32>
        %lt3A_335 = arith.constant 15632 : i32
        %lt3A_336 = vector.broadcast %lt3A_335 : i32 to vector<16xi32>
        %lt3A_337 = arith.cmpi slt, %sub3A_331, %lt3A_336 : vector<16xi32>
        %and3A_338 = arith.andi %ge3A_334, %lt3A_337 : vector<16xi1>
        %lt3A_339 = arith.constant 250000 : i32
        %lt3A_340 = vector.broadcast %lt3A_339 : i32 to vector<16xi32>
        %lt3A_341 = arith.cmpi slt, %add3A_329, %lt3A_340 : vector<16xi32>
        %and3A_342 = arith.andi %and3A_338, %lt3A_341 : vector<16xi1>
        tpu.vector_store_idx %arg15[%sub3A_331], %add3A_329 masked %and3A_342 : memref<15632xi32, #tpu.memory_space<vmem>>[vector<16xi32>], vector<16xi32>, vector<16xi1>
        %mul3A_343 = arith.constant 4 : i32
        %mul3A_344 = arith.muli %scan3A_259, %mul3A_343 : i32
        %add3A_345 = arith.constant 3 : i32
        %add3A_346 = arith.addi %mul3A_344, %add3A_345 : i32
        %mul3A_347 = arith.constant 16 : i32
        %mul3A_348 = arith.muli %add3A_346, %mul3A_347 : i32
        %get3A_349 = arith.index_cast %mul3A_348 : i32 to index
        %get3A_350 = tpu.vector_load %arg13[%get3A_349] {strides = array<i32>} : memref<2048xi32, #tpu.memory_space<vmem>>, vector<16xi32>,
        %mul3A_351 = arith.constant 2048 : i32
        %mul3A_352 = arith.muli %add3A_121, %mul3A_351 : i32
        %mul3A_353 = arith.constant 16 : i32
        %mul3A_354 = arith.muli %add3A_346, %mul3A_353 : i32
        %add3A_355 = arith.addi %mul3A_352, %mul3A_354 : i32
        %add3A_356 = vector.broadcast %add3A_355 : i32 to vector<16xi32>
        %add3A_357 = arith.addi %add3A_356, %iota3A : vector<16xi32>
        %sub3A_358 = vector.broadcast %mul3A_4 : i32 to vector<16xi32>
        %sub3A_359 = arith.subi %get3A_350, %sub3A_358 : vector<16xi32>
        %ge3A_360 = arith.constant 0 : i32
        %ge3A_361 = vector.broadcast %ge3A_360 : i32 to vector<16xi32>
        %ge3A_362 = arith.cmpi sge, %sub3A_359, %ge3A_361 : vector<16xi32>
        %lt3A_363 = arith.constant 15632 : i32
        %lt3A_364 = vector.broadcast %lt3A_363 : i32 to vector<16xi32>
        %lt3A_365 = arith.cmpi slt, %sub3A_359, %lt3A_364 : vector<16xi32>
        %and3A_366 = arith.andi %ge3A_362, %lt3A_365 : vector<16xi1>
        %lt3A_367 = arith.constant 250000 : i32
        %lt3A_368 = vector.broadcast %lt3A_367 : i32 to vector<16xi32>
        %lt3A_369 = arith.cmpi slt, %add3A_357, %lt3A_368 : vector<16xi32>
        %and3A_370 = arith.andi %and3A_366, %lt3A_369 : vector<16xi1>
        tpu.vector_store_idx %arg15[%sub3A_359], %add3A_357 masked %and3A_370 : memref<15632xi32, #tpu.memory_space<vmem>>[vector<16xi32>], vector<16xi32>, vector<16xi1>
        %scan3A_371 = arith.constant 0 : i32
        scf.yield %scan3A_371 : i32
      }
      %scan3A_157 = arith.constant 32 : i32
      %add3A_158 = arith.constant 2 : i32
      %add3A_159 = arith.addi %add3A_121, %add3A_158 : i32
      %lt3A = arith.constant 124 : i32
      %lt3A_160 = arith.cmpi slt, %add3A_159, %lt3A : i32
      %convert_element_type3A_161 = arith.extui %lt3A_160 : i1 to i32
      %cond3A_162 = arith.constant 0 : i32
      %cond3A_163 = arith.cmpi ne, %convert_element_type3A_161, %cond3A_162 : i32
      scf.if %cond3A_163 {
        %add3A_259 = arith.constant 2 : i32
        %add3A_260 = arith.addi %add3A_121, %add3A_259 : i32
        %mul3A_261 = arith.constant 2048 : i32
        %mul3A_262 = arith.muli %add3A_260, %mul3A_261 : i32
        %dma_start3A_263 = arith.constant 0 : i32
        %dma_start3A_264 = tpu.memref_slice %arg4[%mul3A_262] : memref<253952xi32, #tpu.memory_space<hbm>> -> memref<2048xi32, #tpu.memory_space<hbm>>
        %dma_start3A_265 = tpu.memref_slice %arg22[%dma_start3A_263] : memref<2x!tpu.dma_semaphore, #tpu.memory_space<semaphore_mem>> -> memref<1x!tpu.dma_semaphore, #tpu.memory_space<semaphore_mem>>
        %dma_start3A_266 = tpu.memref_squeeze %dma_start3A_265 : memref<1x!tpu.dma_semaphore, #tpu.memory_space<semaphore_mem>> -> memref<!tpu.dma_semaphore, #tpu.memory_space<semaphore_mem>>
        %dma_start3A_267 = tpu.memref_slice %arg4[%mul3A_262] : memref<253952xi32, #tpu.memory_space<hbm>> -> memref<2048xi32, #tpu.memory_space<hbm>>
        tpu.enqueue_dma source(%dma_start3A_267 : memref<2048xi32, #tpu.memory_space<hbm>>) target(%arg13 : memref<2048xi32, #tpu.memory_space<vmem>>) target_semaphore(%dma_start3A_266 : memref<!tpu.dma_semaphore, #tpu.memory_space<semaphore_mem>>)
      } else {
      }
      %ge3A_164 = arith.constant 1 : i32
      %ge3A_165 = arith.cmpi sge, %scan3A_116, %ge3A_164 : i32
      %convert_element_type3A_166 = arith.extui %ge3A_165 : i1 to i32
      %cond3A_167 = arith.constant 0 : i32
      %cond3A_168 = arith.cmpi ne, %convert_element_type3A_166, %cond3A_167 : i32
      scf.if %cond3A_168 {
        %sub3A_259 = arith.constant 1 : i32
        %sub3A_260 = arith.subi %add3A_121, %sub3A_259 : i32
        %mul3A_261 = arith.constant 64 : i32
        %mul3A_262 = arith.muli %sub3A_260, %mul3A_261 : i32
        %dma_wait3A_263 = arith.constant 1 : i32
        %dma_wait3A_264 = tpu.memref_slice %arg11[%mul3A_262] : memref<7936xi32, #tpu.memory_space<vmem>> -> memref<64xi32, #tpu.memory_space<vmem>>
        %dma_wait3A_265 = arith.constant 0 : i32
        %dma_wait3A_266 = arith.constant 0 : i32
        %dma_wait3A_267 = tpu.memref_slice %arg2[%dma_wait3A_265, %dma_wait3A_266] : memref<500000x128xf32, #tpu.memory_space<hbm>> -> memref<500000x128xf32, #tpu.memory_space<hbm>>
        %dma_wait3A_268 = tpu.memref_slice %arg23[%dma_wait3A_263] : memref<2x!tpu.dma_semaphore, #tpu.memory_space<semaphore_mem>> -> memref<1x!tpu.dma_semaphore, #tpu.memory_space<semaphore_mem>>
        %dma_wait3A_269 = tpu.memref_squeeze %dma_wait3A_268 : memref<1x!tpu.dma_semaphore, #tpu.memory_space<semaphore_mem>> -> memref<!tpu.dma_semaphore, #tpu.memory_space<semaphore_mem>>
        tpu.wait_indirect_dma semaphore(%dma_wait3A_269 : memref<!tpu.dma_semaphore, #tpu.memory_space<semaphore_mem>>) src(%dma_wait3A_267 : memref<500000x128xf32, #tpu.memory_space<hbm>>) dst(%arg17 : memref<64x128xf32, #tpu.memory_space<vmem>>)
        %mul3A_270 = arith.constant 64 : i32
        %mul3A_271 = arith.muli %sub3A_260, %mul3A_270 : i32
        %dma_wait3A_272 = arith.constant 1 : i32
        %dma_wait3A_273 = tpu.memref_slice %arg12[%mul3A_271] : memref<7936xi32, #tpu.memory_space<vmem>> -> memref<64xi32, #tpu.memory_space<vmem>>
        %dma_wait3A_274 = arith.constant 0 : i32
        %dma_wait3A_275 = arith.constant 0 : i32
        %dma_wait3A_276 = tpu.memref_slice %arg3[%dma_wait3A_274, %dma_wait3A_275] : memref<65536x128xf32, #tpu.memory_space<hbm>> -> memref<65536x128xf32, #tpu.memory_space<hbm>>
        %dma_wait3A_277 = tpu.memref_slice %arg24[%dma_wait3A_272] : memref<2x!tpu.dma_semaphore, #tpu.memory_space<semaphore_mem>> -> memref<1x!tpu.dma_semaphore, #tpu.memory_space<semaphore_mem>>
        %dma_wait3A_278 = tpu.memref_squeeze %dma_wait3A_277 : memref<1x!tpu.dma_semaphore, #tpu.memory_space<semaphore_mem>> -> memref<!tpu.dma_semaphore, #tpu.memory_space<semaphore_mem>>
        tpu.wait_indirect_dma semaphore(%dma_wait3A_278 : memref<!tpu.dma_semaphore, #tpu.memory_space<semaphore_mem>>) src(%dma_wait3A_276 : memref<65536x128xf32, #tpu.memory_space<hbm>>) dst(%arg19 : memref<64x128xf32, #tpu.memory_space<vmem>>)
        %sub3A_279 = arith.constant 1 : i32
        %sub3A_280 = arith.subi %add3A_121, %sub3A_279 : i32
        %mul3A_281 = arith.constant 64 : i32
        %mul3A_282 = arith.muli %sub3A_280, %mul3A_281 : i32
        %add3A_283 = arith.addi %mul3A_2, %mul3A_282 : i32
        %dma_start3A_284 = arith.constant 1 : i32
        %dma_start3A_285 = arith.constant 0 : i32
        %dma_start3A_286 = tpu.memref_slice %arg6[%add3A_283, %dma_start3A_285] : memref<253952x128xf32, #tpu.memory_space<hbm>> -> memref<64x128xf32, #tpu.memory_space<hbm>>
        %dma_start3A_287 = tpu.memref_slice %arg25[%dma_start3A_284] : memref<2x!tpu.dma_semaphore, #tpu.memory_space<semaphore_mem>> -> memref<1x!tpu.dma_semaphore, #tpu.memory_space<semaphore_mem>>
        %dma_start3A_288 = tpu.memref_squeeze %dma_start3A_287 : memref<1x!tpu.dma_semaphore, #tpu.memory_space<semaphore_mem>> -> memref<!tpu.dma_semaphore, #tpu.memory_space<semaphore_mem>>
        %dma_start3A_289 = arith.constant 0 : i32
        %dma_start3A_290 = tpu.memref_slice %arg6[%add3A_283, %dma_start3A_289] : memref<253952x128xf32, #tpu.memory_space<hbm>> -> memref<64x128xf32, #tpu.memory_space<hbm>>
        tpu.enqueue_dma source(%arg17 : memref<64x128xf32, #tpu.memory_space<vmem>>) target(%dma_start3A_290 : memref<64x128xf32, #tpu.memory_space<hbm>>) target_semaphore(%dma_start3A_288 : memref<!tpu.dma_semaphore, #tpu.memory_space<semaphore_mem>>)
        %mul3A_291 = arith.constant 64 : i32
        %mul3A_292 = arith.muli %sub3A_280, %mul3A_291 : i32
        %add3A_293 = arith.addi %mul3A_2, %mul3A_292 : i32
        %dma_start3A_294 = arith.constant 1 : i32
        %dma_start3A_295 = arith.constant 0 : i32
        %dma_start3A_296 = tpu.memref_slice %arg7[%add3A_293, %dma_start3A_295] : memref<253952x128xf32, #tpu.memory_space<hbm>> -> memref<64x128xf32, #tpu.memory_space<hbm>>
        %dma_start3A_297 = tpu.memref_slice %arg26[%dma_start3A_294] : memref<2x!tpu.dma_semaphore, #tpu.memory_space<semaphore_mem>> -> memref<1x!tpu.dma_semaphore, #tpu.memory_space<semaphore_mem>>
        %dma_start3A_298 = tpu.memref_squeeze %dma_start3A_297 : memref<1x!tpu.dma_semaphore, #tpu.memory_space<semaphore_mem>> -> memref<!tpu.dma_semaphore, #tpu.memory_space<semaphore_mem>>
        %dma_start3A_299 = arith.constant 0 : i32
        %dma_start3A_300 = tpu.memref_slice %arg7[%add3A_293, %dma_start3A_299] : memref<253952x128xf32, #tpu.memory_space<hbm>> -> memref<64x128xf32, #tpu.memory_space<hbm>>
        tpu.enqueue_dma source(%arg19 : memref<64x128xf32, #tpu.memory_space<vmem>>) target(%dma_start3A_300 : memref<64x128xf32, #tpu.memory_space<hbm>>) target_semaphore(%dma_start3A_298 : memref<!tpu.dma_semaphore, #tpu.memory_space<semaphore_mem>>)
      } else {
      }
      %mul3A_169 = arith.constant 2 : i32
      %mul3A_170 = arith.muli %mul3A_169, %scan3A_116 : i32
      %add3A_171 = arith.constant 1 : i32
      %add3A_172 = arith.addi %mul3A_170, %add3A_171 : i32
      %mul3A_173 = arith.constant 2048 : i32
      %mul3A_174 = arith.muli %add3A_172, %mul3A_173 : i32
      %dma_wait3A_175 = arith.constant 1 : i32
      %dma_wait3A_176 = tpu.memref_slice %arg4[%mul3A_174] : memref<253952xi32, #tpu.memory_space<hbm>> -> memref<2048xi32, #tpu.memory_space<hbm>>
      %dma_wait3A_177 = tpu.memref_slice %arg22[%dma_wait3A_175] : memref<2x!tpu.dma_semaphore, #tpu.memory_space<semaphore_mem>> -> memref<1x!tpu.dma_semaphore, #tpu.memory_space<semaphore_mem>>
      %dma_wait3A_178 = tpu.memref_squeeze %dma_wait3A_177 : memref<1x!tpu.dma_semaphore, #tpu.memory_space<semaphore_mem>> -> memref<!tpu.dma_semaphore, #tpu.memory_space<semaphore_mem>>
      %dma_wait3A_179 = tpu.memref_slice %arg4[%mul3A_174] : memref<253952xi32, #tpu.memory_space<hbm>> -> memref<2048xi32, #tpu.memory_space<hbm>>
      tpu.wait_dma2 semaphore(%dma_wait3A_178 : memref<!tpu.dma_semaphore, #tpu.memory_space<semaphore_mem>>) src(%dma_wait3A_179 : memref<2048xi32, #tpu.memory_space<hbm>>) dst(%arg14 : memref<2048xi32, #tpu.memory_space<vmem>>)
      %ge3A_180 = arith.constant 1 : i32
      %ge3A_181 = arith.cmpi sge, %scan3A_116, %ge3A_180 : i32
      %convert_element_type3A_182 = arith.extui %ge3A_181 : i1 to i32
      %cond3A_183 = arith.constant 0 : i32
      %cond3A_184 = arith.cmpi ne, %convert_element_type3A_182, %cond3A_183 : i32
      scf.if %cond3A_184 {
        %sub3A_259 = arith.constant 2 : i32
        %sub3A_260 = arith.subi %add3A_172, %sub3A_259 : i32
        %mul3A_261 = arith.constant 64 : i32
        %mul3A_262 = arith.muli %sub3A_260, %mul3A_261 : i32
        %add3A_263 = arith.addi %mul3A_2, %mul3A_262 : i32
        %dma_wait3A_264 = arith.constant 1 : i32
        %dma_wait3A_265 = arith.constant 0 : i32
        %dma_wait3A_266 = tpu.memref_slice %arg6[%add3A_263, %dma_wait3A_265] : memref<253952x128xf32, #tpu.memory_space<hbm>> -> memref<64x128xf32, #tpu.memory_space<hbm>>
        %dma_wait3A_267 = tpu.memref_slice %arg25[%dma_wait3A_264] : memref<2x!tpu.dma_semaphore, #tpu.memory_space<semaphore_mem>> -> memref<1x!tpu.dma_semaphore, #tpu.memory_space<semaphore_mem>>
        %dma_wait3A_268 = tpu.memref_squeeze %dma_wait3A_267 : memref<1x!tpu.dma_semaphore, #tpu.memory_space<semaphore_mem>> -> memref<!tpu.dma_semaphore, #tpu.memory_space<semaphore_mem>>
        %dma_wait3A_269 = arith.constant 0 : i32
        %dma_wait3A_270 = tpu.memref_slice %arg6[%add3A_263, %dma_wait3A_269] : memref<253952x128xf32, #tpu.memory_space<hbm>> -> memref<64x128xf32, #tpu.memory_space<hbm>>
        tpu.wait_dma2 semaphore(%dma_wait3A_268 : memref<!tpu.dma_semaphore, #tpu.memory_space<semaphore_mem>>) src(%arg17 : memref<64x128xf32, #tpu.memory_space<vmem>>) dst(%dma_wait3A_270 : memref<64x128xf32, #tpu.memory_space<hbm>>)
        %mul3A_271 = arith.constant 64 : i32
        %mul3A_272 = arith.muli %sub3A_260, %mul3A_271 : i32
        %add3A_273 = arith.addi %mul3A_2, %mul3A_272 : i32
        %dma_wait3A_274 = arith.constant 1 : i32
        %dma_wait3A_275 = arith.constant 0 : i32
        %dma_wait3A_276 = tpu.memref_slice %arg7[%add3A_273, %dma_wait3A_275] : memref<253952x128xf32, #tpu.memory_space<hbm>> -> memref<64x128xf32, #tpu.memory_space<hbm>>
        %dma_wait3A_277 = tpu.memref_slice %arg26[%dma_wait3A_274] : memref<2x!tpu.dma_semaphore, #tpu.memory_space<semaphore_mem>> -> memref<1x!tpu.dma_semaphore, #tpu.memory_space<semaphore_mem>>
        %dma_wait3A_278 = tpu.memref_squeeze %dma_wait3A_277 : memref<1x!tpu.dma_semaphore, #tpu.memory_space<semaphore_mem>> -> memref<!tpu.dma_semaphore, #tpu.memory_space<semaphore_mem>>
        %dma_wait3A_279 = arith.constant 0 : i32
        %dma_wait3A_280 = tpu.memref_slice %arg7[%add3A_273, %dma_wait3A_279] : memref<253952x128xf32, #tpu.memory_space<hbm>> -> memref<64x128xf32, #tpu.memory_space<hbm>>
        tpu.wait_dma2 semaphore(%dma_wait3A_278 : memref<!tpu.dma_semaphore, #tpu.memory_space<semaphore_mem>>) src(%arg19 : memref<64x128xf32, #tpu.memory_space<vmem>>) dst(%dma_wait3A_280 : memref<64x128xf32, #tpu.memory_space<hbm>>)
      } else {
      }
      %mul3A_185 = arith.constant 64 : i32
      %mul3A_186 = arith.muli %add3A_172, %mul3A_185 : i32
      %dma_start3A_187 = arith.constant 1 : i32
      %dma_start3A_188 = tpu.memref_slice %arg11[%mul3A_186] : memref<7936xi32, #tpu.memory_space<vmem>> -> memref<64xi32, #tpu.memory_space<vmem>>
      %dma_start3A_189 = arith.constant 0 : i32
      %dma_start3A_190 = arith.constant 0 : i32
      %dma_start3A_191 = tpu.memref_slice %arg2[%dma_start3A_189, %dma_start3A_190] : memref<500000x128xf32, #tpu.memory_space<hbm>> -> memref<500000x128xf32, #tpu.memory_space<hbm>>
      %dma_start3A_192 = tpu.memref_slice %arg23[%dma_start3A_187] : memref<2x!tpu.dma_semaphore, #tpu.memory_space<semaphore_mem>> -> memref<1x!tpu.dma_semaphore, #tpu.memory_space<semaphore_mem>>
      %dma_start3A_193 = tpu.memref_squeeze %dma_start3A_192 : memref<1x!tpu.dma_semaphore, #tpu.memory_space<semaphore_mem>> -> memref<!tpu.dma_semaphore, #tpu.memory_space<semaphore_mem>>
      tpu.enqueue_indirect_dma source(%dma_start3A_191 : memref<500000x128xf32, #tpu.memory_space<hbm>>) target(%arg17 : memref<64x128xf32, #tpu.memory_space<vmem>>) offsets(%dma_start3A_188 : memref<64xi32, #tpu.memory_space<vmem>>) semaphore(%dma_start3A_193 : memref<!tpu.dma_semaphore, #tpu.memory_space<semaphore_mem>>)
      %mul3A_194 = arith.constant 64 : i32
      %mul3A_195 = arith.muli %add3A_172, %mul3A_194 : i32
      %dma_start3A_196 = arith.constant 1 : i32
      %dma_start3A_197 = tpu.memref_slice %arg12[%mul3A_195] : memref<7936xi32, #tpu.memory_space<vmem>> -> memref<64xi32, #tpu.memory_space<vmem>>
      %dma_start3A_198 = arith.constant 0 : i32
      %dma_start3A_199 = arith.constant 0 : i32
      %dma_start3A_200 = tpu.memref_slice %arg3[%dma_start3A_198, %dma_start3A_199] : memref<65536x128xf32, #tpu.memory_space<hbm>> -> memref<65536x128xf32, #tpu.memory_space<hbm>>
      %dma_start3A_201 = tpu.memref_slice %arg24[%dma_start3A_196] : memref<2x!tpu.dma_semaphore, #tpu.memory_space<semaphore_mem>> -> memref<1x!tpu.dma_semaphore, #tpu.memory_space<semaphore_mem>>
      %dma_start3A_202 = tpu.memref_squeeze %dma_start3A_201 : memref<1x!tpu.dma_semaphore, #tpu.memory_space<semaphore_mem>> -> memref<!tpu.dma_semaphore, #tpu.memory_space<semaphore_mem>>
      tpu.enqueue_indirect_dma source(%dma_start3A_200 : memref<65536x128xf32, #tpu.memory_space<hbm>>) target(%arg19 : memref<64x128xf32, #tpu.memory_space<vmem>>) offsets(%dma_start3A_197 : memref<64xi32, #tpu.memory_space<vmem>>) semaphore(%dma_start3A_202 : memref<!tpu.dma_semaphore, #tpu.memory_space<semaphore_mem>>)
      %scan3A_203 = arith.constant 0 : i32
      %scan3A_204 = arith.constant 0 : i32
      %scan3A_205 = arith.constant 32 : i32
      %scan3A_206 = arith.addi %scan3A_204, %scan3A_205 : i32
      %scan3A_207 = arith.constant 1 : i32
      %scan3A_208 = scf.for %scan3A_259 = %scan3A_204 to %scan3A_206 step %scan3A_207 iter_args(%scan3A_260 = %scan3A_203) -> (i32)  : i32 {
        %mul3A_261 = arith.constant 4 : i32
        %mul3A_262 = arith.muli %scan3A_259, %mul3A_261 : i32
        %add3A_263 = arith.constant 0 : i32
        %add3A_264 = arith.addi %mul3A_262, %add3A_263 : i32
        %mul3A_265 = arith.constant 16 : i32
        %mul3A_266 = arith.muli %add3A_264, %mul3A_265 : i32
        %get3A = arith.index_cast %mul3A_266 : i32 to index
        %get3A_267 = tpu.vector_load %arg14[%get3A] {strides = array<i32>} : memref<2048xi32, #tpu.memory_space<vmem>>, vector<16xi32>,
        %mul3A_268 = arith.constant 2048 : i32
        %mul3A_269 = arith.muli %add3A_172, %mul3A_268 : i32
        %mul3A_270 = arith.constant 16 : i32
        %mul3A_271 = arith.muli %add3A_264, %mul3A_270 : i32
        %add3A_272 = arith.addi %mul3A_269, %mul3A_271 : i32
        %add3A_273 = vector.broadcast %add3A_272 : i32 to vector<16xi32>
        %add3A_274 = arith.addi %add3A_273, %iota3A : vector<16xi32>
        %sub3A_275 = vector.broadcast %mul3A_4 : i32 to vector<16xi32>
        %sub3A_276 = arith.subi %get3A_267, %sub3A_275 : vector<16xi32>
        %ge3A_277 = arith.constant 0 : i32
        %ge3A_278 = vector.broadcast %ge3A_277 : i32 to vector<16xi32>
        %ge3A_279 = arith.cmpi sge, %sub3A_276, %ge3A_278 : vector<16xi32>
        %lt3A_280 = arith.constant 15632 : i32
        %lt3A_281 = vector.broadcast %lt3A_280 : i32 to vector<16xi32>
        %lt3A_282 = arith.cmpi slt, %sub3A_276, %lt3A_281 : vector<16xi32>
        %and3A = arith.andi %ge3A_279, %lt3A_282 : vector<16xi1>
        %lt3A_283 = arith.constant 250000 : i32
        %lt3A_284 = vector.broadcast %lt3A_283 : i32 to vector<16xi32>
        %lt3A_285 = arith.cmpi slt, %add3A_274, %lt3A_284 : vector<16xi32>
        %and3A_286 = arith.andi %and3A, %lt3A_285 : vector<16xi1>
        tpu.vector_store_idx %arg15[%sub3A_276], %add3A_274 masked %and3A_286 : memref<15632xi32, #tpu.memory_space<vmem>>[vector<16xi32>], vector<16xi32>, vector<16xi1>
        %mul3A_287 = arith.constant 4 : i32
        %mul3A_288 = arith.muli %scan3A_259, %mul3A_287 : i32
        %add3A_289 = arith.constant 1 : i32
        %add3A_290 = arith.addi %mul3A_288, %add3A_289 : i32
        %mul3A_291 = arith.constant 16 : i32
        %mul3A_292 = arith.muli %add3A_290, %mul3A_291 : i32
        %get3A_293 = arith.index_cast %mul3A_292 : i32 to index
        %get3A_294 = tpu.vector_load %arg14[%get3A_293] {strides = array<i32>} : memref<2048xi32, #tpu.memory_space<vmem>>, vector<16xi32>,
        %mul3A_295 = arith.constant 2048 : i32
        %mul3A_296 = arith.muli %add3A_172, %mul3A_295 : i32
        %mul3A_297 = arith.constant 16 : i32
        %mul3A_298 = arith.muli %add3A_290, %mul3A_297 : i32
        %add3A_299 = arith.addi %mul3A_296, %mul3A_298 : i32
        %add3A_300 = vector.broadcast %add3A_299 : i32 to vector<16xi32>
        %add3A_301 = arith.addi %add3A_300, %iota3A : vector<16xi32>
        %sub3A_302 = vector.broadcast %mul3A_4 : i32 to vector<16xi32>
        %sub3A_303 = arith.subi %get3A_294, %sub3A_302 : vector<16xi32>
        %ge3A_304 = arith.constant 0 : i32
        %ge3A_305 = vector.broadcast %ge3A_304 : i32 to vector<16xi32>
        %ge3A_306 = arith.cmpi sge, %sub3A_303, %ge3A_305 : vector<16xi32>
        %lt3A_307 = arith.constant 15632 : i32
        %lt3A_308 = vector.broadcast %lt3A_307 : i32 to vector<16xi32>
        %lt3A_309 = arith.cmpi slt, %sub3A_303, %lt3A_308 : vector<16xi32>
        %and3A_310 = arith.andi %ge3A_306, %lt3A_309 : vector<16xi1>
        %lt3A_311 = arith.constant 250000 : i32
        %lt3A_312 = vector.broadcast %lt3A_311 : i32 to vector<16xi32>
        %lt3A_313 = arith.cmpi slt, %add3A_301, %lt3A_312 : vector<16xi32>
        %and3A_314 = arith.andi %and3A_310, %lt3A_313 : vector<16xi1>
        tpu.vector_store_idx %arg15[%sub3A_303], %add3A_301 masked %and3A_314 : memref<15632xi32, #tpu.memory_space<vmem>>[vector<16xi32>], vector<16xi32>, vector<16xi1>
        %mul3A_315 = arith.constant 4 : i32
        %mul3A_316 = arith.muli %scan3A_259, %mul3A_315 : i32
        %add3A_317 = arith.constant 2 : i32
        %add3A_318 = arith.addi %mul3A_316, %add3A_317 : i32
        %mul3A_319 = arith.constant 16 : i32
        %mul3A_320 = arith.muli %add3A_318, %mul3A_319 : i32
        %get3A_321 = arith.index_cast %mul3A_320 : i32 to index
        %get3A_322 = tpu.vector_load %arg14[%get3A_321] {strides = array<i32>} : memref<2048xi32, #tpu.memory_space<vmem>>, vector<16xi32>,
        %mul3A_323 = arith.constant 2048 : i32
        %mul3A_324 = arith.muli %add3A_172, %mul3A_323 : i32
        %mul3A_325 = arith.constant 16 : i32
        %mul3A_326 = arith.muli %add3A_318, %mul3A_325 : i32
        %add3A_327 = arith.addi %mul3A_324, %mul3A_326 : i32
        %add3A_328 = vector.broadcast %add3A_327 : i32 to vector<16xi32>
        %add3A_329 = arith.addi %add3A_328, %iota3A : vector<16xi32>
        %sub3A_330 = vector.broadcast %mul3A_4 : i32 to vector<16xi32>
        %sub3A_331 = arith.subi %get3A_322, %sub3A_330 : vector<16xi32>
        %ge3A_332 = arith.constant 0 : i32
        %ge3A_333 = vector.broadcast %ge3A_332 : i32 to vector<16xi32>
        %ge3A_334 = arith.cmpi sge, %sub3A_331, %ge3A_333 : vector<16xi32>
        %lt3A_335 = arith.constant 15632 : i32
        %lt3A_336 = vector.broadcast %lt3A_335 : i32 to vector<16xi32>
        %lt3A_337 = arith.cmpi slt, %sub3A_331, %lt3A_336 : vector<16xi32>
        %and3A_338 = arith.andi %ge3A_334, %lt3A_337 : vector<16xi1>
        %lt3A_339 = arith.constant 250000 : i32
        %lt3A_340 = vector.broadcast %lt3A_339 : i32 to vector<16xi32>
        %lt3A_341 = arith.cmpi slt, %add3A_329, %lt3A_340 : vector<16xi32>
        %and3A_342 = arith.andi %and3A_338, %lt3A_341 : vector<16xi1>
        tpu.vector_store_idx %arg15[%sub3A_331], %add3A_329 masked %and3A_342 : memref<15632xi32, #tpu.memory_space<vmem>>[vector<16xi32>], vector<16xi32>, vector<16xi1>
        %mul3A_343 = arith.constant 4 : i32
        %mul3A_344 = arith.muli %scan3A_259, %mul3A_343 : i32
        %add3A_345 = arith.constant 3 : i32
        %add3A_346 = arith.addi %mul3A_344, %add3A_345 : i32
        %mul3A_347 = arith.constant 16 : i32
        %mul3A_348 = arith.muli %add3A_346, %mul3A_347 : i32
        %get3A_349 = arith.index_cast %mul3A_348 : i32 to index
        %get3A_350 = tpu.vector_load %arg14[%get3A_349] {strides = array<i32>} : memref<2048xi32, #tpu.memory_space<vmem>>, vector<16xi32>,
        %mul3A_351 = arith.constant 2048 : i32
        %mul3A_352 = arith.muli %add3A_172, %mul3A_351 : i32
        %mul3A_353 = arith.constant 16 : i32
        %mul3A_354 = arith.muli %add3A_346, %mul3A_353 : i32
        %add3A_355 = arith.addi %mul3A_352, %mul3A_354 : i32
        %add3A_356 = vector.broadcast %add3A_355 : i32 to vector<16xi32>
        %add3A_357 = arith.addi %add3A_356, %iota3A : vector<16xi32>
        %sub3A_358 = vector.broadcast %mul3A_4 : i32 to vector<16xi32>
        %sub3A_359 = arith.subi %get3A_350, %sub3A_358 : vector<16xi32>
        %ge3A_360 = arith.constant 0 : i32
        %ge3A_361 = vector.broadcast %ge3A_360 : i32 to vector<16xi32>
        %ge3A_362 = arith.cmpi sge, %sub3A_359, %ge3A_361 : vector<16xi32>
        %lt3A_363 = arith.constant 15632 : i32
        %lt3A_364 = vector.broadcast %lt3A_363 : i32 to vector<16xi32>
        %lt3A_365 = arith.cmpi slt, %sub3A_359, %lt3A_364 : vector<16xi32>
        %and3A_366 = arith.andi %ge3A_362, %lt3A_365 : vector<16xi1>
        %lt3A_367 = arith.constant 250000 : i32
        %lt3A_368 = vector.broadcast %lt3A_367 : i32 to vector<16xi32>
        %lt3A_369 = arith.cmpi slt, %add3A_357, %lt3A_368 : vector<16xi32>
        %and3A_370 = arith.andi %and3A_366, %lt3A_369 : vector<16xi1>
        tpu.vector_store_idx %arg15[%sub3A_359], %add3A_357 masked %and3A_370 : memref<15632xi32, #tpu.memory_space<vmem>>[vector<16xi32>], vector<16xi32>, vector<16xi1>
        %scan3A_371 = arith.constant 0 : i32
        scf.yield %scan3A_371 : i32
      }
      %scan3A_209 = arith.constant 32 : i32
      %add3A_210 = arith.constant 2 : i32
      %add3A_211 = arith.addi %add3A_172, %add3A_210 : i32
      %lt3A_212 = arith.constant 124 : i32
      %lt3A_213 = arith.cmpi slt, %add3A_211, %lt3A_212 : i32
      %convert_element_type3A_214 = arith.extui %lt3A_213 : i1 to i32
      %cond3A_215 = arith.constant 0 : i32
      %cond3A_216 = arith.cmpi ne, %convert_element_type3A_214, %cond3A_215 : i32
      scf.if %cond3A_216 {
        %add3A_259 = arith.constant 2 : i32
        %add3A_260 = arith.addi %add3A_172, %add3A_259 : i32
        %mul3A_261 = arith.constant 2048 : i32
        %mul3A_262 = arith.muli %add3A_260, %mul3A_261 : i32
        %dma_start3A_263 = arith.constant 1 : i32
        %dma_start3A_264 = tpu.memref_slice %arg4[%mul3A_262] : memref<253952xi32, #tpu.memory_space<hbm>> -> memref<2048xi32, #tpu.memory_space<hbm>>
        %dma_start3A_265 = tpu.memref_slice %arg22[%dma_start3A_263] : memref<2x!tpu.dma_semaphore, #tpu.memory_space<semaphore_mem>> -> memref<1x!tpu.dma_semaphore, #tpu.memory_space<semaphore_mem>>
        %dma_start3A_266 = tpu.memref_squeeze %dma_start3A_265 : memref<1x!tpu.dma_semaphore, #tpu.memory_space<semaphore_mem>> -> memref<!tpu.dma_semaphore, #tpu.memory_space<semaphore_mem>>
        %dma_start3A_267 = tpu.memref_slice %arg4[%mul3A_262] : memref<253952xi32, #tpu.memory_space<hbm>> -> memref<2048xi32, #tpu.memory_space<hbm>>
        tpu.enqueue_dma source(%dma_start3A_267 : memref<2048xi32, #tpu.memory_space<hbm>>) target(%arg14 : memref<2048xi32, #tpu.memory_space<vmem>>) target_semaphore(%dma_start3A_266 : memref<!tpu.dma_semaphore, #tpu.memory_space<semaphore_mem>>)
      } else {
      }
      %sub3A = arith.constant 1 : i32
      %sub3A_217 = arith.subi %add3A_172, %sub3A : i32
      %mul3A_218 = arith.constant 64 : i32
      %mul3A_219 = arith.muli %sub3A_217, %mul3A_218 : i32
      %dma_wait3A_220 = arith.constant 0 : i32
      %dma_wait3A_221 = tpu.memref_slice %arg11[%mul3A_219] : memref<7936xi32, #tpu.memory_space<vmem>> -> memref<64xi32, #tpu.memory_space<vmem>>
      %dma_wait3A_222 = arith.constant 0 : i32
      %dma_wait3A_223 = arith.constant 0 : i32
      %dma_wait3A_224 = tpu.memref_slice %arg2[%dma_wait3A_222, %dma_wait3A_223] : memref<500000x128xf32, #tpu.memory_space<hbm>> -> memref<500000x128xf32, #tpu.memory_space<hbm>>
      %dma_wait3A_225 = tpu.memref_slice %arg23[%dma_wait3A_220] : memref<2x!tpu.dma_semaphore, #tpu.memory_space<semaphore_mem>> -> memref<1x!tpu.dma_semaphore, #tpu.memory_space<semaphore_mem>>
      %dma_wait3A_226 = tpu.memref_squeeze %dma_wait3A_225 : memref<1x!tpu.dma_semaphore, #tpu.memory_space<semaphore_mem>> -> memref<!tpu.dma_semaphore, #tpu.memory_space<semaphore_mem>>
      tpu.wait_indirect_dma semaphore(%dma_wait3A_226 : memref<!tpu.dma_semaphore, #tpu.memory_space<semaphore_mem>>) src(%dma_wait3A_224 : memref<500000x128xf32, #tpu.memory_space<hbm>>) dst(%arg16 : memref<64x128xf32, #tpu.memory_space<vmem>>)
      %mul3A_227 = arith.constant 64 : i32
      %mul3A_228 = arith.muli %sub3A_217, %mul3A_227 : i32
      %dma_wait3A_229 = arith.constant 0 : i32
      %dma_wait3A_230 = tpu.memref_slice %arg12[%mul3A_228] : memref<7936xi32, #tpu.memory_space<vmem>> -> memref<64xi32, #tpu.memory_space<vmem>>
      %dma_wait3A_231 = arith.constant 0 : i32
      %dma_wait3A_232 = arith.constant 0 : i32
      %dma_wait3A_233 = tpu.memref_slice %arg3[%dma_wait3A_231, %dma_wait3A_232] : memref<65536x128xf32, #tpu.memory_space<hbm>> -> memref<65536x128xf32, #tpu.memory_space<hbm>>
      %dma_wait3A_234 = tpu.memref_slice %arg24[%dma_wait3A_229] : memref<2x!tpu.dma_semaphore, #tpu.memory_space<semaphore_mem>> -> memref<1x!tpu.dma_semaphore, #tpu.memory_space<semaphore_mem>>
      %dma_wait3A_235 = tpu.memref_squeeze %dma_wait3A_234 : memref<1x!tpu.dma_semaphore, #tpu.memory_space<semaphore_mem>> -> memref<!tpu.dma_semaphore, #tpu.memory_space<semaphore_mem>>
      tpu.wait_indirect_dma semaphore(%dma_wait3A_235 : memref<!tpu.dma_semaphore, #tpu.memory_space<semaphore_mem>>) src(%dma_wait3A_233 : memref<65536x128xf32, #tpu.memory_space<hbm>>) dst(%arg18 : memref<64x128xf32, #tpu.memory_space<vmem>>)
      %sub3A_236 = arith.constant 1 : i32
      %sub3A_237 = arith.subi %add3A_172, %sub3A_236 : i32
      %mul3A_238 = arith.constant 64 : i32
      %mul3A_239 = arith.muli %sub3A_237, %mul3A_238 : i32
      %add3A_240 = arith.addi %mul3A_2, %mul3A_239 : i32
      %dma_start3A_241 = arith.constant 0 : i32
      %dma_start3A_242 = arith.constant 0 : i32
      %dma_start3A_243 = tpu.memref_slice %arg6[%add3A_240, %dma_start3A_242] : memref<253952x128xf32, #tpu.memory_space<hbm>> -> memref<64x128xf32, #tpu.memory_space<hbm>>
      %dma_start3A_244 = tpu.memref_slice %arg25[%dma_start3A_241] : memref<2x!tpu.dma_semaphore, #tpu.memory_space<semaphore_mem>> -> memref<1x!tpu.dma_semaphore, #tpu.memory_space<semaphore_mem>>
      %dma_start3A_245 = tpu.memref_squeeze %dma_start3A_244 : memref<1x!tpu.dma_semaphore, #tpu.memory_space<semaphore_mem>> -> memref<!tpu.dma_semaphore, #tpu.memory_space<semaphore_mem>>
      %dma_start3A_246 = arith.constant 0 : i32
      %dma_start3A_247 = tpu.memref_slice %arg6[%add3A_240, %dma_start3A_246] : memref<253952x128xf32, #tpu.memory_space<hbm>> -> memref<64x128xf32, #tpu.memory_space<hbm>>
      tpu.enqueue_dma source(%arg16 : memref<64x128xf32, #tpu.memory_space<vmem>>) target(%dma_start3A_247 : memref<64x128xf32, #tpu.memory_space<hbm>>) target_semaphore(%dma_start3A_245 : memref<!tpu.dma_semaphore, #tpu.memory_space<semaphore_mem>>)
      %mul3A_248 = arith.constant 64 : i32
      %mul3A_249 = arith.muli %sub3A_237, %mul3A_248 : i32
      %add3A_250 = arith.addi %mul3A_2, %mul3A_249 : i32
      %dma_start3A_251 = arith.constant 0 : i32
      %dma_start3A_252 = arith.constant 0 : i32
      %dma_start3A_253 = tpu.memref_slice %arg7[%add3A_250, %dma_start3A_252] : memref<253952x128xf32, #tpu.memory_space<hbm>> -> memref<64x128xf32, #tpu.memory_space<hbm>>
      %dma_start3A_254 = tpu.memref_slice %arg26[%dma_start3A_251] : memref<2x!tpu.dma_semaphore, #tpu.memory_space<semaphore_mem>> -> memref<1x!tpu.dma_semaphore, #tpu.memory_space<semaphore_mem>>
      %dma_start3A_255 = tpu.memref_squeeze %dma_start3A_254 : memref<1x!tpu.dma_semaphore, #tpu.memory_space<semaphore_mem>> -> memref<!tpu.dma_semaphore, #tpu.memory_space<semaphore_mem>>
      %dma_start3A_256 = arith.constant 0 : i32
      %dma_start3A_257 = tpu.memref_slice %arg7[%add3A_250, %dma_start3A_256] : memref<253952x128xf32, #tpu.memory_space<hbm>> -> memref<64x128xf32, #tpu.memory_space<hbm>>
      tpu.enqueue_dma source(%arg18 : memref<64x128xf32, #tpu.memory_space<vmem>>) target(%dma_start3A_257 : memref<64x128xf32, #tpu.memory_space<hbm>>) target_semaphore(%dma_start3A_255 : memref<!tpu.dma_semaphore, #tpu.memory_space<semaphore_mem>>)
      %scan3A_258 = arith.constant 0 : i32
      scf.yield %scan3A_258 : i32
    }
    %scan3A_30 = arith.constant 62 : i32
    %dma_wait3A = arith.constant 1 : i32
    %dma_wait3A_31 = arith.constant 7872 : i32
    %dma_wait3A_32 = tpu.memref_slice %arg11[%dma_wait3A_31] : memref<7936xi32, #tpu.memory_space<vmem>> -> memref<64xi32, #tpu.memory_space<vmem>>
    %dma_wait3A_33 = arith.constant 0 : i32
    %dma_wait3A_34 = arith.constant 0 : i32
    %dma_wait3A_35 = tpu.memref_slice %arg2[%dma_wait3A_33, %dma_wait3A_34] : memref<500000x128xf32, #tpu.memory_space<hbm>> -> memref<500000x128xf32, #tpu.memory_space<hbm>>
    %dma_wait3A_36 = tpu.memref_slice %arg23[%dma_wait3A] : memref<2x!tpu.dma_semaphore, #tpu.memory_space<semaphore_mem>> -> memref<1x!tpu.dma_semaphore, #tpu.memory_space<semaphore_mem>>
    %dma_wait3A_37 = tpu.memref_squeeze %dma_wait3A_36 : memref<1x!tpu.dma_semaphore, #tpu.memory_space<semaphore_mem>> -> memref<!tpu.dma_semaphore, #tpu.memory_space<semaphore_mem>>
    tpu.wait_indirect_dma semaphore(%dma_wait3A_37 : memref<!tpu.dma_semaphore, #tpu.memory_space<semaphore_mem>>) src(%dma_wait3A_35 : memref<500000x128xf32, #tpu.memory_space<hbm>>) dst(%arg17 : memref<64x128xf32, #tpu.memory_space<vmem>>)
    %dma_wait3A_38 = arith.constant 1 : i32
    %dma_wait3A_39 = arith.constant 7872 : i32
    %dma_wait3A_40 = tpu.memref_slice %arg12[%dma_wait3A_39] : memref<7936xi32, #tpu.memory_space<vmem>> -> memref<64xi32, #tpu.memory_space<vmem>>
    %dma_wait3A_41 = arith.constant 0 : i32
    %dma_wait3A_42 = arith.constant 0 : i32
    %dma_wait3A_43 = tpu.memref_slice %arg3[%dma_wait3A_41, %dma_wait3A_42] : memref<65536x128xf32, #tpu.memory_space<hbm>> -> memref<65536x128xf32, #tpu.memory_space<hbm>>
    %dma_wait3A_44 = tpu.memref_slice %arg24[%dma_wait3A_38] : memref<2x!tpu.dma_semaphore, #tpu.memory_space<semaphore_mem>> -> memref<1x!tpu.dma_semaphore, #tpu.memory_space<semaphore_mem>>
    %dma_wait3A_45 = tpu.memref_squeeze %dma_wait3A_44 : memref<1x!tpu.dma_semaphore, #tpu.memory_space<semaphore_mem>> -> memref<!tpu.dma_semaphore, #tpu.memory_space<semaphore_mem>>
    tpu.wait_indirect_dma semaphore(%dma_wait3A_45 : memref<!tpu.dma_semaphore, #tpu.memory_space<semaphore_mem>>) src(%dma_wait3A_43 : memref<65536x128xf32, #tpu.memory_space<hbm>>) dst(%arg19 : memref<64x128xf32, #tpu.memory_space<vmem>>)
    %add3A_46 = arith.constant 7872 : i32
    %add3A_47 = arith.addi %mul3A_2, %add3A_46 : i32
    %dma_start3A_48 = arith.constant 1 : i32
    %dma_start3A_49 = arith.constant 0 : i32
    %dma_start3A_50 = tpu.memref_slice %arg6[%add3A_47, %dma_start3A_49] : memref<253952x128xf32, #tpu.memory_space<hbm>> -> memref<64x128xf32, #tpu.memory_space<hbm>>
    %dma_start3A_51 = tpu.memref_slice %arg25[%dma_start3A_48] : memref<2x!tpu.dma_semaphore, #tpu.memory_space<semaphore_mem>> -> memref<1x!tpu.dma_semaphore, #tpu.memory_space<semaphore_mem>>
    %dma_start3A_52 = tpu.memref_squeeze %dma_start3A_51 : memref<1x!tpu.dma_semaphore, #tpu.memory_space<semaphore_mem>> -> memref<!tpu.dma_semaphore, #tpu.memory_space<semaphore_mem>>
    %dma_start3A_53 = arith.constant 0 : i32
    %dma_start3A_54 = tpu.memref_slice %arg6[%add3A_47, %dma_start3A_53] : memref<253952x128xf32, #tpu.memory_space<hbm>> -> memref<64x128xf32, #tpu.memory_space<hbm>>
    tpu.enqueue_dma source(%arg17 : memref<64x128xf32, #tpu.memory_space<vmem>>) target(%dma_start3A_54 : memref<64x128xf32, #tpu.memory_space<hbm>>) target_semaphore(%dma_start3A_52 : memref<!tpu.dma_semaphore, #tpu.memory_space<semaphore_mem>>)
    %add3A_55 = arith.constant 7872 : i32
    %add3A_56 = arith.addi %mul3A_2, %add3A_55 : i32
    %dma_start3A_57 = arith.constant 1 : i32
    %dma_start3A_58 = arith.constant 0 : i32
    %dma_start3A_59 = tpu.memref_slice %arg7[%add3A_56, %dma_start3A_58] : memref<253952x128xf32, #tpu.memory_space<hbm>> -> memref<64x128xf32, #tpu.memory_space<hbm>>
    %dma_start3A_60 = tpu.memref_slice %arg26[%dma_start3A_57] : memref<2x!tpu.dma_semaphore, #tpu.memory_space<semaphore_mem>> -> memref<1x!tpu.dma_semaphore, #tpu.memory_space<semaphore_mem>>
    %dma_start3A_61 = tpu.memref_squeeze %dma_start3A_60 : memref<1x!tpu.dma_semaphore, #tpu.memory_space<semaphore_mem>> -> memref<!tpu.dma_semaphore, #tpu.memory_space<semaphore_mem>>
    %dma_start3A_62 = arith.constant 0 : i32
    %dma_start3A_63 = tpu.memref_slice %arg7[%add3A_56, %dma_start3A_62] : memref<253952x128xf32, #tpu.memory_space<hbm>> -> memref<64x128xf32, #tpu.memory_space<hbm>>
    tpu.enqueue_dma source(%arg19 : memref<64x128xf32, #tpu.memory_space<vmem>>) target(%dma_start3A_63 : memref<64x128xf32, #tpu.memory_space<hbm>>) target_semaphore(%dma_start3A_61 : memref<!tpu.dma_semaphore, #tpu.memory_space<semaphore_mem>>)
    %add3A_64 = arith.constant 7808 : i32
    %add3A_65 = arith.addi %mul3A_2, %add3A_64 : i32
    %dma_wait3A_66 = arith.constant 0 : i32
    %dma_wait3A_67 = arith.constant 0 : i32
    %dma_wait3A_68 = tpu.memref_slice %arg6[%add3A_65, %dma_wait3A_67] : memref<253952x128xf32, #tpu.memory_space<hbm>> -> memref<64x128xf32, #tpu.memory_space<hbm>>
    %dma_wait3A_69 = tpu.memref_slice %arg25[%dma_wait3A_66] : memref<2x!tpu.dma_semaphore, #tpu.memory_space<semaphore_mem>> -> memref<1x!tpu.dma_semaphore, #tpu.memory_space<semaphore_mem>>
    %dma_wait3A_70 = tpu.memref_squeeze %dma_wait3A_69 : memref<1x!tpu.dma_semaphore, #tpu.memory_space<semaphore_mem>> -> memref<!tpu.dma_semaphore, #tpu.memory_space<semaphore_mem>>
    %dma_wait3A_71 = arith.constant 0 : i32
    %dma_wait3A_72 = tpu.memref_slice %arg6[%add3A_65, %dma_wait3A_71] : memref<253952x128xf32, #tpu.memory_space<hbm>> -> memref<64x128xf32, #tpu.memory_space<hbm>>
    tpu.wait_dma2 semaphore(%dma_wait3A_70 : memref<!tpu.dma_semaphore, #tpu.memory_space<semaphore_mem>>) src(%arg16 : memref<64x128xf32, #tpu.memory_space<vmem>>) dst(%dma_wait3A_72 : memref<64x128xf32, #tpu.memory_space<hbm>>)
    %add3A_73 = arith.constant 7808 : i32
    %add3A_74 = arith.addi %mul3A_2, %add3A_73 : i32
    %dma_wait3A_75 = arith.constant 0 : i32
    %dma_wait3A_76 = arith.constant 0 : i32
    %dma_wait3A_77 = tpu.memref_slice %arg7[%add3A_74, %dma_wait3A_76] : memref<253952x128xf32, #tpu.memory_space<hbm>> -> memref<64x128xf32, #tpu.memory_space<hbm>>
    %dma_wait3A_78 = tpu.memref_slice %arg26[%dma_wait3A_75] : memref<2x!tpu.dma_semaphore, #tpu.memory_space<semaphore_mem>> -> memref<1x!tpu.dma_semaphore, #tpu.memory_space<semaphore_mem>>
    %dma_wait3A_79 = tpu.memref_squeeze %dma_wait3A_78 : memref<1x!tpu.dma_semaphore, #tpu.memory_space<semaphore_mem>> -> memref<!tpu.dma_semaphore, #tpu.memory_space<semaphore_mem>>
    %dma_wait3A_80 = arith.constant 0 : i32
    %dma_wait3A_81 = tpu.memref_slice %arg7[%add3A_74, %dma_wait3A_80] : memref<253952x128xf32, #tpu.memory_space<hbm>> -> memref<64x128xf32, #tpu.memory_space<hbm>>
    tpu.wait_dma2 semaphore(%dma_wait3A_79 : memref<!tpu.dma_semaphore, #tpu.memory_space<semaphore_mem>>) src(%arg18 : memref<64x128xf32, #tpu.memory_space<vmem>>) dst(%dma_wait3A_81 : memref<64x128xf32, #tpu.memory_space<hbm>>)
    %add3A_82 = arith.constant 7872 : i32
    %add3A_83 = arith.addi %mul3A_2, %add3A_82 : i32
    %dma_wait3A_84 = arith.constant 1 : i32
    %dma_wait3A_85 = arith.constant 0 : i32
    %dma_wait3A_86 = tpu.memref_slice %arg6[%add3A_83, %dma_wait3A_85] : memref<253952x128xf32, #tpu.memory_space<hbm>> -> memref<64x128xf32, #tpu.memory_space<hbm>>
    %dma_wait3A_87 = tpu.memref_slice %arg25[%dma_wait3A_84] : memref<2x!tpu.dma_semaphore, #tpu.memory_space<semaphore_mem>> -> memref<1x!tpu.dma_semaphore, #tpu.memory_space<semaphore_mem>>
    %dma_wait3A_88 = tpu.memref_squeeze %dma_wait3A_87 : memref<1x!tpu.dma_semaphore, #tpu.memory_space<semaphore_mem>> -> memref<!tpu.dma_semaphore, #tpu.memory_space<semaphore_mem>>
    %dma_wait3A_89 = arith.constant 0 : i32
    %dma_wait3A_90 = tpu.memref_slice %arg6[%add3A_83, %dma_wait3A_89] : memref<253952x128xf32, #tpu.memory_space<hbm>> -> memref<64x128xf32, #tpu.memory_space<hbm>>
    tpu.wait_dma2 semaphore(%dma_wait3A_88 : memref<!tpu.dma_semaphore, #tpu.memory_space<semaphore_mem>>) src(%arg17 : memref<64x128xf32, #tpu.memory_space<vmem>>) dst(%dma_wait3A_90 : memref<64x128xf32, #tpu.memory_space<hbm>>)
    %add3A_91 = arith.constant 7872 : i32
    %add3A_92 = arith.addi %mul3A_2, %add3A_91 : i32
    %dma_wait3A_93 = arith.constant 1 : i32
    %dma_wait3A_94 = arith.constant 0 : i32
    %dma_wait3A_95 = tpu.memref_slice %arg7[%add3A_92, %dma_wait3A_94] : memref<253952x128xf32, #tpu.memory_space<hbm>> -> memref<64x128xf32, #tpu.memory_space<hbm>>
    %dma_wait3A_96 = tpu.memref_slice %arg26[%dma_wait3A_93] : memref<2x!tpu.dma_semaphore, #tpu.memory_space<semaphore_mem>> -> memref<1x!tpu.dma_semaphore, #tpu.memory_space<semaphore_mem>>
    %dma_wait3A_97 = tpu.memref_squeeze %dma_wait3A_96 : memref<1x!tpu.dma_semaphore, #tpu.memory_space<semaphore_mem>> -> memref<!tpu.dma_semaphore, #tpu.memory_space<semaphore_mem>>
    %dma_wait3A_98 = arith.constant 0 : i32
    %dma_wait3A_99 = tpu.memref_slice %arg7[%add3A_92, %dma_wait3A_98] : memref<253952x128xf32, #tpu.memory_space<hbm>> -> memref<64x128xf32, #tpu.memory_space<hbm>>
    tpu.wait_dma2 semaphore(%dma_wait3A_97 : memref<!tpu.dma_semaphore, #tpu.memory_space<semaphore_mem>>) src(%arg19 : memref<64x128xf32, #tpu.memory_space<vmem>>) dst(%dma_wait3A_99 : memref<64x128xf32, #tpu.memory_space<hbm>>)
    %scan3A_100 = arith.constant 0 : i32
    %scan3A_101 = arith.constant 0 : i32
    %scan3A_102 = arith.constant 977 : i32
    %scan3A_103 = arith.addi %scan3A_101, %scan3A_102 : i32
    %scan3A_104 = arith.constant 1 : i32
    %scan3A_105 = scf.for %scan3A_116 = %scan3A_101 to %scan3A_103 step %scan3A_104 iter_args(%scan3A_117 = %scan3A_100) -> (i32)  : i32 {
      %mul3A_118 = arith.constant 16 : i32
      %mul3A_119 = arith.muli %scan3A_116, %mul3A_118 : i32
      %get3A = arith.index_cast %mul3A_119 : i32 to index
      %get3A_120 = tpu.vector_load %arg15[%get3A] {strides = array<i32>} : memref<15632xi32, #tpu.memory_space<vmem>>, vector<16xi32>,
      %ge3A = arith.constant 0 : i32
      %ge3A_121 = vector.broadcast %ge3A : i32 to vector<16xi32>
      %ge3A_122 = arith.cmpi sge, %get3A_120, %ge3A_121 : vector<16xi32>
      %mul3A_123 = arith.constant 16 : i32
      %mul3A_124 = arith.muli %scan3A_116, %mul3A_123 : i32
      %add3A_125 = arith.addi %mul3A_4, %mul3A_124 : i32
      %add3A_126 = vector.broadcast %add3A_125 : i32 to vector<16xi32>
      %add3A_127 = arith.addi %add3A_126, %iota3A : vector<16xi32>
      %swap3A_128 = arith.index_cast %scan3A_117 : i32 to index
      %swap3A_129 = tpu.vector_load %arg20[%swap3A_128] masked %ge3A_122 {strides = array<i32>} : memref<15872xi32, #tpu.memory_space<vmem>>, vector<16xi32>, vector<16xi1>
      tpu.vector_store %arg20[%swap3A_128], %get3A_120 masked %ge3A_122 {strides = array<i32>} : memref<15872xi32, #tpu.memory_space<vmem>>, vector<16xi32>, vector<16xi1>
      %swap3A_130 = arith.index_cast %scan3A_117 : i32 to index
      %swap3A_131 = tpu.vector_load %arg21[%swap3A_130] masked %ge3A_122 {strides = array<i32>} : memref<15872xi32, #tpu.memory_space<vmem>>, vector<16xi32>, vector<16xi1>
      tpu.vector_store %arg21[%swap3A_130], %add3A_127 masked %ge3A_122 {strides = array<i32>} : memref<15872xi32, #tpu.memory_space<vmem>>, vector<16xi32>, vector<16xi1>
      %all_reduce_population_count3A = tpu.all_reduce %ge3A_122 {dim = 0 : i64, kind = #tpu.reduction_kind<sum>} : vector<16xi1> -> vector<16xi32>
      %reduce_max3A = arith.constant true
      %reduce_max3A_132 = vector.broadcast %reduce_max3A : i1 to vector<16xi1>
      %reduce_max3A_133 = arith.constant -2147483648 : i32
      %reduce_max3A_134 = vector.broadcast %reduce_max3A_133 : i32 to vector<16xi32>
      %reduce_max3A_135 = arith.xori %all_reduce_population_count3A, %reduce_max3A_134 : vector<16xi32>
      %reduce_max3A_136 = tpu.scan <max>, %reduce_max3A_135 masked %reduce_max3A_132 : vector<16xi32>, vector<16xi1> -> vector<16xi32>
      %reduce_max3A_137 = arith.xori %reduce_max3A_136, %reduce_max3A_134 : vector<16xi32>
      %reduce_max3A_138 = vector.extract %reduce_max3A_137[15] : i32 from vector<16xi32>
      %add3A_139 = arith.addi %scan3A_117, %reduce_max3A_138 : i32
      scf.yield %add3A_139 : i32
    }
    %scan3A_106 = arith.constant 977 : i32
    %gt3A = arith.constant 0 : i32
    %gt3A_107 = arith.cmpi sgt, %scan3A_105, %gt3A : i32
    %convert_element_type3A = arith.extui %gt3A_107 : i1 to i32
    %cond3A = arith.constant 0 : i32
    %cond3A_108 = arith.cmpi ne, %convert_element_type3A, %cond3A : i32
    scf.if %cond3A_108 {
      %sub3A = arith.constant 1 : i32
      %sub3A_116 = arith.subi %scan3A_105, %sub3A : i32
      %broadcast_in_dim3A_117 = vector.broadcast %sub3A_116 : i32 to vector<16xi32>
      %gather3A = tpu.vector_load_idx %arg20[%broadcast_in_dim3A_117] : memref<15872xi32, #tpu.memory_space<vmem>>[vector<16xi32>], vector<16xi32>,
      %gather3A_118 = tpu.vector_load_idx %arg21[%broadcast_in_dim3A_117] : memref<15872xi32, #tpu.memory_space<vmem>>[vector<16xi32>], vector<16xi32>,
      %jit3A = arith.constant 16 : i32
      %div3A = arith.divsi %scan3A_105, %jit3A : i32
      %sign3A = arith.constant 0 : i32
      %sign3A_119 = arith.cmpi sgt, %scan3A_105, %sign3A : i32
      %sign3A_120 = arith.extui %sign3A_119 : i1 to i32
      %sign3A_121 = arith.constant 0 : i32
      %sign3A_122 = arith.cmpi slt, %scan3A_105, %sign3A_121 : i32
      %sign3A_123 = arith.extui %sign3A_122 : i1 to i32
      %sign3A_124 = arith.subi %sign3A_120, %sign3A_123 : i32
      %sign3A_125 = arith.constant 0 : i32
      %sign3A_126 = arith.cmpi sgt, %jit3A, %sign3A_125 : i32
      %sign3A_127 = arith.extui %sign3A_126 : i1 to i32
      %sign3A_128 = arith.constant 0 : i32
      %sign3A_129 = arith.cmpi slt, %jit3A, %sign3A_128 : i32
      %sign3A_130 = arith.extui %sign3A_129 : i1 to i32
      %sign3A_131 = arith.subi %sign3A_127, %sign3A_130 : i32
      %ne3A = arith.cmpi ne, %sign3A_124, %sign3A_131 : i32
      %rem3A = arith.remsi %scan3A_105, %jit3A : i32
      %ne3A_132 = arith.constant 0 : i32
      %ne3A_133 = arith.cmpi ne, %rem3A, %ne3A_132 : i32
      %and3A = arith.andi %ne3A, %ne3A_133 : i1
      %sub3A_134 = arith.constant 1 : i32
      %sub3A_135 = arith.subi %div3A, %sub3A_134 : i32
      %select_n3A = arith.select %and3A, %sub3A_135, %div3A : i32
      %mul3A_136 = arith.constant 16 : i32
      %mul3A_137 = arith.muli %select_n3A, %mul3A_136 : i32
      %add3A_138 = vector.broadcast %mul3A_137 : i32 to vector<16xi32>
      %add3A_139 = arith.addi %add3A_138, %iota3A : vector<16xi32>
      %ge3A = vector.broadcast %scan3A_105 : i32 to vector<16xi32>
      %ge3A_140 = arith.cmpi sge, %add3A_139, %ge3A : vector<16xi32>
      %add3A_141 = vector.broadcast %mul3A_137 : i32 to vector<16xi32>
      %add3A_142 = arith.addi %add3A_141, %iota3A : vector<16xi32>
      tpu.vector_store_idx %arg20[%add3A_142], %gather3A masked %ge3A_140 : memref<15872xi32, #tpu.memory_space<vmem>>[vector<16xi32>], vector<16xi32>, vector<16xi1>
      %add3A_143 = vector.broadcast %mul3A_137 : i32 to vector<16xi32>
      %add3A_144 = arith.addi %add3A_143, %iota3A : vector<16xi32>
      tpu.vector_store_idx %arg21[%add3A_144], %gather3A_118 masked %ge3A_140 : memref<15872xi32, #tpu.memory_space<vmem>>[vector<16xi32>], vector<16xi32>, vector<16xi1>
      %add3A_145 = arith.constant 512 : i32
      %add3A_146 = arith.addi %scan3A_105, %add3A_145 : i32
      %sub3A_147 = arith.constant 1 : i32
      %sub3A_148 = arith.subi %add3A_146, %sub3A_147 : i32
      %jit3A_149 = arith.constant 512 : i32
      %div3A_150 = arith.divsi %sub3A_148, %jit3A_149 : i32
      %sign3A_151 = arith.constant 0 : i32
      %sign3A_152 = arith.cmpi sgt, %sub3A_148, %sign3A_151 : i32
      %sign3A_153 = arith.extui %sign3A_152 : i1 to i32
      %sign3A_154 = arith.constant 0 : i32
      %sign3A_155 = arith.cmpi slt, %sub3A_148, %sign3A_154 : i32
      %sign3A_156 = arith.extui %sign3A_155 : i1 to i32
      %sign3A_157 = arith.subi %sign3A_153, %sign3A_156 : i32
      %sign3A_158 = arith.constant 0 : i32
      %sign3A_159 = arith.cmpi sgt, %jit3A_149, %sign3A_158 : i32
      %sign3A_160 = arith.extui %sign3A_159 : i1 to i32
      %sign3A_161 = arith.constant 0 : i32
      %sign3A_162 = arith.cmpi slt, %jit3A_149, %sign3A_161 : i32
      %sign3A_163 = arith.extui %sign3A_162 : i1 to i32
      %sign3A_164 = arith.subi %sign3A_160, %sign3A_163 : i32
      %ne3A_165 = arith.cmpi ne, %sign3A_157, %sign3A_164 : i32
      %rem3A_166 = arith.remsi %sub3A_148, %jit3A_149 : i32
      %ne3A_167 = arith.constant 0 : i32
      %ne3A_168 = arith.cmpi ne, %rem3A_166, %ne3A_167 : i32
      %and3A_169 = arith.andi %ne3A_165, %ne3A_168 : i1
      %sub3A_170 = arith.constant 1 : i32
      %sub3A_171 = arith.subi %div3A_150, %sub3A_170 : i32
      %select_n3A_172 = arith.select %and3A_169, %sub3A_171, %div3A_150 : i32
      %mul3A_173 = arith.constant 512 : i32
      %mul3A_174 = arith.muli %select_n3A_172, %mul3A_173 : i32
      %jit3A_175 = arith.constant 16 : i32
      %div3A_176 = arith.divsi %mul3A_137, %jit3A_175 : i32
      %sign3A_177 = arith.constant 0 : i32
      %sign3A_178 = arith.cmpi sgt, %mul3A_137, %sign3A_177 : i32
      %sign3A_179 = arith.extui %sign3A_178 : i1 to i32
      %sign3A_180 = arith.constant 0 : i32
      %sign3A_181 = arith.cmpi slt, %mul3A_137, %sign3A_180 : i32
      %sign3A_182 = arith.extui %sign3A_181 : i1 to i32
      %sign3A_183 = arith.subi %sign3A_179, %sign3A_182 : i32
      %sign3A_184 = arith.constant 0 : i32
      %sign3A_185 = arith.cmpi sgt, %jit3A_175, %sign3A_184 : i32
      %sign3A_186 = arith.extui %sign3A_185 : i1 to i32
      %sign3A_187 = arith.constant 0 : i32
      %sign3A_188 = arith.cmpi slt, %jit3A_175, %sign3A_187 : i32
      %sign3A_189 = arith.extui %sign3A_188 : i1 to i32
      %sign3A_190 = arith.subi %sign3A_186, %sign3A_189 : i32
      %ne3A_191 = arith.cmpi ne, %sign3A_183, %sign3A_190 : i32
      %rem3A_192 = arith.remsi %mul3A_137, %jit3A_175 : i32
      %ne3A_193 = arith.constant 0 : i32
      %ne3A_194 = arith.cmpi ne, %rem3A_192, %ne3A_193 : i32
      %and3A_195 = arith.andi %ne3A_191, %ne3A_194 : i1
      %sub3A_196 = arith.constant 1 : i32
      %sub3A_197 = arith.subi %div3A_176, %sub3A_196 : i32
      %select_n3A_198 = arith.select %and3A_195, %sub3A_197, %div3A_176 : i32
      %add3A_199 = arith.constant 1 : i32
      %add3A_200 = arith.addi %select_n3A_198, %add3A_199 : i32
      %jit3A_201 = arith.constant 16 : i32
      %div3A_202 = arith.divsi %mul3A_174, %jit3A_201 : i32
      %sign3A_203 = arith.constant 0 : i32
      %sign3A_204 = arith.cmpi sgt, %mul3A_174, %sign3A_203 : i32
      %sign3A_205 = arith.extui %sign3A_204 : i1 to i32
      %sign3A_206 = arith.constant 0 : i32
      %sign3A_207 = arith.cmpi slt, %mul3A_174, %sign3A_206 : i32
      %sign3A_208 = arith.extui %sign3A_207 : i1 to i32
      %sign3A_209 = arith.subi %sign3A_205, %sign3A_208 : i32
      %sign3A_210 = arith.constant 0 : i32
      %sign3A_211 = arith.cmpi sgt, %jit3A_201, %sign3A_210 : i32
      %sign3A_212 = arith.extui %sign3A_211 : i1 to i32
      %sign3A_213 = arith.constant 0 : i32
      %sign3A_214 = arith.cmpi slt, %jit3A_201, %sign3A_213 : i32
      %sign3A_215 = arith.extui %sign3A_214 : i1 to i32
      %sign3A_216 = arith.subi %sign3A_212, %sign3A_215 : i32
      %ne3A_217 = arith.cmpi ne, %sign3A_209, %sign3A_216 : i32
      %rem3A_218 = arith.remsi %mul3A_174, %jit3A_201 : i32
      %ne3A_219 = arith.constant 0 : i32
      %ne3A_220 = arith.cmpi ne, %rem3A_218, %ne3A_219 : i32
      %and3A_221 = arith.andi %ne3A_217, %ne3A_220 : i1
      %sub3A_222 = arith.constant 1 : i32
      %sub3A_223 = arith.subi %div3A_202, %sub3A_222 : i32
      %select_n3A_224 = arith.select %and3A_221, %sub3A_223, %div3A_202 : i32
      %while3A = arith.constant 0 : i32
      %while3A_225 = arith.subi %select_n3A_224, %add3A_200 : i32
      %while3A_226 = arith.addi %add3A_200, %while3A_225 : i32
      %while3A_227 = arith.constant 1 : i32
      %while3A_228 = arith.divsi %while3A_225, %while3A_227 : i32
      %while3A_229 = arith.muli %while3A_228, %while3A_227 : i32
      %while3A_230 = arith.addi %add3A_200, %while3A_229 : i32
      %while3A_231 = arith.constant 1 : i32
      %while3A_232 = scf.for %while3A_235 = %add3A_200 to %while3A_230 step %while3A_231 iter_args(%while3A_236 = %while3A) -> (i32)  : i32 {
        %mul3A_237 = arith.constant 16 : i32
        %mul3A_238 = arith.muli %while3A_235, %mul3A_237 : i32
        %swap3A_239 = arith.index_cast %mul3A_238 : i32 to index
        %swap3A_240 = tpu.vector_load %arg20[%swap3A_239] {strides = array<i32>} : memref<15872xi32, #tpu.memory_space<vmem>>, vector<16xi32>,
        tpu.vector_store %arg20[%swap3A_239], %gather3A {strides = array<i32>} : memref<15872xi32, #tpu.memory_space<vmem>>, vector<16xi32>,
        %mul3A_241 = arith.constant 16 : i32
        %mul3A_242 = arith.muli %while3A_235, %mul3A_241 : i32
        %swap3A_243 = arith.index_cast %mul3A_242 : i32 to index
        %swap3A_244 = tpu.vector_load %arg21[%swap3A_243] {strides = array<i32>} : memref<15872xi32, #tpu.memory_space<vmem>>, vector<16xi32>,
        tpu.vector_store %arg21[%swap3A_243], %gather3A_118 {strides = array<i32>} : memref<15872xi32, #tpu.memory_space<vmem>>, vector<16xi32>,
        %while3A_245 = arith.constant 0 : i32
        scf.yield %while3A_245 : i32
      }
      %while3A_233 = arith.constant 1 : i32
      %while3A_234 = scf.for %while3A_235 = %while3A_230 to %while3A_226 step %while3A_233 iter_args(%while3A_236 = %while3A_232) -> (i32)  : i32 {
        %mul3A_237 = arith.constant 16 : i32
        %mul3A_238 = arith.muli %while3A_235, %mul3A_237 : i32
        %swap3A_239 = arith.index_cast %mul3A_238 : i32 to index
        %swap3A_240 = tpu.vector_load %arg20[%swap3A_239] {strides = array<i32>} : memref<15872xi32, #tpu.memory_space<vmem>>, vector<16xi32>,
        tpu.vector_store %arg20[%swap3A_239], %gather3A {strides = array<i32>} : memref<15872xi32, #tpu.memory_space<vmem>>, vector<16xi32>,
        %mul3A_241 = arith.constant 16 : i32
        %mul3A_242 = arith.muli %while3A_235, %mul3A_241 : i32
        %swap3A_243 = arith.index_cast %mul3A_242 : i32 to index
        %swap3A_244 = tpu.vector_load %arg21[%swap3A_243] {strides = array<i32>} : memref<15872xi32, #tpu.memory_space<vmem>>, vector<16xi32>,
        tpu.vector_store %arg21[%swap3A_243], %gather3A_118 {strides = array<i32>} : memref<15872xi32, #tpu.memory_space<vmem>>, vector<16xi32>,
        %while3A_245 = arith.constant 0 : i32
        scf.yield %while3A_245 : i32
      }
    } else {
    }
    %mul3A_109 = arith.constant 15872 : i32
    %mul3A_110 = arith.muli %add3A, %mul3A_109 : i32
    "tpu.region"() ({
      %run_scoped3A = tpu.sem_alloc : memref<!tpu.dma_semaphore, #tpu.memory_space<semaphore_mem>>
      %dma_start3A_116 = tpu.memref_slice %arg8[%mul3A_110] : memref<507904xi32, #tpu.memory_space<hbm>> -> memref<15872xi32, #tpu.memory_space<hbm>>
      %dma_start3A_117 = tpu.memref_slice %arg8[%mul3A_110] : memref<507904xi32, #tpu.memory_space<hbm>> -> memref<15872xi32, #tpu.memory_space<hbm>>
      tpu.enqueue_dma source(%arg20 : memref<15872xi32, #tpu.memory_space<vmem>>) target(%dma_start3A_117 : memref<15872xi32, #tpu.memory_space<hbm>>) target_semaphore(%run_scoped3A : memref<!tpu.dma_semaphore, #tpu.memory_space<semaphore_mem>>)
      %dma_wait3A_118 = tpu.memref_slice %arg8[%mul3A_110] : memref<507904xi32, #tpu.memory_space<hbm>> -> memref<15872xi32, #tpu.memory_space<hbm>>
      %dma_wait3A_119 = tpu.memref_slice %arg8[%mul3A_110] : memref<507904xi32, #tpu.memory_space<hbm>> -> memref<15872xi32, #tpu.memory_space<hbm>>
      tpu.wait_dma2 semaphore(%run_scoped3A : memref<!tpu.dma_semaphore, #tpu.memory_space<semaphore_mem>>) src(%arg20 : memref<15872xi32, #tpu.memory_space<vmem>>) dst(%dma_wait3A_119 : memref<15872xi32, #tpu.memory_space<hbm>>)
      tpu.yield
    }) : () -> ()
    %mul3A_111 = arith.constant 15872 : i32
    %mul3A_112 = arith.muli %add3A, %mul3A_111 : i32
    "tpu.region"() ({
      %run_scoped3A = tpu.sem_alloc : memref<!tpu.dma_semaphore, #tpu.memory_space<semaphore_mem>>
      %dma_start3A_116 = tpu.memref_slice %arg9[%mul3A_112] : memref<507904xi32, #tpu.memory_space<hbm>> -> memref<15872xi32, #tpu.memory_space<hbm>>
      %dma_start3A_117 = tpu.memref_slice %arg9[%mul3A_112] : memref<507904xi32, #tpu.memory_space<hbm>> -> memref<15872xi32, #tpu.memory_space<hbm>>
      tpu.enqueue_dma source(%arg21 : memref<15872xi32, #tpu.memory_space<vmem>>) target(%dma_start3A_117 : memref<15872xi32, #tpu.memory_space<hbm>>) target_semaphore(%run_scoped3A : memref<!tpu.dma_semaphore, #tpu.memory_space<semaphore_mem>>)
      %dma_wait3A_118 = tpu.memref_slice %arg9[%mul3A_112] : memref<507904xi32, #tpu.memory_space<hbm>> -> memref<15872xi32, #tpu.memory_space<hbm>>
      %dma_wait3A_119 = tpu.memref_slice %arg9[%mul3A_112] : memref<507904xi32, #tpu.memory_space<hbm>> -> memref<15872xi32, #tpu.memory_space<hbm>>
      tpu.wait_dma2 semaphore(%run_scoped3A : memref<!tpu.dma_semaphore, #tpu.memory_space<semaphore_mem>>) src(%arg21 : memref<15872xi32, #tpu.memory_space<vmem>>) dst(%dma_wait3A_119 : memref<15872xi32, #tpu.memory_space<hbm>>)
      tpu.yield
    }) : () -> ()
    %broadcast_in_dim3A = vector.broadcast %scan3A_105 : i32 to vector<16xi32>
    %swap3A = arith.constant 0 : index
    %swap3A_113 = tpu.vector_load %arg13[%swap3A] {strides = array<i32>} : memref<2048xi32, #tpu.memory_space<vmem>>, vector<16xi32>,
    tpu.vector_store %arg13[%swap3A], %broadcast_in_dim3A {strides = array<i32>} : memref<2048xi32, #tpu.memory_space<vmem>>, vector<16xi32>,
    %mul3A_114 = arith.constant 16 : i32
    %mul3A_115 = arith.muli %add3A, %mul3A_114 : i32
    "tpu.region"() ({
      %run_scoped3A = tpu.sem_alloc : memref<!tpu.dma_semaphore, #tpu.memory_space<semaphore_mem>>
      %dma_start3A_116 = arith.constant 0 : i32
      %dma_start3A_117 = tpu.memref_slice %arg13[%dma_start3A_116] : memref<2048xi32, #tpu.memory_space<vmem>> -> memref<16xi32, #tpu.memory_space<vmem>>
      %dma_start3A_118 = tpu.memref_slice %arg10[%mul3A_115] : memref<512xi32, #tpu.memory_space<hbm>> -> memref<16xi32, #tpu.memory_space<hbm>>
      %dma_start3A_119 = tpu.memref_slice %arg10[%mul3A_115] : memref<512xi32, #tpu.memory_space<hbm>> -> memref<16xi32, #tpu.memory_space<hbm>>
      %dma_start3A_120 = arith.constant 0 : i32
      %dma_start3A_121 = tpu.memref_slice %arg13[%dma_start3A_120] : memref<2048xi32, #tpu.memory_space<vmem>> -> memref<16xi32, #tpu.memory_space<vmem>>
      tpu.enqueue_dma source(%dma_start3A_121 : memref<16xi32, #tpu.memory_space<vmem>>) target(%dma_start3A_119 : memref<16xi32, #tpu.memory_space<hbm>>) target_semaphore(%run_scoped3A : memref<!tpu.dma_semaphore, #tpu.memory_space<semaphore_mem>>)
      %dma_wait3A_122 = arith.constant 0 : i32
      %dma_wait3A_123 = tpu.memref_slice %arg13[%dma_wait3A_122] : memref<2048xi32, #tpu.memory_space<vmem>> -> memref<16xi32, #tpu.memory_space<vmem>>
      %dma_wait3A_124 = tpu.memref_slice %arg10[%mul3A_115] : memref<512xi32, #tpu.memory_space<hbm>> -> memref<16xi32, #tpu.memory_space<hbm>>
      %dma_wait3A_125 = tpu.memref_slice %arg10[%mul3A_115] : memref<512xi32, #tpu.memory_space<hbm>> -> memref<16xi32, #tpu.memory_space<hbm>>
      %dma_wait3A_126 = arith.constant 0 : i32
      %dma_wait3A_127 = tpu.memref_slice %arg13[%dma_wait3A_126] : memref<2048xi32, #tpu.memory_space<vmem>> -> memref<16xi32, #tpu.memory_space<vmem>>
      tpu.wait_dma2 semaphore(%run_scoped3A : memref<!tpu.dma_semaphore, #tpu.memory_space<semaphore_mem>>) src(%dma_wait3A_127 : memref<16xi32, #tpu.memory_space<vmem>>) dst(%dma_wait3A_125 : memref<16xi32, #tpu.memory_space<hbm>>)
      tpu.yield
    }) : () -> ()
    return
  }
}

#map = affine_map<(d0, d1) -> (0, 0)>
module attributes {stable_mosaic.version = 14 : i64} {
  func.func @new_body(%arg0: i32, %arg1: i32, %arg2: memref<500000x128xf32, #tpu.memory_space<hbm>>, %arg3: memref<500000x128xf32, #tpu.memory_space<hbm>>, %arg4: memref<500000x128xf32, #tpu.memory_space<hbm>>, %arg5: memref<440x128xf32, #tpu.memory_space<vmem>>, %arg6: memref<440x128xf32, #tpu.memory_space<vmem>>, %arg7: memref<2x!tpu.dma_semaphore, #tpu.memory_space<semaphore_mem>>, %arg8: memref<2x!tpu.dma_semaphore, #tpu.memory_space<semaphore_mem>>) attributes {dimension_semantics = [#tpu.dimension_semantics<core_parallel>, #tpu.dimension_semantics<subcore_parallel>], iteration_bounds = array<i64: 2, 16>, scalar_prefetch = 0 : i64, scratch_operands = 4 : i64, tpu.core_type = #tpu.core_type<sc_vector_subcore>, window_params = [{transform_indices = #map}, {transform_indices = #map}, {transform_indices = #map}]} {
    %mul3A = arith.constant 2 : i32
    %mul3A_0 = arith.muli %arg1, %mul3A : i32
    %add3A = arith.addi %mul3A_0, %arg0 : i32
    %mul3A_1 = arith.constant 4840 : i32
    %mul3A_2 = arith.muli %add3A, %mul3A_1 : i32
    %add3A_3 = arith.constant 0 : i32
    %add3A_4 = arith.addi %mul3A_2, %add3A_3 : i32
    %dma_start3A = arith.constant 0 : i32
    %dma_start3A_5 = arith.constant 0 : i32
    %dma_start3A_6 = tpu.memref_slice %arg2[%add3A_4, %dma_start3A_5] : memref<500000x128xf32, #tpu.memory_space<hbm>> -> memref<440x128xf32, #tpu.memory_space<hbm>>
    %dma_start3A_7 = tpu.memref_slice %arg7[%dma_start3A] : memref<2x!tpu.dma_semaphore, #tpu.memory_space<semaphore_mem>> -> memref<1x!tpu.dma_semaphore, #tpu.memory_space<semaphore_mem>>
    %dma_start3A_8 = tpu.memref_squeeze %dma_start3A_7 : memref<1x!tpu.dma_semaphore, #tpu.memory_space<semaphore_mem>> -> memref<!tpu.dma_semaphore, #tpu.memory_space<semaphore_mem>>
    %dma_start3A_9 = arith.constant 0 : i32
    %dma_start3A_10 = tpu.memref_slice %arg2[%add3A_4, %dma_start3A_9] : memref<500000x128xf32, #tpu.memory_space<hbm>> -> memref<440x128xf32, #tpu.memory_space<hbm>>
    tpu.enqueue_dma source(%dma_start3A_10 : memref<440x128xf32, #tpu.memory_space<hbm>>) target(%arg5 : memref<440x128xf32, #tpu.memory_space<vmem>>) target_semaphore(%dma_start3A_8 : memref<!tpu.dma_semaphore, #tpu.memory_space<semaphore_mem>>)
    %dma_wait3A = arith.constant 0 : i32
    %dma_wait3A_11 = arith.constant 0 : i32
    %dma_wait3A_12 = tpu.memref_slice %arg2[%add3A_4, %dma_wait3A_11] : memref<500000x128xf32, #tpu.memory_space<hbm>> -> memref<440x128xf32, #tpu.memory_space<hbm>>
    %dma_wait3A_13 = tpu.memref_slice %arg7[%dma_wait3A] : memref<2x!tpu.dma_semaphore, #tpu.memory_space<semaphore_mem>> -> memref<1x!tpu.dma_semaphore, #tpu.memory_space<semaphore_mem>>
    %dma_wait3A_14 = tpu.memref_squeeze %dma_wait3A_13 : memref<1x!tpu.dma_semaphore, #tpu.memory_space<semaphore_mem>> -> memref<!tpu.dma_semaphore, #tpu.memory_space<semaphore_mem>>
    %dma_wait3A_15 = arith.constant 0 : i32
    %dma_wait3A_16 = tpu.memref_slice %arg2[%add3A_4, %dma_wait3A_15] : memref<500000x128xf32, #tpu.memory_space<hbm>> -> memref<440x128xf32, #tpu.memory_space<hbm>>
    tpu.wait_dma2 semaphore(%dma_wait3A_14 : memref<!tpu.dma_semaphore, #tpu.memory_space<semaphore_mem>>) src(%dma_wait3A_16 : memref<440x128xf32, #tpu.memory_space<hbm>>) dst(%arg5 : memref<440x128xf32, #tpu.memory_space<vmem>>)
    %dma_start3A_17 = arith.constant 0 : i32
    %dma_start3A_18 = arith.constant 0 : i32
    %dma_start3A_19 = tpu.memref_slice %arg3[%add3A_4, %dma_start3A_18] : memref<500000x128xf32, #tpu.memory_space<hbm>> -> memref<440x128xf32, #tpu.memory_space<hbm>>
    %dma_start3A_20 = tpu.memref_slice %arg8[%dma_start3A_17] : memref<2x!tpu.dma_semaphore, #tpu.memory_space<semaphore_mem>> -> memref<1x!tpu.dma_semaphore, #tpu.memory_space<semaphore_mem>>
    %dma_start3A_21 = tpu.memref_squeeze %dma_start3A_20 : memref<1x!tpu.dma_semaphore, #tpu.memory_space<semaphore_mem>> -> memref<!tpu.dma_semaphore, #tpu.memory_space<semaphore_mem>>
    %dma_start3A_22 = arith.constant 0 : i32
    %dma_start3A_23 = tpu.memref_slice %arg3[%add3A_4, %dma_start3A_22] : memref<500000x128xf32, #tpu.memory_space<hbm>> -> memref<440x128xf32, #tpu.memory_space<hbm>>
    tpu.enqueue_dma source(%arg5 : memref<440x128xf32, #tpu.memory_space<vmem>>) target(%dma_start3A_23 : memref<440x128xf32, #tpu.memory_space<hbm>>) target_semaphore(%dma_start3A_21 : memref<!tpu.dma_semaphore, #tpu.memory_space<semaphore_mem>>)
    %add3A_24 = arith.constant 440 : i32
    %add3A_25 = arith.addi %mul3A_2, %add3A_24 : i32
    %dma_start3A_26 = arith.constant 1 : i32
    %dma_start3A_27 = arith.constant 0 : i32
    %dma_start3A_28 = tpu.memref_slice %arg2[%add3A_25, %dma_start3A_27] : memref<500000x128xf32, #tpu.memory_space<hbm>> -> memref<440x128xf32, #tpu.memory_space<hbm>>
    %dma_start3A_29 = tpu.memref_slice %arg7[%dma_start3A_26] : memref<2x!tpu.dma_semaphore, #tpu.memory_space<semaphore_mem>> -> memref<1x!tpu.dma_semaphore, #tpu.memory_space<semaphore_mem>>
    %dma_start3A_30 = tpu.memref_squeeze %dma_start3A_29 : memref<1x!tpu.dma_semaphore, #tpu.memory_space<semaphore_mem>> -> memref<!tpu.dma_semaphore, #tpu.memory_space<semaphore_mem>>
    %dma_start3A_31 = arith.constant 0 : i32
    %dma_start3A_32 = tpu.memref_slice %arg2[%add3A_25, %dma_start3A_31] : memref<500000x128xf32, #tpu.memory_space<hbm>> -> memref<440x128xf32, #tpu.memory_space<hbm>>
    tpu.enqueue_dma source(%dma_start3A_32 : memref<440x128xf32, #tpu.memory_space<hbm>>) target(%arg6 : memref<440x128xf32, #tpu.memory_space<vmem>>) target_semaphore(%dma_start3A_30 : memref<!tpu.dma_semaphore, #tpu.memory_space<semaphore_mem>>)
    %dma_wait3A_33 = arith.constant 1 : i32
    %dma_wait3A_34 = arith.constant 0 : i32
    %dma_wait3A_35 = tpu.memref_slice %arg2[%add3A_25, %dma_wait3A_34] : memref<500000x128xf32, #tpu.memory_space<hbm>> -> memref<440x128xf32, #tpu.memory_space<hbm>>
    %dma_wait3A_36 = tpu.memref_slice %arg7[%dma_wait3A_33] : memref<2x!tpu.dma_semaphore, #tpu.memory_space<semaphore_mem>> -> memref<1x!tpu.dma_semaphore, #tpu.memory_space<semaphore_mem>>
    %dma_wait3A_37 = tpu.memref_squeeze %dma_wait3A_36 : memref<1x!tpu.dma_semaphore, #tpu.memory_space<semaphore_mem>> -> memref<!tpu.dma_semaphore, #tpu.memory_space<semaphore_mem>>
    %dma_wait3A_38 = arith.constant 0 : i32
    %dma_wait3A_39 = tpu.memref_slice %arg2[%add3A_25, %dma_wait3A_38] : memref<500000x128xf32, #tpu.memory_space<hbm>> -> memref<440x128xf32, #tpu.memory_space<hbm>>
    tpu.wait_dma2 semaphore(%dma_wait3A_37 : memref<!tpu.dma_semaphore, #tpu.memory_space<semaphore_mem>>) src(%dma_wait3A_39 : memref<440x128xf32, #tpu.memory_space<hbm>>) dst(%arg6 : memref<440x128xf32, #tpu.memory_space<vmem>>)
    %dma_start3A_40 = arith.constant 1 : i32
    %dma_start3A_41 = arith.constant 0 : i32
    %dma_start3A_42 = tpu.memref_slice %arg3[%add3A_25, %dma_start3A_41] : memref<500000x128xf32, #tpu.memory_space<hbm>> -> memref<440x128xf32, #tpu.memory_space<hbm>>
    %dma_start3A_43 = tpu.memref_slice %arg8[%dma_start3A_40] : memref<2x!tpu.dma_semaphore, #tpu.memory_space<semaphore_mem>> -> memref<1x!tpu.dma_semaphore, #tpu.memory_space<semaphore_mem>>
    %dma_start3A_44 = tpu.memref_squeeze %dma_start3A_43 : memref<1x!tpu.dma_semaphore, #tpu.memory_space<semaphore_mem>> -> memref<!tpu.dma_semaphore, #tpu.memory_space<semaphore_mem>>
    %dma_start3A_45 = arith.constant 0 : i32
    %dma_start3A_46 = tpu.memref_slice %arg3[%add3A_25, %dma_start3A_45] : memref<500000x128xf32, #tpu.memory_space<hbm>> -> memref<440x128xf32, #tpu.memory_space<hbm>>
    tpu.enqueue_dma source(%arg6 : memref<440x128xf32, #tpu.memory_space<vmem>>) target(%dma_start3A_46 : memref<440x128xf32, #tpu.memory_space<hbm>>) target_semaphore(%dma_start3A_44 : memref<!tpu.dma_semaphore, #tpu.memory_space<semaphore_mem>>)
    %add3A_47 = arith.constant 880 : i32
    %add3A_48 = arith.addi %mul3A_2, %add3A_47 : i32
    %sub3A = arith.constant 880 : i32
    %sub3A_49 = arith.subi %add3A_48, %sub3A : i32
    %dma_wait3A_50 = arith.constant 0 : i32
    %dma_wait3A_51 = arith.constant 0 : i32
    %dma_wait3A_52 = tpu.memref_slice %arg3[%sub3A_49, %dma_wait3A_51] : memref<500000x128xf32, #tpu.memory_space<hbm>> -> memref<440x128xf32, #tpu.memory_space<hbm>>
    %dma_wait3A_53 = tpu.memref_slice %arg8[%dma_wait3A_50] : memref<2x!tpu.dma_semaphore, #tpu.memory_space<semaphore_mem>> -> memref<1x!tpu.dma_semaphore, #tpu.memory_space<semaphore_mem>>
    %dma_wait3A_54 = tpu.memref_squeeze %dma_wait3A_53 : memref<1x!tpu.dma_semaphore, #tpu.memory_space<semaphore_mem>> -> memref<!tpu.dma_semaphore, #tpu.memory_space<semaphore_mem>>
    %dma_wait3A_55 = arith.constant 0 : i32
    %dma_wait3A_56 = tpu.memref_slice %arg3[%sub3A_49, %dma_wait3A_55] : memref<500000x128xf32, #tpu.memory_space<hbm>> -> memref<440x128xf32, #tpu.memory_space<hbm>>
    tpu.wait_dma2 semaphore(%dma_wait3A_54 : memref<!tpu.dma_semaphore, #tpu.memory_space<semaphore_mem>>) src(%arg5 : memref<440x128xf32, #tpu.memory_space<vmem>>) dst(%dma_wait3A_56 : memref<440x128xf32, #tpu.memory_space<hbm>>)
    %dma_start3A_57 = arith.constant 0 : i32
    %dma_start3A_58 = arith.constant 0 : i32
    %dma_start3A_59 = tpu.memref_slice %arg2[%add3A_48, %dma_start3A_58] : memref<500000x128xf32, #tpu.memory_space<hbm>> -> memref<440x128xf32, #tpu.memory_space<hbm>>
    %dma_start3A_60 = tpu.memref_slice %arg7[%dma_start3A_57] : memref<2x!tpu.dma_semaphore, #tpu.memory_space<semaphore_mem>> -> memref<1x!tpu.dma_semaphore, #tpu.memory_space<semaphore_mem>>
    %dma_start3A_61 = tpu.memref_squeeze %dma_start3A_60 : memref<1x!tpu.dma_semaphore, #tpu.memory_space<semaphore_mem>> -> memref<!tpu.dma_semaphore, #tpu.memory_space<semaphore_mem>>
    %dma_start3A_62 = arith.constant 0 : i32
    %dma_start3A_63 = tpu.memref_slice %arg2[%add3A_48, %dma_start3A_62] : memref<500000x128xf32, #tpu.memory_space<hbm>> -> memref<440x128xf32, #tpu.memory_space<hbm>>
    tpu.enqueue_dma source(%dma_start3A_63 : memref<440x128xf32, #tpu.memory_space<hbm>>) target(%arg5 : memref<440x128xf32, #tpu.memory_space<vmem>>) target_semaphore(%dma_start3A_61 : memref<!tpu.dma_semaphore, #tpu.memory_space<semaphore_mem>>)
    %dma_wait3A_64 = arith.constant 0 : i32
    %dma_wait3A_65 = arith.constant 0 : i32
    %dma_wait3A_66 = tpu.memref_slice %arg2[%add3A_48, %dma_wait3A_65] : memref<500000x128xf32, #tpu.memory_space<hbm>> -> memref<440x128xf32, #tpu.memory_space<hbm>>
    %dma_wait3A_67 = tpu.memref_slice %arg7[%dma_wait3A_64] : memref<2x!tpu.dma_semaphore, #tpu.memory_space<semaphore_mem>> -> memref<1x!tpu.dma_semaphore, #tpu.memory_space<semaphore_mem>>
    %dma_wait3A_68 = tpu.memref_squeeze %dma_wait3A_67 : memref<1x!tpu.dma_semaphore, #tpu.memory_space<semaphore_mem>> -> memref<!tpu.dma_semaphore, #tpu.memory_space<semaphore_mem>>
    %dma_wait3A_69 = arith.constant 0 : i32
    %dma_wait3A_70 = tpu.memref_slice %arg2[%add3A_48, %dma_wait3A_69] : memref<500000x128xf32, #tpu.memory_space<hbm>> -> memref<440x128xf32, #tpu.memory_space<hbm>>
    tpu.wait_dma2 semaphore(%dma_wait3A_68 : memref<!tpu.dma_semaphore, #tpu.memory_space<semaphore_mem>>) src(%dma_wait3A_70 : memref<440x128xf32, #tpu.memory_space<hbm>>) dst(%arg5 : memref<440x128xf32, #tpu.memory_space<vmem>>)
    %dma_start3A_71 = arith.constant 0 : i32
    %dma_start3A_72 = arith.constant 0 : i32
    %dma_start3A_73 = tpu.memref_slice %arg3[%add3A_48, %dma_start3A_72] : memref<500000x128xf32, #tpu.memory_space<hbm>> -> memref<440x128xf32, #tpu.memory_space<hbm>>
    %dma_start3A_74 = tpu.memref_slice %arg8[%dma_start3A_71] : memref<2x!tpu.dma_semaphore, #tpu.memory_space<semaphore_mem>> -> memref<1x!tpu.dma_semaphore, #tpu.memory_space<semaphore_mem>>
    %dma_start3A_75 = tpu.memref_squeeze %dma_start3A_74 : memref<1x!tpu.dma_semaphore, #tpu.memory_space<semaphore_mem>> -> memref<!tpu.dma_semaphore, #tpu.memory_space<semaphore_mem>>
    %dma_start3A_76 = arith.constant 0 : i32
    %dma_start3A_77 = tpu.memref_slice %arg3[%add3A_48, %dma_start3A_76] : memref<500000x128xf32, #tpu.memory_space<hbm>> -> memref<440x128xf32, #tpu.memory_space<hbm>>
    tpu.enqueue_dma source(%arg5 : memref<440x128xf32, #tpu.memory_space<vmem>>) target(%dma_start3A_77 : memref<440x128xf32, #tpu.memory_space<hbm>>) target_semaphore(%dma_start3A_75 : memref<!tpu.dma_semaphore, #tpu.memory_space<semaphore_mem>>)
    %add3A_78 = arith.constant 1320 : i32
    %add3A_79 = arith.addi %mul3A_2, %add3A_78 : i32
    %sub3A_80 = arith.constant 880 : i32
    %sub3A_81 = arith.subi %add3A_79, %sub3A_80 : i32
    %dma_wait3A_82 = arith.constant 1 : i32
    %dma_wait3A_83 = arith.constant 0 : i32
    %dma_wait3A_84 = tpu.memref_slice %arg3[%sub3A_81, %dma_wait3A_83] : memref<500000x128xf32, #tpu.memory_space<hbm>> -> memref<440x128xf32, #tpu.memory_space<hbm>>
    %dma_wait3A_85 = tpu.memref_slice %arg8[%dma_wait3A_82] : memref<2x!tpu.dma_semaphore, #tpu.memory_space<semaphore_mem>> -> memref<1x!tpu.dma_semaphore, #tpu.memory_space<semaphore_mem>>
    %dma_wait3A_86 = tpu.memref_squeeze %dma_wait3A_85 : memref<1x!tpu.dma_semaphore, #tpu.memory_space<semaphore_mem>> -> memref<!tpu.dma_semaphore, #tpu.memory_space<semaphore_mem>>
    %dma_wait3A_87 = arith.constant 0 : i32
    %dma_wait3A_88 = tpu.memref_slice %arg3[%sub3A_81, %dma_wait3A_87] : memref<500000x128xf32, #tpu.memory_space<hbm>> -> memref<440x128xf32, #tpu.memory_space<hbm>>
    tpu.wait_dma2 semaphore(%dma_wait3A_86 : memref<!tpu.dma_semaphore, #tpu.memory_space<semaphore_mem>>) src(%arg6 : memref<440x128xf32, #tpu.memory_space<vmem>>) dst(%dma_wait3A_88 : memref<440x128xf32, #tpu.memory_space<hbm>>)
    %dma_start3A_89 = arith.constant 1 : i32
    %dma_start3A_90 = arith.constant 0 : i32
    %dma_start3A_91 = tpu.memref_slice %arg2[%add3A_79, %dma_start3A_90] : memref<500000x128xf32, #tpu.memory_space<hbm>> -> memref<440x128xf32, #tpu.memory_space<hbm>>
    %dma_start3A_92 = tpu.memref_slice %arg7[%dma_start3A_89] : memref<2x!tpu.dma_semaphore, #tpu.memory_space<semaphore_mem>> -> memref<1x!tpu.dma_semaphore, #tpu.memory_space<semaphore_mem>>
    %dma_start3A_93 = tpu.memref_squeeze %dma_start3A_92 : memref<1x!tpu.dma_semaphore, #tpu.memory_space<semaphore_mem>> -> memref<!tpu.dma_semaphore, #tpu.memory_space<semaphore_mem>>
    %dma_start3A_94 = arith.constant 0 : i32
    %dma_start3A_95 = tpu.memref_slice %arg2[%add3A_79, %dma_start3A_94] : memref<500000x128xf32, #tpu.memory_space<hbm>> -> memref<440x128xf32, #tpu.memory_space<hbm>>
    tpu.enqueue_dma source(%dma_start3A_95 : memref<440x128xf32, #tpu.memory_space<hbm>>) target(%arg6 : memref<440x128xf32, #tpu.memory_space<vmem>>) target_semaphore(%dma_start3A_93 : memref<!tpu.dma_semaphore, #tpu.memory_space<semaphore_mem>>)
    %dma_wait3A_96 = arith.constant 1 : i32
    %dma_wait3A_97 = arith.constant 0 : i32
    %dma_wait3A_98 = tpu.memref_slice %arg2[%add3A_79, %dma_wait3A_97] : memref<500000x128xf32, #tpu.memory_space<hbm>> -> memref<440x128xf32, #tpu.memory_space<hbm>>
    %dma_wait3A_99 = tpu.memref_slice %arg7[%dma_wait3A_96] : memref<2x!tpu.dma_semaphore, #tpu.memory_space<semaphore_mem>> -> memref<1x!tpu.dma_semaphore, #tpu.memory_space<semaphore_mem>>
    %dma_wait3A_100 = tpu.memref_squeeze %dma_wait3A_99 : memref<1x!tpu.dma_semaphore, #tpu.memory_space<semaphore_mem>> -> memref<!tpu.dma_semaphore, #tpu.memory_space<semaphore_mem>>
    %dma_wait3A_101 = arith.constant 0 : i32
    %dma_wait3A_102 = tpu.memref_slice %arg2[%add3A_79, %dma_wait3A_101] : memref<500000x128xf32, #tpu.memory_space<hbm>> -> memref<440x128xf32, #tpu.memory_space<hbm>>
    tpu.wait_dma2 semaphore(%dma_wait3A_100 : memref<!tpu.dma_semaphore, #tpu.memory_space<semaphore_mem>>) src(%dma_wait3A_102 : memref<440x128xf32, #tpu.memory_space<hbm>>) dst(%arg6 : memref<440x128xf32, #tpu.memory_space<vmem>>)
    %dma_start3A_103 = arith.constant 1 : i32
    %dma_start3A_104 = arith.constant 0 : i32
    %dma_start3A_105 = tpu.memref_slice %arg3[%add3A_79, %dma_start3A_104] : memref<500000x128xf32, #tpu.memory_space<hbm>> -> memref<440x128xf32, #tpu.memory_space<hbm>>
    %dma_start3A_106 = tpu.memref_slice %arg8[%dma_start3A_103] : memref<2x!tpu.dma_semaphore, #tpu.memory_space<semaphore_mem>> -> memref<1x!tpu.dma_semaphore, #tpu.memory_space<semaphore_mem>>
    %dma_start3A_107 = tpu.memref_squeeze %dma_start3A_106 : memref<1x!tpu.dma_semaphore, #tpu.memory_space<semaphore_mem>> -> memref<!tpu.dma_semaphore, #tpu.memory_space<semaphore_mem>>
    %dma_start3A_108 = arith.constant 0 : i32
    %dma_start3A_109 = tpu.memref_slice %arg3[%add3A_79, %dma_start3A_108] : memref<500000x128xf32, #tpu.memory_space<hbm>> -> memref<440x128xf32, #tpu.memory_space<hbm>>
    tpu.enqueue_dma source(%arg6 : memref<440x128xf32, #tpu.memory_space<vmem>>) target(%dma_start3A_109 : memref<440x128xf32, #tpu.memory_space<hbm>>) target_semaphore(%dma_start3A_107 : memref<!tpu.dma_semaphore, #tpu.memory_space<semaphore_mem>>)
    %add3A_110 = arith.constant 1760 : i32
    %add3A_111 = arith.addi %mul3A_2, %add3A_110 : i32
    %sub3A_112 = arith.constant 880 : i32
    %sub3A_113 = arith.subi %add3A_111, %sub3A_112 : i32
    %dma_wait3A_114 = arith.constant 0 : i32
    %dma_wait3A_115 = arith.constant 0 : i32
    %dma_wait3A_116 = tpu.memref_slice %arg3[%sub3A_113, %dma_wait3A_115] : memref<500000x128xf32, #tpu.memory_space<hbm>> -> memref<440x128xf32, #tpu.memory_space<hbm>>
    %dma_wait3A_117 = tpu.memref_slice %arg8[%dma_wait3A_114] : memref<2x!tpu.dma_semaphore, #tpu.memory_space<semaphore_mem>> -> memref<1x!tpu.dma_semaphore, #tpu.memory_space<semaphore_mem>>
    %dma_wait3A_118 = tpu.memref_squeeze %dma_wait3A_117 : memref<1x!tpu.dma_semaphore, #tpu.memory_space<semaphore_mem>> -> memref<!tpu.dma_semaphore, #tpu.memory_space<semaphore_mem>>
    %dma_wait3A_119 = arith.constant 0 : i32
    %dma_wait3A_120 = tpu.memref_slice %arg3[%sub3A_113, %dma_wait3A_119] : memref<500000x128xf32, #tpu.memory_space<hbm>> -> memref<440x128xf32, #tpu.memory_space<hbm>>
    tpu.wait_dma2 semaphore(%dma_wait3A_118 : memref<!tpu.dma_semaphore, #tpu.memory_space<semaphore_mem>>) src(%arg5 : memref<440x128xf32, #tpu.memory_space<vmem>>) dst(%dma_wait3A_120 : memref<440x128xf32, #tpu.memory_space<hbm>>)
    %dma_start3A_121 = arith.constant 0 : i32
    %dma_start3A_122 = arith.constant 0 : i32
    %dma_start3A_123 = tpu.memref_slice %arg2[%add3A_111, %dma_start3A_122] : memref<500000x128xf32, #tpu.memory_space<hbm>> -> memref<440x128xf32, #tpu.memory_space<hbm>>
    %dma_start3A_124 = tpu.memref_slice %arg7[%dma_start3A_121] : memref<2x!tpu.dma_semaphore, #tpu.memory_space<semaphore_mem>> -> memref<1x!tpu.dma_semaphore, #tpu.memory_space<semaphore_mem>>
    %dma_start3A_125 = tpu.memref_squeeze %dma_start3A_124 : memref<1x!tpu.dma_semaphore, #tpu.memory_space<semaphore_mem>> -> memref<!tpu.dma_semaphore, #tpu.memory_space<semaphore_mem>>
    %dma_start3A_126 = arith.constant 0 : i32
    %dma_start3A_127 = tpu.memref_slice %arg2[%add3A_111, %dma_start3A_126] : memref<500000x128xf32, #tpu.memory_space<hbm>> -> memref<440x128xf32, #tpu.memory_space<hbm>>
    tpu.enqueue_dma source(%dma_start3A_127 : memref<440x128xf32, #tpu.memory_space<hbm>>) target(%arg5 : memref<440x128xf32, #tpu.memory_space<vmem>>) target_semaphore(%dma_start3A_125 : memref<!tpu.dma_semaphore, #tpu.memory_space<semaphore_mem>>)
    %dma_wait3A_128 = arith.constant 0 : i32
    %dma_wait3A_129 = arith.constant 0 : i32
    %dma_wait3A_130 = tpu.memref_slice %arg2[%add3A_111, %dma_wait3A_129] : memref<500000x128xf32, #tpu.memory_space<hbm>> -> memref<440x128xf32, #tpu.memory_space<hbm>>
    %dma_wait3A_131 = tpu.memref_slice %arg7[%dma_wait3A_128] : memref<2x!tpu.dma_semaphore, #tpu.memory_space<semaphore_mem>> -> memref<1x!tpu.dma_semaphore, #tpu.memory_space<semaphore_mem>>
    %dma_wait3A_132 = tpu.memref_squeeze %dma_wait3A_131 : memref<1x!tpu.dma_semaphore, #tpu.memory_space<semaphore_mem>> -> memref<!tpu.dma_semaphore, #tpu.memory_space<semaphore_mem>>
    %dma_wait3A_133 = arith.constant 0 : i32
    %dma_wait3A_134 = tpu.memref_slice %arg2[%add3A_111, %dma_wait3A_133] : memref<500000x128xf32, #tpu.memory_space<hbm>> -> memref<440x128xf32, #tpu.memory_space<hbm>>
    tpu.wait_dma2 semaphore(%dma_wait3A_132 : memref<!tpu.dma_semaphore, #tpu.memory_space<semaphore_mem>>) src(%dma_wait3A_134 : memref<440x128xf32, #tpu.memory_space<hbm>>) dst(%arg5 : memref<440x128xf32, #tpu.memory_space<vmem>>)
    %dma_start3A_135 = arith.constant 0 : i32
    %dma_start3A_136 = arith.constant 0 : i32
    %dma_start3A_137 = tpu.memref_slice %arg3[%add3A_111, %dma_start3A_136] : memref<500000x128xf32, #tpu.memory_space<hbm>> -> memref<440x128xf32, #tpu.memory_space<hbm>>
    %dma_start3A_138 = tpu.memref_slice %arg8[%dma_start3A_135] : memref<2x!tpu.dma_semaphore, #tpu.memory_space<semaphore_mem>> -> memref<1x!tpu.dma_semaphore, #tpu.memory_space<semaphore_mem>>
    %dma_start3A_139 = tpu.memref_squeeze %dma_start3A_138 : memref<1x!tpu.dma_semaphore, #tpu.memory_space<semaphore_mem>> -> memref<!tpu.dma_semaphore, #tpu.memory_space<semaphore_mem>>
    %dma_start3A_140 = arith.constant 0 : i32
    %dma_start3A_141 = tpu.memref_slice %arg3[%add3A_111, %dma_start3A_140] : memref<500000x128xf32, #tpu.memory_space<hbm>> -> memref<440x128xf32, #tpu.memory_space<hbm>>
    tpu.enqueue_dma source(%arg5 : memref<440x128xf32, #tpu.memory_space<vmem>>) target(%dma_start3A_141 : memref<440x128xf32, #tpu.memory_space<hbm>>) target_semaphore(%dma_start3A_139 : memref<!tpu.dma_semaphore, #tpu.memory_space<semaphore_mem>>)
    %add3A_142 = arith.constant 2200 : i32
    %add3A_143 = arith.addi %mul3A_2, %add3A_142 : i32
    %sub3A_144 = arith.constant 880 : i32
    %sub3A_145 = arith.subi %add3A_143, %sub3A_144 : i32
    %dma_wait3A_146 = arith.constant 1 : i32
    %dma_wait3A_147 = arith.constant 0 : i32
    %dma_wait3A_148 = tpu.memref_slice %arg3[%sub3A_145, %dma_wait3A_147] : memref<500000x128xf32, #tpu.memory_space<hbm>> -> memref<440x128xf32, #tpu.memory_space<hbm>>
    %dma_wait3A_149 = tpu.memref_slice %arg8[%dma_wait3A_146] : memref<2x!tpu.dma_semaphore, #tpu.memory_space<semaphore_mem>> -> memref<1x!tpu.dma_semaphore, #tpu.memory_space<semaphore_mem>>
    %dma_wait3A_150 = tpu.memref_squeeze %dma_wait3A_149 : memref<1x!tpu.dma_semaphore, #tpu.memory_space<semaphore_mem>> -> memref<!tpu.dma_semaphore, #tpu.memory_space<semaphore_mem>>
    %dma_wait3A_151 = arith.constant 0 : i32
    %dma_wait3A_152 = tpu.memref_slice %arg3[%sub3A_145, %dma_wait3A_151] : memref<500000x128xf32, #tpu.memory_space<hbm>> -> memref<440x128xf32, #tpu.memory_space<hbm>>
    tpu.wait_dma2 semaphore(%dma_wait3A_150 : memref<!tpu.dma_semaphore, #tpu.memory_space<semaphore_mem>>) src(%arg6 : memref<440x128xf32, #tpu.memory_space<vmem>>) dst(%dma_wait3A_152 : memref<440x128xf32, #tpu.memory_space<hbm>>)
    %dma_start3A_153 = arith.constant 1 : i32
    %dma_start3A_154 = arith.constant 0 : i32
    %dma_start3A_155 = tpu.memref_slice %arg2[%add3A_143, %dma_start3A_154] : memref<500000x128xf32, #tpu.memory_space<hbm>> -> memref<440x128xf32, #tpu.memory_space<hbm>>
    %dma_start3A_156 = tpu.memref_slice %arg7[%dma_start3A_153] : memref<2x!tpu.dma_semaphore, #tpu.memory_space<semaphore_mem>> -> memref<1x!tpu.dma_semaphore, #tpu.memory_space<semaphore_mem>>
    %dma_start3A_157 = tpu.memref_squeeze %dma_start3A_156 : memref<1x!tpu.dma_semaphore, #tpu.memory_space<semaphore_mem>> -> memref<!tpu.dma_semaphore, #tpu.memory_space<semaphore_mem>>
    %dma_start3A_158 = arith.constant 0 : i32
    %dma_start3A_159 = tpu.memref_slice %arg2[%add3A_143, %dma_start3A_158] : memref<500000x128xf32, #tpu.memory_space<hbm>> -> memref<440x128xf32, #tpu.memory_space<hbm>>
    tpu.enqueue_dma source(%dma_start3A_159 : memref<440x128xf32, #tpu.memory_space<hbm>>) target(%arg6 : memref<440x128xf32, #tpu.memory_space<vmem>>) target_semaphore(%dma_start3A_157 : memref<!tpu.dma_semaphore, #tpu.memory_space<semaphore_mem>>)
    %dma_wait3A_160 = arith.constant 1 : i32
    %dma_wait3A_161 = arith.constant 0 : i32
    %dma_wait3A_162 = tpu.memref_slice %arg2[%add3A_143, %dma_wait3A_161] : memref<500000x128xf32, #tpu.memory_space<hbm>> -> memref<440x128xf32, #tpu.memory_space<hbm>>
    %dma_wait3A_163 = tpu.memref_slice %arg7[%dma_wait3A_160] : memref<2x!tpu.dma_semaphore, #tpu.memory_space<semaphore_mem>> -> memref<1x!tpu.dma_semaphore, #tpu.memory_space<semaphore_mem>>
    %dma_wait3A_164 = tpu.memref_squeeze %dma_wait3A_163 : memref<1x!tpu.dma_semaphore, #tpu.memory_space<semaphore_mem>> -> memref<!tpu.dma_semaphore, #tpu.memory_space<semaphore_mem>>
    %dma_wait3A_165 = arith.constant 0 : i32
    %dma_wait3A_166 = tpu.memref_slice %arg2[%add3A_143, %dma_wait3A_165] : memref<500000x128xf32, #tpu.memory_space<hbm>> -> memref<440x128xf32, #tpu.memory_space<hbm>>
    tpu.wait_dma2 semaphore(%dma_wait3A_164 : memref<!tpu.dma_semaphore, #tpu.memory_space<semaphore_mem>>) src(%dma_wait3A_166 : memref<440x128xf32, #tpu.memory_space<hbm>>) dst(%arg6 : memref<440x128xf32, #tpu.memory_space<vmem>>)
    %dma_start3A_167 = arith.constant 1 : i32
    %dma_start3A_168 = arith.constant 0 : i32
    %dma_start3A_169 = tpu.memref_slice %arg3[%add3A_143, %dma_start3A_168] : memref<500000x128xf32, #tpu.memory_space<hbm>> -> memref<440x128xf32, #tpu.memory_space<hbm>>
    %dma_start3A_170 = tpu.memref_slice %arg8[%dma_start3A_167] : memref<2x!tpu.dma_semaphore, #tpu.memory_space<semaphore_mem>> -> memref<1x!tpu.dma_semaphore, #tpu.memory_space<semaphore_mem>>
    %dma_start3A_171 = tpu.memref_squeeze %dma_start3A_170 : memref<1x!tpu.dma_semaphore, #tpu.memory_space<semaphore_mem>> -> memref<!tpu.dma_semaphore, #tpu.memory_space<semaphore_mem>>
    %dma_start3A_172 = arith.constant 0 : i32
    %dma_start3A_173 = tpu.memref_slice %arg3[%add3A_143, %dma_start3A_172] : memref<500000x128xf32, #tpu.memory_space<hbm>> -> memref<440x128xf32, #tpu.memory_space<hbm>>
    tpu.enqueue_dma source(%arg6 : memref<440x128xf32, #tpu.memory_space<vmem>>) target(%dma_start3A_173 : memref<440x128xf32, #tpu.memory_space<hbm>>) target_semaphore(%dma_start3A_171 : memref<!tpu.dma_semaphore, #tpu.memory_space<semaphore_mem>>)
    %add3A_174 = arith.constant 2640 : i32
    %add3A_175 = arith.addi %mul3A_2, %add3A_174 : i32
    %sub3A_176 = arith.constant 880 : i32
    %sub3A_177 = arith.subi %add3A_175, %sub3A_176 : i32
    %dma_wait3A_178 = arith.constant 0 : i32
    %dma_wait3A_179 = arith.constant 0 : i32
    %dma_wait3A_180 = tpu.memref_slice %arg3[%sub3A_177, %dma_wait3A_179] : memref<500000x128xf32, #tpu.memory_space<hbm>> -> memref<440x128xf32, #tpu.memory_space<hbm>>
    %dma_wait3A_181 = tpu.memref_slice %arg8[%dma_wait3A_178] : memref<2x!tpu.dma_semaphore, #tpu.memory_space<semaphore_mem>> -> memref<1x!tpu.dma_semaphore, #tpu.memory_space<semaphore_mem>>
    %dma_wait3A_182 = tpu.memref_squeeze %dma_wait3A_181 : memref<1x!tpu.dma_semaphore, #tpu.memory_space<semaphore_mem>> -> memref<!tpu.dma_semaphore, #tpu.memory_space<semaphore_mem>>
    %dma_wait3A_183 = arith.constant 0 : i32
    %dma_wait3A_184 = tpu.memref_slice %arg3[%sub3A_177, %dma_wait3A_183] : memref<500000x128xf32, #tpu.memory_space<hbm>> -> memref<440x128xf32, #tpu.memory_space<hbm>>
    tpu.wait_dma2 semaphore(%dma_wait3A_182 : memref<!tpu.dma_semaphore, #tpu.memory_space<semaphore_mem>>) src(%arg5 : memref<440x128xf32, #tpu.memory_space<vmem>>) dst(%dma_wait3A_184 : memref<440x128xf32, #tpu.memory_space<hbm>>)
    %dma_start3A_185 = arith.constant 0 : i32
    %dma_start3A_186 = arith.constant 0 : i32
    %dma_start3A_187 = tpu.memref_slice %arg2[%add3A_175, %dma_start3A_186] : memref<500000x128xf32, #tpu.memory_space<hbm>> -> memref<440x128xf32, #tpu.memory_space<hbm>>
    %dma_start3A_188 = tpu.memref_slice %arg7[%dma_start3A_185] : memref<2x!tpu.dma_semaphore, #tpu.memory_space<semaphore_mem>> -> memref<1x!tpu.dma_semaphore, #tpu.memory_space<semaphore_mem>>
    %dma_start3A_189 = tpu.memref_squeeze %dma_start3A_188 : memref<1x!tpu.dma_semaphore, #tpu.memory_space<semaphore_mem>> -> memref<!tpu.dma_semaphore, #tpu.memory_space<semaphore_mem>>
    %dma_start3A_190 = arith.constant 0 : i32
    %dma_start3A_191 = tpu.memref_slice %arg2[%add3A_175, %dma_start3A_190] : memref<500000x128xf32, #tpu.memory_space<hbm>> -> memref<440x128xf32, #tpu.memory_space<hbm>>
    tpu.enqueue_dma source(%dma_start3A_191 : memref<440x128xf32, #tpu.memory_space<hbm>>) target(%arg5 : memref<440x128xf32, #tpu.memory_space<vmem>>) target_semaphore(%dma_start3A_189 : memref<!tpu.dma_semaphore, #tpu.memory_space<semaphore_mem>>)
    %dma_wait3A_192 = arith.constant 0 : i32
    %dma_wait3A_193 = arith.constant 0 : i32
    %dma_wait3A_194 = tpu.memref_slice %arg2[%add3A_175, %dma_wait3A_193] : memref<500000x128xf32, #tpu.memory_space<hbm>> -> memref<440x128xf32, #tpu.memory_space<hbm>>
    %dma_wait3A_195 = tpu.memref_slice %arg7[%dma_wait3A_192] : memref<2x!tpu.dma_semaphore, #tpu.memory_space<semaphore_mem>> -> memref<1x!tpu.dma_semaphore, #tpu.memory_space<semaphore_mem>>
    %dma_wait3A_196 = tpu.memref_squeeze %dma_wait3A_195 : memref<1x!tpu.dma_semaphore, #tpu.memory_space<semaphore_mem>> -> memref<!tpu.dma_semaphore, #tpu.memory_space<semaphore_mem>>
    %dma_wait3A_197 = arith.constant 0 : i32
    %dma_wait3A_198 = tpu.memref_slice %arg2[%add3A_175, %dma_wait3A_197] : memref<500000x128xf32, #tpu.memory_space<hbm>> -> memref<440x128xf32, #tpu.memory_space<hbm>>
    tpu.wait_dma2 semaphore(%dma_wait3A_196 : memref<!tpu.dma_semaphore, #tpu.memory_space<semaphore_mem>>) src(%dma_wait3A_198 : memref<440x128xf32, #tpu.memory_space<hbm>>) dst(%arg5 : memref<440x128xf32, #tpu.memory_space<vmem>>)
    %dma_start3A_199 = arith.constant 0 : i32
    %dma_start3A_200 = arith.constant 0 : i32
    %dma_start3A_201 = tpu.memref_slice %arg3[%add3A_175, %dma_start3A_200] : memref<500000x128xf32, #tpu.memory_space<hbm>> -> memref<440x128xf32, #tpu.memory_space<hbm>>
    %dma_start3A_202 = tpu.memref_slice %arg8[%dma_start3A_199] : memref<2x!tpu.dma_semaphore, #tpu.memory_space<semaphore_mem>> -> memref<1x!tpu.dma_semaphore, #tpu.memory_space<semaphore_mem>>
    %dma_start3A_203 = tpu.memref_squeeze %dma_start3A_202 : memref<1x!tpu.dma_semaphore, #tpu.memory_space<semaphore_mem>> -> memref<!tpu.dma_semaphore, #tpu.memory_space<semaphore_mem>>
    %dma_start3A_204 = arith.constant 0 : i32
    %dma_start3A_205 = tpu.memref_slice %arg3[%add3A_175, %dma_start3A_204] : memref<500000x128xf32, #tpu.memory_space<hbm>> -> memref<440x128xf32, #tpu.memory_space<hbm>>
    tpu.enqueue_dma source(%arg5 : memref<440x128xf32, #tpu.memory_space<vmem>>) target(%dma_start3A_205 : memref<440x128xf32, #tpu.memory_space<hbm>>) target_semaphore(%dma_start3A_203 : memref<!tpu.dma_semaphore, #tpu.memory_space<semaphore_mem>>)
    %add3A_206 = arith.constant 3080 : i32
    %add3A_207 = arith.addi %mul3A_2, %add3A_206 : i32
    %sub3A_208 = arith.constant 880 : i32
    %sub3A_209 = arith.subi %add3A_207, %sub3A_208 : i32
    %dma_wait3A_210 = arith.constant 1 : i32
    %dma_wait3A_211 = arith.constant 0 : i32
    %dma_wait3A_212 = tpu.memref_slice %arg3[%sub3A_209, %dma_wait3A_211] : memref<500000x128xf32, #tpu.memory_space<hbm>> -> memref<440x128xf32, #tpu.memory_space<hbm>>
    %dma_wait3A_213 = tpu.memref_slice %arg8[%dma_wait3A_210] : memref<2x!tpu.dma_semaphore, #tpu.memory_space<semaphore_mem>> -> memref<1x!tpu.dma_semaphore, #tpu.memory_space<semaphore_mem>>
    %dma_wait3A_214 = tpu.memref_squeeze %dma_wait3A_213 : memref<1x!tpu.dma_semaphore, #tpu.memory_space<semaphore_mem>> -> memref<!tpu.dma_semaphore, #tpu.memory_space<semaphore_mem>>
    %dma_wait3A_215 = arith.constant 0 : i32
    %dma_wait3A_216 = tpu.memref_slice %arg3[%sub3A_209, %dma_wait3A_215] : memref<500000x128xf32, #tpu.memory_space<hbm>> -> memref<440x128xf32, #tpu.memory_space<hbm>>
    tpu.wait_dma2 semaphore(%dma_wait3A_214 : memref<!tpu.dma_semaphore, #tpu.memory_space<semaphore_mem>>) src(%arg6 : memref<440x128xf32, #tpu.memory_space<vmem>>) dst(%dma_wait3A_216 : memref<440x128xf32, #tpu.memory_space<hbm>>)
    %dma_start3A_217 = arith.constant 1 : i32
    %dma_start3A_218 = arith.constant 0 : i32
    %dma_start3A_219 = tpu.memref_slice %arg2[%add3A_207, %dma_start3A_218] : memref<500000x128xf32, #tpu.memory_space<hbm>> -> memref<440x128xf32, #tpu.memory_space<hbm>>
    %dma_start3A_220 = tpu.memref_slice %arg7[%dma_start3A_217] : memref<2x!tpu.dma_semaphore, #tpu.memory_space<semaphore_mem>> -> memref<1x!tpu.dma_semaphore, #tpu.memory_space<semaphore_mem>>
    %dma_start3A_221 = tpu.memref_squeeze %dma_start3A_220 : memref<1x!tpu.dma_semaphore, #tpu.memory_space<semaphore_mem>> -> memref<!tpu.dma_semaphore, #tpu.memory_space<semaphore_mem>>
    %dma_start3A_222 = arith.constant 0 : i32
    %dma_start3A_223 = tpu.memref_slice %arg2[%add3A_207, %dma_start3A_222] : memref<500000x128xf32, #tpu.memory_space<hbm>> -> memref<440x128xf32, #tpu.memory_space<hbm>>
    tpu.enqueue_dma source(%dma_start3A_223 : memref<440x128xf32, #tpu.memory_space<hbm>>) target(%arg6 : memref<440x128xf32, #tpu.memory_space<vmem>>) target_semaphore(%dma_start3A_221 : memref<!tpu.dma_semaphore, #tpu.memory_space<semaphore_mem>>)
    %dma_wait3A_224 = arith.constant 1 : i32
    %dma_wait3A_225 = arith.constant 0 : i32
    %dma_wait3A_226 = tpu.memref_slice %arg2[%add3A_207, %dma_wait3A_225] : memref<500000x128xf32, #tpu.memory_space<hbm>> -> memref<440x128xf32, #tpu.memory_space<hbm>>
    %dma_wait3A_227 = tpu.memref_slice %arg7[%dma_wait3A_224] : memref<2x!tpu.dma_semaphore, #tpu.memory_space<semaphore_mem>> -> memref<1x!tpu.dma_semaphore, #tpu.memory_space<semaphore_mem>>
    %dma_wait3A_228 = tpu.memref_squeeze %dma_wait3A_227 : memref<1x!tpu.dma_semaphore, #tpu.memory_space<semaphore_mem>> -> memref<!tpu.dma_semaphore, #tpu.memory_space<semaphore_mem>>
    %dma_wait3A_229 = arith.constant 0 : i32
    %dma_wait3A_230 = tpu.memref_slice %arg2[%add3A_207, %dma_wait3A_229] : memref<500000x128xf32, #tpu.memory_space<hbm>> -> memref<440x128xf32, #tpu.memory_space<hbm>>
    tpu.wait_dma2 semaphore(%dma_wait3A_228 : memref<!tpu.dma_semaphore, #tpu.memory_space<semaphore_mem>>) src(%dma_wait3A_230 : memref<440x128xf32, #tpu.memory_space<hbm>>) dst(%arg6 : memref<440x128xf32, #tpu.memory_space<vmem>>)
    %dma_start3A_231 = arith.constant 1 : i32
    %dma_start3A_232 = arith.constant 0 : i32
    %dma_start3A_233 = tpu.memref_slice %arg3[%add3A_207, %dma_start3A_232] : memref<500000x128xf32, #tpu.memory_space<hbm>> -> memref<440x128xf32, #tpu.memory_space<hbm>>
    %dma_start3A_234 = tpu.memref_slice %arg8[%dma_start3A_231] : memref<2x!tpu.dma_semaphore, #tpu.memory_space<semaphore_mem>> -> memref<1x!tpu.dma_semaphore, #tpu.memory_space<semaphore_mem>>
    %dma_start3A_235 = tpu.memref_squeeze %dma_start3A_234 : memref<1x!tpu.dma_semaphore, #tpu.memory_space<semaphore_mem>> -> memref<!tpu.dma_semaphore, #tpu.memory_space<semaphore_mem>>
    %dma_start3A_236 = arith.constant 0 : i32
    %dma_start3A_237 = tpu.memref_slice %arg3[%add3A_207, %dma_start3A_236] : memref<500000x128xf32, #tpu.memory_space<hbm>> -> memref<440x128xf32, #tpu.memory_space<hbm>>
    tpu.enqueue_dma source(%arg6 : memref<440x128xf32, #tpu.memory_space<vmem>>) target(%dma_start3A_237 : memref<440x128xf32, #tpu.memory_space<hbm>>) target_semaphore(%dma_start3A_235 : memref<!tpu.dma_semaphore, #tpu.memory_space<semaphore_mem>>)
    %add3A_238 = arith.constant 3520 : i32
    %add3A_239 = arith.addi %mul3A_2, %add3A_238 : i32
    %sub3A_240 = arith.constant 880 : i32
    %sub3A_241 = arith.subi %add3A_239, %sub3A_240 : i32
    %dma_wait3A_242 = arith.constant 0 : i32
    %dma_wait3A_243 = arith.constant 0 : i32
    %dma_wait3A_244 = tpu.memref_slice %arg3[%sub3A_241, %dma_wait3A_243] : memref<500000x128xf32, #tpu.memory_space<hbm>> -> memref<440x128xf32, #tpu.memory_space<hbm>>
    %dma_wait3A_245 = tpu.memref_slice %arg8[%dma_wait3A_242] : memref<2x!tpu.dma_semaphore, #tpu.memory_space<semaphore_mem>> -> memref<1x!tpu.dma_semaphore, #tpu.memory_space<semaphore_mem>>
    %dma_wait3A_246 = tpu.memref_squeeze %dma_wait3A_245 : memref<1x!tpu.dma_semaphore, #tpu.memory_space<semaphore_mem>> -> memref<!tpu.dma_semaphore, #tpu.memory_space<semaphore_mem>>
    %dma_wait3A_247 = arith.constant 0 : i32
    %dma_wait3A_248 = tpu.memref_slice %arg3[%sub3A_241, %dma_wait3A_247] : memref<500000x128xf32, #tpu.memory_space<hbm>> -> memref<440x128xf32, #tpu.memory_space<hbm>>
    tpu.wait_dma2 semaphore(%dma_wait3A_246 : memref<!tpu.dma_semaphore, #tpu.memory_space<semaphore_mem>>) src(%arg5 : memref<440x128xf32, #tpu.memory_space<vmem>>) dst(%dma_wait3A_248 : memref<440x128xf32, #tpu.memory_space<hbm>>)
    %dma_start3A_249 = arith.constant 0 : i32
    %dma_start3A_250 = arith.constant 0 : i32
    %dma_start3A_251 = tpu.memref_slice %arg2[%add3A_239, %dma_start3A_250] : memref<500000x128xf32, #tpu.memory_space<hbm>> -> memref<440x128xf32, #tpu.memory_space<hbm>>
    %dma_start3A_252 = tpu.memref_slice %arg7[%dma_start3A_249] : memref<2x!tpu.dma_semaphore, #tpu.memory_space<semaphore_mem>> -> memref<1x!tpu.dma_semaphore, #tpu.memory_space<semaphore_mem>>
    %dma_start3A_253 = tpu.memref_squeeze %dma_start3A_252 : memref<1x!tpu.dma_semaphore, #tpu.memory_space<semaphore_mem>> -> memref<!tpu.dma_semaphore, #tpu.memory_space<semaphore_mem>>
    %dma_start3A_254 = arith.constant 0 : i32
    %dma_start3A_255 = tpu.memref_slice %arg2[%add3A_239, %dma_start3A_254] : memref<500000x128xf32, #tpu.memory_space<hbm>> -> memref<440x128xf32, #tpu.memory_space<hbm>>
    tpu.enqueue_dma source(%dma_start3A_255 : memref<440x128xf32, #tpu.memory_space<hbm>>) target(%arg5 : memref<440x128xf32, #tpu.memory_space<vmem>>) target_semaphore(%dma_start3A_253 : memref<!tpu.dma_semaphore, #tpu.memory_space<semaphore_mem>>)
    %dma_wait3A_256 = arith.constant 0 : i32
    %dma_wait3A_257 = arith.constant 0 : i32
    %dma_wait3A_258 = tpu.memref_slice %arg2[%add3A_239, %dma_wait3A_257] : memref<500000x128xf32, #tpu.memory_space<hbm>> -> memref<440x128xf32, #tpu.memory_space<hbm>>
    %dma_wait3A_259 = tpu.memref_slice %arg7[%dma_wait3A_256] : memref<2x!tpu.dma_semaphore, #tpu.memory_space<semaphore_mem>> -> memref<1x!tpu.dma_semaphore, #tpu.memory_space<semaphore_mem>>
    %dma_wait3A_260 = tpu.memref_squeeze %dma_wait3A_259 : memref<1x!tpu.dma_semaphore, #tpu.memory_space<semaphore_mem>> -> memref<!tpu.dma_semaphore, #tpu.memory_space<semaphore_mem>>
    %dma_wait3A_261 = arith.constant 0 : i32
    %dma_wait3A_262 = tpu.memref_slice %arg2[%add3A_239, %dma_wait3A_261] : memref<500000x128xf32, #tpu.memory_space<hbm>> -> memref<440x128xf32, #tpu.memory_space<hbm>>
    tpu.wait_dma2 semaphore(%dma_wait3A_260 : memref<!tpu.dma_semaphore, #tpu.memory_space<semaphore_mem>>) src(%dma_wait3A_262 : memref<440x128xf32, #tpu.memory_space<hbm>>) dst(%arg5 : memref<440x128xf32, #tpu.memory_space<vmem>>)
    %dma_start3A_263 = arith.constant 0 : i32
    %dma_start3A_264 = arith.constant 0 : i32
    %dma_start3A_265 = tpu.memref_slice %arg3[%add3A_239, %dma_start3A_264] : memref<500000x128xf32, #tpu.memory_space<hbm>> -> memref<440x128xf32, #tpu.memory_space<hbm>>
    %dma_start3A_266 = tpu.memref_slice %arg8[%dma_start3A_263] : memref<2x!tpu.dma_semaphore, #tpu.memory_space<semaphore_mem>> -> memref<1x!tpu.dma_semaphore, #tpu.memory_space<semaphore_mem>>
    %dma_start3A_267 = tpu.memref_squeeze %dma_start3A_266 : memref<1x!tpu.dma_semaphore, #tpu.memory_space<semaphore_mem>> -> memref<!tpu.dma_semaphore, #tpu.memory_space<semaphore_mem>>
    %dma_start3A_268 = arith.constant 0 : i32
    %dma_start3A_269 = tpu.memref_slice %arg3[%add3A_239, %dma_start3A_268] : memref<500000x128xf32, #tpu.memory_space<hbm>> -> memref<440x128xf32, #tpu.memory_space<hbm>>
    tpu.enqueue_dma source(%arg5 : memref<440x128xf32, #tpu.memory_space<vmem>>) target(%dma_start3A_269 : memref<440x128xf32, #tpu.memory_space<hbm>>) target_semaphore(%dma_start3A_267 : memref<!tpu.dma_semaphore, #tpu.memory_space<semaphore_mem>>)
    %add3A_270 = arith.constant 3960 : i32
    %add3A_271 = arith.addi %mul3A_2, %add3A_270 : i32
    %sub3A_272 = arith.constant 880 : i32
    %sub3A_273 = arith.subi %add3A_271, %sub3A_272 : i32
    %dma_wait3A_274 = arith.constant 1 : i32
    %dma_wait3A_275 = arith.constant 0 : i32
    %dma_wait3A_276 = tpu.memref_slice %arg3[%sub3A_273, %dma_wait3A_275] : memref<500000x128xf32, #tpu.memory_space<hbm>> -> memref<440x128xf32, #tpu.memory_space<hbm>>
    %dma_wait3A_277 = tpu.memref_slice %arg8[%dma_wait3A_274] : memref<2x!tpu.dma_semaphore, #tpu.memory_space<semaphore_mem>> -> memref<1x!tpu.dma_semaphore, #tpu.memory_space<semaphore_mem>>
    %dma_wait3A_278 = tpu.memref_squeeze %dma_wait3A_277 : memref<1x!tpu.dma_semaphore, #tpu.memory_space<semaphore_mem>> -> memref<!tpu.dma_semaphore, #tpu.memory_space<semaphore_mem>>
    %dma_wait3A_279 = arith.constant 0 : i32
    %dma_wait3A_280 = tpu.memref_slice %arg3[%sub3A_273, %dma_wait3A_279] : memref<500000x128xf32, #tpu.memory_space<hbm>> -> memref<440x128xf32, #tpu.memory_space<hbm>>
    tpu.wait_dma2 semaphore(%dma_wait3A_278 : memref<!tpu.dma_semaphore, #tpu.memory_space<semaphore_mem>>) src(%arg6 : memref<440x128xf32, #tpu.memory_space<vmem>>) dst(%dma_wait3A_280 : memref<440x128xf32, #tpu.memory_space<hbm>>)
    %dma_start3A_281 = arith.constant 1 : i32
    %dma_start3A_282 = arith.constant 0 : i32
    %dma_start3A_283 = tpu.memref_slice %arg2[%add3A_271, %dma_start3A_282] : memref<500000x128xf32, #tpu.memory_space<hbm>> -> memref<440x128xf32, #tpu.memory_space<hbm>>
    %dma_start3A_284 = tpu.memref_slice %arg7[%dma_start3A_281] : memref<2x!tpu.dma_semaphore, #tpu.memory_space<semaphore_mem>> -> memref<1x!tpu.dma_semaphore, #tpu.memory_space<semaphore_mem>>
    %dma_start3A_285 = tpu.memref_squeeze %dma_start3A_284 : memref<1x!tpu.dma_semaphore, #tpu.memory_space<semaphore_mem>> -> memref<!tpu.dma_semaphore, #tpu.memory_space<semaphore_mem>>
    %dma_start3A_286 = arith.constant 0 : i32
    %dma_start3A_287 = tpu.memref_slice %arg2[%add3A_271, %dma_start3A_286] : memref<500000x128xf32, #tpu.memory_space<hbm>> -> memref<440x128xf32, #tpu.memory_space<hbm>>
    tpu.enqueue_dma source(%dma_start3A_287 : memref<440x128xf32, #tpu.memory_space<hbm>>) target(%arg6 : memref<440x128xf32, #tpu.memory_space<vmem>>) target_semaphore(%dma_start3A_285 : memref<!tpu.dma_semaphore, #tpu.memory_space<semaphore_mem>>)
    %dma_wait3A_288 = arith.constant 1 : i32
    %dma_wait3A_289 = arith.constant 0 : i32
    %dma_wait3A_290 = tpu.memref_slice %arg2[%add3A_271, %dma_wait3A_289] : memref<500000x128xf32, #tpu.memory_space<hbm>> -> memref<440x128xf32, #tpu.memory_space<hbm>>
    %dma_wait3A_291 = tpu.memref_slice %arg7[%dma_wait3A_288] : memref<2x!tpu.dma_semaphore, #tpu.memory_space<semaphore_mem>> -> memref<1x!tpu.dma_semaphore, #tpu.memory_space<semaphore_mem>>
    %dma_wait3A_292 = tpu.memref_squeeze %dma_wait3A_291 : memref<1x!tpu.dma_semaphore, #tpu.memory_space<semaphore_mem>> -> memref<!tpu.dma_semaphore, #tpu.memory_space<semaphore_mem>>
    %dma_wait3A_293 = arith.constant 0 : i32
    %dma_wait3A_294 = tpu.memref_slice %arg2[%add3A_271, %dma_wait3A_293] : memref<500000x128xf32, #tpu.memory_space<hbm>> -> memref<440x128xf32, #tpu.memory_space<hbm>>
    tpu.wait_dma2 semaphore(%dma_wait3A_292 : memref<!tpu.dma_semaphore, #tpu.memory_space<semaphore_mem>>) src(%dma_wait3A_294 : memref<440x128xf32, #tpu.memory_space<hbm>>) dst(%arg6 : memref<440x128xf32, #tpu.memory_space<vmem>>)
    %dma_start3A_295 = arith.constant 1 : i32
    %dma_start3A_296 = arith.constant 0 : i32
    %dma_start3A_297 = tpu.memref_slice %arg3[%add3A_271, %dma_start3A_296] : memref<500000x128xf32, #tpu.memory_space<hbm>> -> memref<440x128xf32, #tpu.memory_space<hbm>>
    %dma_start3A_298 = tpu.memref_slice %arg8[%dma_start3A_295] : memref<2x!tpu.dma_semaphore, #tpu.memory_space<semaphore_mem>> -> memref<1x!tpu.dma_semaphore, #tpu.memory_space<semaphore_mem>>
    %dma_start3A_299 = tpu.memref_squeeze %dma_start3A_298 : memref<1x!tpu.dma_semaphore, #tpu.memory_space<semaphore_mem>> -> memref<!tpu.dma_semaphore, #tpu.memory_space<semaphore_mem>>
    %dma_start3A_300 = arith.constant 0 : i32
    %dma_start3A_301 = tpu.memref_slice %arg3[%add3A_271, %dma_start3A_300] : memref<500000x128xf32, #tpu.memory_space<hbm>> -> memref<440x128xf32, #tpu.memory_space<hbm>>
    tpu.enqueue_dma source(%arg6 : memref<440x128xf32, #tpu.memory_space<vmem>>) target(%dma_start3A_301 : memref<440x128xf32, #tpu.memory_space<hbm>>) target_semaphore(%dma_start3A_299 : memref<!tpu.dma_semaphore, #tpu.memory_space<semaphore_mem>>)
    %add3A_302 = arith.constant 4400 : i32
    %add3A_303 = arith.addi %mul3A_2, %add3A_302 : i32
    %sub3A_304 = arith.constant 880 : i32
    %sub3A_305 = arith.subi %add3A_303, %sub3A_304 : i32
    %dma_wait3A_306 = arith.constant 0 : i32
    %dma_wait3A_307 = arith.constant 0 : i32
    %dma_wait3A_308 = tpu.memref_slice %arg3[%sub3A_305, %dma_wait3A_307] : memref<500000x128xf32, #tpu.memory_space<hbm>> -> memref<440x128xf32, #tpu.memory_space<hbm>>
    %dma_wait3A_309 = tpu.memref_slice %arg8[%dma_wait3A_306] : memref<2x!tpu.dma_semaphore, #tpu.memory_space<semaphore_mem>> -> memref<1x!tpu.dma_semaphore, #tpu.memory_space<semaphore_mem>>
    %dma_wait3A_310 = tpu.memref_squeeze %dma_wait3A_309 : memref<1x!tpu.dma_semaphore, #tpu.memory_space<semaphore_mem>> -> memref<!tpu.dma_semaphore, #tpu.memory_space<semaphore_mem>>
    %dma_wait3A_311 = arith.constant 0 : i32
    %dma_wait3A_312 = tpu.memref_slice %arg3[%sub3A_305, %dma_wait3A_311] : memref<500000x128xf32, #tpu.memory_space<hbm>> -> memref<440x128xf32, #tpu.memory_space<hbm>>
    tpu.wait_dma2 semaphore(%dma_wait3A_310 : memref<!tpu.dma_semaphore, #tpu.memory_space<semaphore_mem>>) src(%arg5 : memref<440x128xf32, #tpu.memory_space<vmem>>) dst(%dma_wait3A_312 : memref<440x128xf32, #tpu.memory_space<hbm>>)
    %dma_start3A_313 = arith.constant 0 : i32
    %dma_start3A_314 = arith.constant 0 : i32
    %dma_start3A_315 = tpu.memref_slice %arg2[%add3A_303, %dma_start3A_314] : memref<500000x128xf32, #tpu.memory_space<hbm>> -> memref<440x128xf32, #tpu.memory_space<hbm>>
    %dma_start3A_316 = tpu.memref_slice %arg7[%dma_start3A_313] : memref<2x!tpu.dma_semaphore, #tpu.memory_space<semaphore_mem>> -> memref<1x!tpu.dma_semaphore, #tpu.memory_space<semaphore_mem>>
    %dma_start3A_317 = tpu.memref_squeeze %dma_start3A_316 : memref<1x!tpu.dma_semaphore, #tpu.memory_space<semaphore_mem>> -> memref<!tpu.dma_semaphore, #tpu.memory_space<semaphore_mem>>
    %dma_start3A_318 = arith.constant 0 : i32
    %dma_start3A_319 = tpu.memref_slice %arg2[%add3A_303, %dma_start3A_318] : memref<500000x128xf32, #tpu.memory_space<hbm>> -> memref<440x128xf32, #tpu.memory_space<hbm>>
    tpu.enqueue_dma source(%dma_start3A_319 : memref<440x128xf32, #tpu.memory_space<hbm>>) target(%arg5 : memref<440x128xf32, #tpu.memory_space<vmem>>) target_semaphore(%dma_start3A_317 : memref<!tpu.dma_semaphore, #tpu.memory_space<semaphore_mem>>)
    %dma_wait3A_320 = arith.constant 0 : i32
    %dma_wait3A_321 = arith.constant 0 : i32
    %dma_wait3A_322 = tpu.memref_slice %arg2[%add3A_303, %dma_wait3A_321] : memref<500000x128xf32, #tpu.memory_space<hbm>> -> memref<440x128xf32, #tpu.memory_space<hbm>>
    %dma_wait3A_323 = tpu.memref_slice %arg7[%dma_wait3A_320] : memref<2x!tpu.dma_semaphore, #tpu.memory_space<semaphore_mem>> -> memref<1x!tpu.dma_semaphore, #tpu.memory_space<semaphore_mem>>
    %dma_wait3A_324 = tpu.memref_squeeze %dma_wait3A_323 : memref<1x!tpu.dma_semaphore, #tpu.memory_space<semaphore_mem>> -> memref<!tpu.dma_semaphore, #tpu.memory_space<semaphore_mem>>
    %dma_wait3A_325 = arith.constant 0 : i32
    %dma_wait3A_326 = tpu.memref_slice %arg2[%add3A_303, %dma_wait3A_325] : memref<500000x128xf32, #tpu.memory_space<hbm>> -> memref<440x128xf32, #tpu.memory_space<hbm>>
    tpu.wait_dma2 semaphore(%dma_wait3A_324 : memref<!tpu.dma_semaphore, #tpu.memory_space<semaphore_mem>>) src(%dma_wait3A_326 : memref<440x128xf32, #tpu.memory_space<hbm>>) dst(%arg5 : memref<440x128xf32, #tpu.memory_space<vmem>>)
    %dma_start3A_327 = arith.constant 0 : i32
    %dma_start3A_328 = arith.constant 0 : i32
    %dma_start3A_329 = tpu.memref_slice %arg3[%add3A_303, %dma_start3A_328] : memref<500000x128xf32, #tpu.memory_space<hbm>> -> memref<440x128xf32, #tpu.memory_space<hbm>>
    %dma_start3A_330 = tpu.memref_slice %arg8[%dma_start3A_327] : memref<2x!tpu.dma_semaphore, #tpu.memory_space<semaphore_mem>> -> memref<1x!tpu.dma_semaphore, #tpu.memory_space<semaphore_mem>>
    %dma_start3A_331 = tpu.memref_squeeze %dma_start3A_330 : memref<1x!tpu.dma_semaphore, #tpu.memory_space<semaphore_mem>> -> memref<!tpu.dma_semaphore, #tpu.memory_space<semaphore_mem>>
    %dma_start3A_332 = arith.constant 0 : i32
    %dma_start3A_333 = tpu.memref_slice %arg3[%add3A_303, %dma_start3A_332] : memref<500000x128xf32, #tpu.memory_space<hbm>> -> memref<440x128xf32, #tpu.memory_space<hbm>>
    tpu.enqueue_dma source(%arg5 : memref<440x128xf32, #tpu.memory_space<vmem>>) target(%dma_start3A_333 : memref<440x128xf32, #tpu.memory_space<hbm>>) target_semaphore(%dma_start3A_331 : memref<!tpu.dma_semaphore, #tpu.memory_space<semaphore_mem>>)
    %add3A_334 = arith.constant 3960 : i32
    %add3A_335 = arith.addi %mul3A_2, %add3A_334 : i32
    %dma_wait3A_336 = arith.constant 1 : i32
    %dma_wait3A_337 = arith.constant 0 : i32
    %dma_wait3A_338 = tpu.memref_slice %arg3[%add3A_335, %dma_wait3A_337] : memref<500000x128xf32, #tpu.memory_space<hbm>> -> memref<440x128xf32, #tpu.memory_space<hbm>>
    %dma_wait3A_339 = tpu.memref_slice %arg8[%dma_wait3A_336] : memref<2x!tpu.dma_semaphore, #tpu.memory_space<semaphore_mem>> -> memref<1x!tpu.dma_semaphore, #tpu.memory_space<semaphore_mem>>
    %dma_wait3A_340 = tpu.memref_squeeze %dma_wait3A_339 : memref<1x!tpu.dma_semaphore, #tpu.memory_space<semaphore_mem>> -> memref<!tpu.dma_semaphore, #tpu.memory_space<semaphore_mem>>
    %dma_wait3A_341 = arith.constant 0 : i32
    %dma_wait3A_342 = tpu.memref_slice %arg3[%add3A_335, %dma_wait3A_341] : memref<500000x128xf32, #tpu.memory_space<hbm>> -> memref<440x128xf32, #tpu.memory_space<hbm>>
    tpu.wait_dma2 semaphore(%dma_wait3A_340 : memref<!tpu.dma_semaphore, #tpu.memory_space<semaphore_mem>>) src(%arg6 : memref<440x128xf32, #tpu.memory_space<vmem>>) dst(%dma_wait3A_342 : memref<440x128xf32, #tpu.memory_space<hbm>>)
    %add3A_343 = arith.constant 4400 : i32
    %add3A_344 = arith.addi %mul3A_2, %add3A_343 : i32
    %dma_wait3A_345 = arith.constant 0 : i32
    %dma_wait3A_346 = arith.constant 0 : i32
    %dma_wait3A_347 = tpu.memref_slice %arg3[%add3A_344, %dma_wait3A_346] : memref<500000x128xf32, #tpu.memory_space<hbm>> -> memref<440x128xf32, #tpu.memory_space<hbm>>
    %dma_wait3A_348 = tpu.memref_slice %arg8[%dma_wait3A_345] : memref<2x!tpu.dma_semaphore, #tpu.memory_space<semaphore_mem>> -> memref<1x!tpu.dma_semaphore, #tpu.memory_space<semaphore_mem>>
    %dma_wait3A_349 = tpu.memref_squeeze %dma_wait3A_348 : memref<1x!tpu.dma_semaphore, #tpu.memory_space<semaphore_mem>> -> memref<!tpu.dma_semaphore, #tpu.memory_space<semaphore_mem>>
    %dma_wait3A_350 = arith.constant 0 : i32
    %dma_wait3A_351 = tpu.memref_slice %arg3[%add3A_344, %dma_wait3A_350] : memref<500000x128xf32, #tpu.memory_space<hbm>> -> memref<440x128xf32, #tpu.memory_space<hbm>>
    tpu.wait_dma2 semaphore(%dma_wait3A_349 : memref<!tpu.dma_semaphore, #tpu.memory_space<semaphore_mem>>) src(%arg5 : memref<440x128xf32, #tpu.memory_space<vmem>>) dst(%dma_wait3A_351 : memref<440x128xf32, #tpu.memory_space<hbm>>)
    return
  }
}

#map = affine_map<(d0, d1) -> (0)>
#map1 = affine_map<(d0, d1) -> (0, 0)>
module attributes {stable_mosaic.version = 14 : i64} {
  func.func @new_body(%arg0: i32, %arg1: i32, %arg2: memref<507904xi32, #tpu.memory_space<hbm>>, %arg3: memref<507904xi32, #tpu.memory_space<hbm>>, %arg4: memref<512xi32, #tpu.memory_space<hbm>>, %arg5: memref<253952x128xf32, #tpu.memory_space<hbm>>, %arg6: memref<500000x128xf32, #tpu.memory_space<hbm>>, %arg7: memref<500000x128xf32, #tpu.memory_space<hbm>>, %arg8: memref<15872xi32, #tpu.memory_space<vmem>>, %arg9: memref<15872xi32, #tpu.memory_space<vmem>>, %arg10: memref<16xi32, #tpu.memory_space<vmem>>, %arg11: memref<128x128xf32, #tpu.memory_space<vmem>>, %arg12: memref<128x128xf32, #tpu.memory_space<vmem>>, %arg13: memref<128x128xf32, #tpu.memory_space<vmem>>, %arg14: memref<128x128xf32, #tpu.memory_space<vmem>>, %arg15: memref<4x!tpu.dma_semaphore, #tpu.memory_space<semaphore_mem>>, %arg16: memref<4x!tpu.dma_semaphore, #tpu.memory_space<semaphore_mem>>) attributes {dimension_semantics = [#tpu.dimension_semantics<core_parallel>, #tpu.dimension_semantics<subcore_parallel>], iteration_bounds = array<i64: 2, 16>, scalar_prefetch = 0 : i64, scratch_operands = 9 : i64, tpu.core_type = #tpu.core_type<sc_vector_subcore>, window_params = [{transform_indices = #map}, {transform_indices = #map}, {transform_indices = #map}, {transform_indices = #map1}, {transform_indices = #map1}, {transform_indices = #map1}]} {
    %mul3A = arith.constant 2 : i32
    %mul3A_0 = arith.muli %arg1, %mul3A : i32
    %add3A = arith.addi %mul3A_0, %arg0 : i32
    %mul3A_1 = arith.constant 15872 : i32
    %mul3A_2 = arith.muli %add3A, %mul3A_1 : i32
    "tpu.region"() ({
      %run_scoped3A = tpu.sem_alloc : memref<!tpu.dma_semaphore, #tpu.memory_space<semaphore_mem>>
      %dma_start3A = tpu.memref_slice %arg2[%mul3A_2] : memref<507904xi32, #tpu.memory_space<hbm>> -> memref<15872xi32, #tpu.memory_space<hbm>>
      %dma_start3A_17 = tpu.memref_slice %arg2[%mul3A_2] : memref<507904xi32, #tpu.memory_space<hbm>> -> memref<15872xi32, #tpu.memory_space<hbm>>
      tpu.enqueue_dma source(%dma_start3A_17 : memref<15872xi32, #tpu.memory_space<hbm>>) target(%arg8 : memref<15872xi32, #tpu.memory_space<vmem>>) target_semaphore(%run_scoped3A : memref<!tpu.dma_semaphore, #tpu.memory_space<semaphore_mem>>)
      %dma_wait3A = tpu.memref_slice %arg2[%mul3A_2] : memref<507904xi32, #tpu.memory_space<hbm>> -> memref<15872xi32, #tpu.memory_space<hbm>>
      %dma_wait3A_18 = tpu.memref_slice %arg2[%mul3A_2] : memref<507904xi32, #tpu.memory_space<hbm>> -> memref<15872xi32, #tpu.memory_space<hbm>>
      tpu.wait_dma2 semaphore(%run_scoped3A : memref<!tpu.dma_semaphore, #tpu.memory_space<semaphore_mem>>) src(%dma_wait3A_18 : memref<15872xi32, #tpu.memory_space<hbm>>) dst(%arg8 : memref<15872xi32, #tpu.memory_space<vmem>>)
      tpu.yield
    }) : () -> ()
    %mul3A_3 = arith.constant 15872 : i32
    %mul3A_4 = arith.muli %add3A, %mul3A_3 : i32
    "tpu.region"() ({
      %run_scoped3A = tpu.sem_alloc : memref<!tpu.dma_semaphore, #tpu.memory_space<semaphore_mem>>
      %dma_start3A = tpu.memref_slice %arg3[%mul3A_4] : memref<507904xi32, #tpu.memory_space<hbm>> -> memref<15872xi32, #tpu.memory_space<hbm>>
      %dma_start3A_17 = tpu.memref_slice %arg3[%mul3A_4] : memref<507904xi32, #tpu.memory_space<hbm>> -> memref<15872xi32, #tpu.memory_space<hbm>>
      tpu.enqueue_dma source(%dma_start3A_17 : memref<15872xi32, #tpu.memory_space<hbm>>) target(%arg9 : memref<15872xi32, #tpu.memory_space<vmem>>) target_semaphore(%run_scoped3A : memref<!tpu.dma_semaphore, #tpu.memory_space<semaphore_mem>>)
      %dma_wait3A = tpu.memref_slice %arg3[%mul3A_4] : memref<507904xi32, #tpu.memory_space<hbm>> -> memref<15872xi32, #tpu.memory_space<hbm>>
      %dma_wait3A_18 = tpu.memref_slice %arg3[%mul3A_4] : memref<507904xi32, #tpu.memory_space<hbm>> -> memref<15872xi32, #tpu.memory_space<hbm>>
      tpu.wait_dma2 semaphore(%run_scoped3A : memref<!tpu.dma_semaphore, #tpu.memory_space<semaphore_mem>>) src(%dma_wait3A_18 : memref<15872xi32, #tpu.memory_space<hbm>>) dst(%arg9 : memref<15872xi32, #tpu.memory_space<vmem>>)
      tpu.yield
    }) : () -> ()
    %mul3A_5 = arith.constant 16 : i32
    %mul3A_6 = arith.muli %add3A, %mul3A_5 : i32
    "tpu.region"() ({
      %run_scoped3A = tpu.sem_alloc : memref<!tpu.dma_semaphore, #tpu.memory_space<semaphore_mem>>
      %dma_start3A = tpu.memref_slice %arg4[%mul3A_6] : memref<512xi32, #tpu.memory_space<hbm>> -> memref<16xi32, #tpu.memory_space<hbm>>
      %dma_start3A_17 = tpu.memref_slice %arg4[%mul3A_6] : memref<512xi32, #tpu.memory_space<hbm>> -> memref<16xi32, #tpu.memory_space<hbm>>
      tpu.enqueue_dma source(%dma_start3A_17 : memref<16xi32, #tpu.memory_space<hbm>>) target(%arg10 : memref<16xi32, #tpu.memory_space<vmem>>) target_semaphore(%run_scoped3A : memref<!tpu.dma_semaphore, #tpu.memory_space<semaphore_mem>>)
      %dma_wait3A = tpu.memref_slice %arg4[%mul3A_6] : memref<512xi32, #tpu.memory_space<hbm>> -> memref<16xi32, #tpu.memory_space<hbm>>
      %dma_wait3A_18 = tpu.memref_slice %arg4[%mul3A_6] : memref<512xi32, #tpu.memory_space<hbm>> -> memref<16xi32, #tpu.memory_space<hbm>>
      tpu.wait_dma2 semaphore(%run_scoped3A : memref<!tpu.dma_semaphore, #tpu.memory_space<semaphore_mem>>) src(%dma_wait3A_18 : memref<16xi32, #tpu.memory_space<hbm>>) dst(%arg10 : memref<16xi32, #tpu.memory_space<vmem>>)
      tpu.yield
    }) : () -> ()
    %get3A = arith.constant 0 : index
    %get3A_7 = tpu.vector_load %arg10[%get3A] {strides = array<i32>} : memref<16xi32, #tpu.memory_space<vmem>>, vector<16xi32>,
    %reduce_max3A = arith.constant true
    %reduce_max3A_8 = vector.broadcast %reduce_max3A : i1 to vector<16xi1>
    %reduce_max3A_9 = arith.constant -2147483648 : i32
    %reduce_max3A_10 = vector.broadcast %reduce_max3A_9 : i32 to vector<16xi32>
    %reduce_max3A_11 = arith.xori %get3A_7, %reduce_max3A_10 : vector<16xi32>
    %reduce_max3A_12 = tpu.scan <max>, %reduce_max3A_11 masked %reduce_max3A_8 : vector<16xi32>, vector<16xi1> -> vector<16xi32>
    %reduce_max3A_13 = arith.xori %reduce_max3A_12, %reduce_max3A_10 : vector<16xi32>
    %reduce_max3A_14 = vector.extract %reduce_max3A_13[15] : i32 from vector<16xi32>
    %gt3A = arith.constant 0 : i32
    %gt3A_15 = arith.cmpi sgt, %reduce_max3A_14, %gt3A : i32
    %convert_element_type3A = arith.extui %gt3A_15 : i1 to i32
    %cond3A = arith.constant 0 : i32
    %cond3A_16 = arith.cmpi ne, %convert_element_type3A, %cond3A : i32
    scf.if %cond3A_16 {
      %add3A_17 = arith.constant 512 : i32
      %add3A_18 = arith.addi %reduce_max3A_14, %add3A_17 : i32
      %sub3A = arith.constant 1 : i32
      %sub3A_19 = arith.subi %add3A_18, %sub3A : i32
      %jit3A = arith.constant 512 : i32
      %div3A = arith.divsi %sub3A_19, %jit3A : i32
      %sign3A = arith.constant 0 : i32
      %sign3A_20 = arith.cmpi sgt, %sub3A_19, %sign3A : i32
      %sign3A_21 = arith.extui %sign3A_20 : i1 to i32
      %sign3A_22 = arith.constant 0 : i32
      %sign3A_23 = arith.cmpi slt, %sub3A_19, %sign3A_22 : i32
      %sign3A_24 = arith.extui %sign3A_23 : i1 to i32
      %sign3A_25 = arith.subi %sign3A_21, %sign3A_24 : i32
      %sign3A_26 = arith.constant 0 : i32
      %sign3A_27 = arith.cmpi sgt, %jit3A, %sign3A_26 : i32
      %sign3A_28 = arith.extui %sign3A_27 : i1 to i32
      %sign3A_29 = arith.constant 0 : i32
      %sign3A_30 = arith.cmpi slt, %jit3A, %sign3A_29 : i32
      %sign3A_31 = arith.extui %sign3A_30 : i1 to i32
      %sign3A_32 = arith.subi %sign3A_28, %sign3A_31 : i32
      %ne3A = arith.cmpi ne, %sign3A_25, %sign3A_32 : i32
      %rem3A = arith.remsi %sub3A_19, %jit3A : i32
      %ne3A_33 = arith.constant 0 : i32
      %ne3A_34 = arith.cmpi ne, %rem3A, %ne3A_33 : i32
      %and3A = arith.andi %ne3A, %ne3A_34 : i1
      %sub3A_35 = arith.constant 1 : i32
      %sub3A_36 = arith.subi %div3A, %sub3A_35 : i32
      %select_n3A = arith.select %and3A, %sub3A_36, %div3A : i32
      %while3A = arith.constant 0 : i32
      %while3A_37 = arith.constant 0 : i32
      %while3A_38 = arith.subi %select_n3A, %while3A : i32
      %while3A_39 = arith.addi %while3A, %while3A_38 : i32
      %while3A_40 = arith.constant 1 : i32
      %while3A_41 = arith.divsi %while3A_38, %while3A_40 : i32
      %while3A_42 = arith.muli %while3A_41, %while3A_40 : i32
      %while3A_43 = arith.addi %while3A, %while3A_42 : i32
      %while3A_44 = arith.constant 1 : i32
      %while3A_45 = scf.for %while3A_107 = %while3A to %while3A_43 step %while3A_44 iter_args(%while3A_108 = %while3A_37) -> (i32)  : i32 {
        %mul3A_109 = arith.constant 4 : i32
        %mul3A_110 = arith.muli %mul3A_109, %while3A_107 : i32
        %add3A_111 = arith.constant 0 : i32
        %add3A_112 = arith.addi %mul3A_110, %add3A_111 : i32
        %ge3A = arith.constant 1 : i32
        %ge3A_113 = arith.cmpi sge, %while3A_107, %ge3A : i32
        %convert_element_type3A_114 = arith.extui %ge3A_113 : i1 to i32
        %cond3A_115 = arith.constant 0 : i32
        %cond3A_116 = arith.cmpi ne, %convert_element_type3A_114, %cond3A_115 : i32
        scf.if %cond3A_116 {
          %sub3A_268 = arith.constant 4 : i32
          %sub3A_269 = arith.subi %add3A_112, %sub3A_268 : i32
          %mul3A_270 = arith.constant 128 : i32
          %mul3A_271 = arith.muli %sub3A_269, %mul3A_270 : i32
          %dma_wait3A_272 = arith.constant 0 : i32
          %dma_wait3A_273 = tpu.memref_slice %arg9[%mul3A_271] : memref<15872xi32, #tpu.memory_space<vmem>> -> memref<128xi32, #tpu.memory_space<vmem>>
          %dma_wait3A_274 = arith.constant 0 : i32
          %dma_wait3A_275 = arith.constant 0 : i32
          %dma_wait3A_276 = tpu.memref_slice %arg6[%dma_wait3A_274, %dma_wait3A_275] : memref<500000x128xf32, #tpu.memory_space<hbm>> -> memref<500000x128xf32, #tpu.memory_space<hbm>>
          %dma_wait3A_277 = tpu.memref_slice %arg16[%dma_wait3A_272] : memref<4x!tpu.dma_semaphore, #tpu.memory_space<semaphore_mem>> -> memref<1x!tpu.dma_semaphore, #tpu.memory_space<semaphore_mem>>
          %dma_wait3A_278 = tpu.memref_squeeze %dma_wait3A_277 : memref<1x!tpu.dma_semaphore, #tpu.memory_space<semaphore_mem>> -> memref<!tpu.dma_semaphore, #tpu.memory_space<semaphore_mem>>
          tpu.wait_indirect_dma semaphore(%dma_wait3A_278 : memref<!tpu.dma_semaphore, #tpu.memory_space<semaphore_mem>>) src(%arg11 : memref<128x128xf32, #tpu.memory_space<vmem>>) dst(%dma_wait3A_276 : memref<500000x128xf32, #tpu.memory_space<hbm>>)
        } else {
        }
        %mul3A_117 = arith.constant 128 : i32
        %mul3A_118 = arith.muli %add3A_112, %mul3A_117 : i32
        %dma_start3A = arith.constant 0 : i32
        %dma_start3A_119 = tpu.memref_slice %arg8[%mul3A_118] : memref<15872xi32, #tpu.memory_space<vmem>> -> memref<128xi32, #tpu.memory_space<vmem>>
        %dma_start3A_120 = arith.constant 0 : i32
        %dma_start3A_121 = arith.constant 0 : i32
        %dma_start3A_122 = tpu.memref_slice %arg5[%dma_start3A_120, %dma_start3A_121] : memref<253952x128xf32, #tpu.memory_space<hbm>> -> memref<253952x128xf32, #tpu.memory_space<hbm>>
        %dma_start3A_123 = tpu.memref_slice %arg15[%dma_start3A] : memref<4x!tpu.dma_semaphore, #tpu.memory_space<semaphore_mem>> -> memref<1x!tpu.dma_semaphore, #tpu.memory_space<semaphore_mem>>
        %dma_start3A_124 = tpu.memref_squeeze %dma_start3A_123 : memref<1x!tpu.dma_semaphore, #tpu.memory_space<semaphore_mem>> -> memref<!tpu.dma_semaphore, #tpu.memory_space<semaphore_mem>>
        tpu.enqueue_indirect_dma source(%dma_start3A_122 : memref<253952x128xf32, #tpu.memory_space<hbm>>) target(%arg11 : memref<128x128xf32, #tpu.memory_space<vmem>>) offsets(%dma_start3A_119 : memref<128xi32, #tpu.memory_space<vmem>>) semaphore(%dma_start3A_124 : memref<!tpu.dma_semaphore, #tpu.memory_space<semaphore_mem>>)
        %mul3A_125 = arith.constant 4 : i32
        %mul3A_126 = arith.muli %mul3A_125, %while3A_107 : i32
        %add3A_127 = arith.constant 1 : i32
        %add3A_128 = arith.addi %mul3A_126, %add3A_127 : i32
        %ge3A_129 = arith.constant 1 : i32
        %ge3A_130 = arith.cmpi sge, %while3A_107, %ge3A_129 : i32
        %convert_element_type3A_131 = arith.extui %ge3A_130 : i1 to i32
        %cond3A_132 = arith.constant 0 : i32
        %cond3A_133 = arith.cmpi ne, %convert_element_type3A_131, %cond3A_132 : i32
        scf.if %cond3A_133 {
          %sub3A_268 = arith.constant 4 : i32
          %sub3A_269 = arith.subi %add3A_128, %sub3A_268 : i32
          %mul3A_270 = arith.constant 128 : i32
          %mul3A_271 = arith.muli %sub3A_269, %mul3A_270 : i32
          %dma_wait3A_272 = arith.constant 1 : i32
          %dma_wait3A_273 = tpu.memref_slice %arg9[%mul3A_271] : memref<15872xi32, #tpu.memory_space<vmem>> -> memref<128xi32, #tpu.memory_space<vmem>>
          %dma_wait3A_274 = arith.constant 0 : i32
          %dma_wait3A_275 = arith.constant 0 : i32
          %dma_wait3A_276 = tpu.memref_slice %arg6[%dma_wait3A_274, %dma_wait3A_275] : memref<500000x128xf32, #tpu.memory_space<hbm>> -> memref<500000x128xf32, #tpu.memory_space<hbm>>
          %dma_wait3A_277 = tpu.memref_slice %arg16[%dma_wait3A_272] : memref<4x!tpu.dma_semaphore, #tpu.memory_space<semaphore_mem>> -> memref<1x!tpu.dma_semaphore, #tpu.memory_space<semaphore_mem>>
          %dma_wait3A_278 = tpu.memref_squeeze %dma_wait3A_277 : memref<1x!tpu.dma_semaphore, #tpu.memory_space<semaphore_mem>> -> memref<!tpu.dma_semaphore, #tpu.memory_space<semaphore_mem>>
          tpu.wait_indirect_dma semaphore(%dma_wait3A_278 : memref<!tpu.dma_semaphore, #tpu.memory_space<semaphore_mem>>) src(%arg12 : memref<128x128xf32, #tpu.memory_space<vmem>>) dst(%dma_wait3A_276 : memref<500000x128xf32, #tpu.memory_space<hbm>>)
        } else {
        }
        %mul3A_134 = arith.constant 128 : i32
        %mul3A_135 = arith.muli %add3A_128, %mul3A_134 : i32
        %dma_start3A_136 = arith.constant 1 : i32
        %dma_start3A_137 = tpu.memref_slice %arg8[%mul3A_135] : memref<15872xi32, #tpu.memory_space<vmem>> -> memref<128xi32, #tpu.memory_space<vmem>>
        %dma_start3A_138 = arith.constant 0 : i32
        %dma_start3A_139 = arith.constant 0 : i32
        %dma_start3A_140 = tpu.memref_slice %arg5[%dma_start3A_138, %dma_start3A_139] : memref<253952x128xf32, #tpu.memory_space<hbm>> -> memref<253952x128xf32, #tpu.memory_space<hbm>>
        %dma_start3A_141 = tpu.memref_slice %arg15[%dma_start3A_136] : memref<4x!tpu.dma_semaphore, #tpu.memory_space<semaphore_mem>> -> memref<1x!tpu.dma_semaphore, #tpu.memory_space<semaphore_mem>>
        %dma_start3A_142 = tpu.memref_squeeze %dma_start3A_141 : memref<1x!tpu.dma_semaphore, #tpu.memory_space<semaphore_mem>> -> memref<!tpu.dma_semaphore, #tpu.memory_space<semaphore_mem>>
        tpu.enqueue_indirect_dma source(%dma_start3A_140 : memref<253952x128xf32, #tpu.memory_space<hbm>>) target(%arg12 : memref<128x128xf32, #tpu.memory_space<vmem>>) offsets(%dma_start3A_137 : memref<128xi32, #tpu.memory_space<vmem>>) semaphore(%dma_start3A_142 : memref<!tpu.dma_semaphore, #tpu.memory_space<semaphore_mem>>)
        %mul3A_143 = arith.constant 4 : i32
        %mul3A_144 = arith.muli %mul3A_143, %while3A_107 : i32
        %add3A_145 = arith.constant 2 : i32
        %add3A_146 = arith.addi %mul3A_144, %add3A_145 : i32
        %ge3A_147 = arith.constant 1 : i32
        %ge3A_148 = arith.cmpi sge, %while3A_107, %ge3A_147 : i32
        %convert_element_type3A_149 = arith.extui %ge3A_148 : i1 to i32
        %cond3A_150 = arith.constant 0 : i32
        %cond3A_151 = arith.cmpi ne, %convert_element_type3A_149, %cond3A_150 : i32
        scf.if %cond3A_151 {
          %sub3A_268 = arith.constant 4 : i32
          %sub3A_269 = arith.subi %add3A_146, %sub3A_268 : i32
          %mul3A_270 = arith.constant 128 : i32
          %mul3A_271 = arith.muli %sub3A_269, %mul3A_270 : i32
          %dma_wait3A_272 = arith.constant 2 : i32
          %dma_wait3A_273 = tpu.memref_slice %arg9[%mul3A_271] : memref<15872xi32, #tpu.memory_space<vmem>> -> memref<128xi32, #tpu.memory_space<vmem>>
          %dma_wait3A_274 = arith.constant 0 : i32
          %dma_wait3A_275 = arith.constant 0 : i32
          %dma_wait3A_276 = tpu.memref_slice %arg6[%dma_wait3A_274, %dma_wait3A_275] : memref<500000x128xf32, #tpu.memory_space<hbm>> -> memref<500000x128xf32, #tpu.memory_space<hbm>>
          %dma_wait3A_277 = tpu.memref_slice %arg16[%dma_wait3A_272] : memref<4x!tpu.dma_semaphore, #tpu.memory_space<semaphore_mem>> -> memref<1x!tpu.dma_semaphore, #tpu.memory_space<semaphore_mem>>
          %dma_wait3A_278 = tpu.memref_squeeze %dma_wait3A_277 : memref<1x!tpu.dma_semaphore, #tpu.memory_space<semaphore_mem>> -> memref<!tpu.dma_semaphore, #tpu.memory_space<semaphore_mem>>
          tpu.wait_indirect_dma semaphore(%dma_wait3A_278 : memref<!tpu.dma_semaphore, #tpu.memory_space<semaphore_mem>>) src(%arg13 : memref<128x128xf32, #tpu.memory_space<vmem>>) dst(%dma_wait3A_276 : memref<500000x128xf32, #tpu.memory_space<hbm>>)
        } else {
        }
        %mul3A_152 = arith.constant 128 : i32
        %mul3A_153 = arith.muli %add3A_146, %mul3A_152 : i32
        %dma_start3A_154 = arith.constant 2 : i32
        %dma_start3A_155 = tpu.memref_slice %arg8[%mul3A_153] : memref<15872xi32, #tpu.memory_space<vmem>> -> memref<128xi32, #tpu.memory_space<vmem>>
        %dma_start3A_156 = arith.constant 0 : i32
        %dma_start3A_157 = arith.constant 0 : i32
        %dma_start3A_158 = tpu.memref_slice %arg5[%dma_start3A_156, %dma_start3A_157] : memref<253952x128xf32, #tpu.memory_space<hbm>> -> memref<253952x128xf32, #tpu.memory_space<hbm>>
        %dma_start3A_159 = tpu.memref_slice %arg15[%dma_start3A_154] : memref<4x!tpu.dma_semaphore, #tpu.memory_space<semaphore_mem>> -> memref<1x!tpu.dma_semaphore, #tpu.memory_space<semaphore_mem>>
        %dma_start3A_160 = tpu.memref_squeeze %dma_start3A_159 : memref<1x!tpu.dma_semaphore, #tpu.memory_space<semaphore_mem>> -> memref<!tpu.dma_semaphore, #tpu.memory_space<semaphore_mem>>
        tpu.enqueue_indirect_dma source(%dma_start3A_158 : memref<253952x128xf32, #tpu.memory_space<hbm>>) target(%arg13 : memref<128x128xf32, #tpu.memory_space<vmem>>) offsets(%dma_start3A_155 : memref<128xi32, #tpu.memory_space<vmem>>) semaphore(%dma_start3A_160 : memref<!tpu.dma_semaphore, #tpu.memory_space<semaphore_mem>>)
        %mul3A_161 = arith.constant 4 : i32
        %mul3A_162 = arith.muli %mul3A_161, %while3A_107 : i32
        %add3A_163 = arith.constant 3 : i32
        %add3A_164 = arith.addi %mul3A_162, %add3A_163 : i32
        %ge3A_165 = arith.constant 1 : i32
        %ge3A_166 = arith.cmpi sge, %while3A_107, %ge3A_165 : i32
        %convert_element_type3A_167 = arith.extui %ge3A_166 : i1 to i32
        %cond3A_168 = arith.constant 0 : i32
        %cond3A_169 = arith.cmpi ne, %convert_element_type3A_167, %cond3A_168 : i32
        scf.if %cond3A_169 {
          %sub3A_268 = arith.constant 4 : i32
          %sub3A_269 = arith.subi %add3A_164, %sub3A_268 : i32
          %mul3A_270 = arith.constant 128 : i32
          %mul3A_271 = arith.muli %sub3A_269, %mul3A_270 : i32
          %dma_wait3A_272 = arith.constant 3 : i32
          %dma_wait3A_273 = tpu.memref_slice %arg9[%mul3A_271] : memref<15872xi32, #tpu.memory_space<vmem>> -> memref<128xi32, #tpu.memory_space<vmem>>
          %dma_wait3A_274 = arith.constant 0 : i32
          %dma_wait3A_275 = arith.constant 0 : i32
          %dma_wait3A_276 = tpu.memref_slice %arg6[%dma_wait3A_274, %dma_wait3A_275] : memref<500000x128xf32, #tpu.memory_space<hbm>> -> memref<500000x128xf32, #tpu.memory_space<hbm>>
          %dma_wait3A_277 = tpu.memref_slice %arg16[%dma_wait3A_272] : memref<4x!tpu.dma_semaphore, #tpu.memory_space<semaphore_mem>> -> memref<1x!tpu.dma_semaphore, #tpu.memory_space<semaphore_mem>>
          %dma_wait3A_278 = tpu.memref_squeeze %dma_wait3A_277 : memref<1x!tpu.dma_semaphore, #tpu.memory_space<semaphore_mem>> -> memref<!tpu.dma_semaphore, #tpu.memory_space<semaphore_mem>>
          tpu.wait_indirect_dma semaphore(%dma_wait3A_278 : memref<!tpu.dma_semaphore, #tpu.memory_space<semaphore_mem>>) src(%arg14 : memref<128x128xf32, #tpu.memory_space<vmem>>) dst(%dma_wait3A_276 : memref<500000x128xf32, #tpu.memory_space<hbm>>)
        } else {
        }
        %mul3A_170 = arith.constant 128 : i32
        %mul3A_171 = arith.muli %add3A_164, %mul3A_170 : i32
        %dma_start3A_172 = arith.constant 3 : i32
        %dma_start3A_173 = tpu.memref_slice %arg8[%mul3A_171] : memref<15872xi32, #tpu.memory_space<vmem>> -> memref<128xi32, #tpu.memory_space<vmem>>
        %dma_start3A_174 = arith.constant 0 : i32
        %dma_start3A_175 = arith.constant 0 : i32
        %dma_start3A_176 = tpu.memref_slice %arg5[%dma_start3A_174, %dma_start3A_175] : memref<253952x128xf32, #tpu.memory_space<hbm>> -> memref<253952x128xf32, #tpu.memory_space<hbm>>
        %dma_start3A_177 = tpu.memref_slice %arg15[%dma_start3A_172] : memref<4x!tpu.dma_semaphore, #tpu.memory_space<semaphore_mem>> -> memref<1x!tpu.dma_semaphore, #tpu.memory_space<semaphore_mem>>
        %dma_start3A_178 = tpu.memref_squeeze %dma_start3A_177 : memref<1x!tpu.dma_semaphore, #tpu.memory_space<semaphore_mem>> -> memref<!tpu.dma_semaphore, #tpu.memory_space<semaphore_mem>>
        tpu.enqueue_indirect_dma source(%dma_start3A_176 : memref<253952x128xf32, #tpu.memory_space<hbm>>) target(%arg14 : memref<128x128xf32, #tpu.memory_space<vmem>>) offsets(%dma_start3A_173 : memref<128xi32, #tpu.memory_space<vmem>>) semaphore(%dma_start3A_178 : memref<!tpu.dma_semaphore, #tpu.memory_space<semaphore_mem>>)
        %mul3A_179 = arith.constant 4 : i32
        %mul3A_180 = arith.muli %mul3A_179, %while3A_107 : i32
        %add3A_181 = arith.constant 0 : i32
        %add3A_182 = arith.addi %mul3A_180, %add3A_181 : i32
        %mul3A_183 = arith.constant 128 : i32
        %mul3A_184 = arith.muli %add3A_182, %mul3A_183 : i32
        %dma_wait3A_185 = arith.constant 0 : i32
        %dma_wait3A_186 = tpu.memref_slice %arg8[%mul3A_184] : memref<15872xi32, #tpu.memory_space<vmem>> -> memref<128xi32, #tpu.memory_space<vmem>>
        %dma_wait3A_187 = arith.constant 0 : i32
        %dma_wait3A_188 = arith.constant 0 : i32
        %dma_wait3A_189 = tpu.memref_slice %arg5[%dma_wait3A_187, %dma_wait3A_188] : memref<253952x128xf32, #tpu.memory_space<hbm>> -> memref<253952x128xf32, #tpu.memory_space<hbm>>
        %dma_wait3A_190 = tpu.memref_slice %arg15[%dma_wait3A_185] : memref<4x!tpu.dma_semaphore, #tpu.memory_space<semaphore_mem>> -> memref<1x!tpu.dma_semaphore, #tpu.memory_space<semaphore_mem>>
        %dma_wait3A_191 = tpu.memref_squeeze %dma_wait3A_190 : memref<1x!tpu.dma_semaphore, #tpu.memory_space<semaphore_mem>> -> memref<!tpu.dma_semaphore, #tpu.memory_space<semaphore_mem>>
        tpu.wait_indirect_dma semaphore(%dma_wait3A_191 : memref<!tpu.dma_semaphore, #tpu.memory_space<semaphore_mem>>) src(%dma_wait3A_189 : memref<253952x128xf32, #tpu.memory_space<hbm>>) dst(%arg11 : memref<128x128xf32, #tpu.memory_space<vmem>>)
        %mul3A_192 = arith.constant 128 : i32
        %mul3A_193 = arith.muli %add3A_182, %mul3A_192 : i32
        %dma_start3A_194 = arith.constant 0 : i32
        %dma_start3A_195 = tpu.memref_slice %arg9[%mul3A_193] : memref<15872xi32, #tpu.memory_space<vmem>> -> memref<128xi32, #tpu.memory_space<vmem>>
        %dma_start3A_196 = arith.constant 0 : i32
        %dma_start3A_197 = arith.constant 0 : i32
        %dma_start3A_198 = tpu.memref_slice %arg6[%dma_start3A_196, %dma_start3A_197] : memref<500000x128xf32, #tpu.memory_space<hbm>> -> memref<500000x128xf32, #tpu.memory_space<hbm>>
        %dma_start3A_199 = tpu.memref_slice %arg16[%dma_start3A_194] : memref<4x!tpu.dma_semaphore, #tpu.memory_space<semaphore_mem>> -> memref<1x!tpu.dma_semaphore, #tpu.memory_space<semaphore_mem>>
        %dma_start3A_200 = tpu.memref_squeeze %dma_start3A_199 : memref<1x!tpu.dma_semaphore, #tpu.memory_space<semaphore_mem>> -> memref<!tpu.dma_semaphore, #tpu.memory_space<semaphore_mem>>
        tpu.enqueue_indirect_dma source(%arg11 : memref<128x128xf32, #tpu.memory_space<vmem>>) target(%dma_start3A_198 : memref<500000x128xf32, #tpu.memory_space<hbm>>) offsets(%dma_start3A_195 : memref<128xi32, #tpu.memory_space<vmem>>) semaphore(%dma_start3A_200 : memref<!tpu.dma_semaphore, #tpu.memory_space<semaphore_mem>>)
        %mul3A_201 = arith.constant 4 : i32
        %mul3A_202 = arith.muli %mul3A_201, %while3A_107 : i32
        %add3A_203 = arith.constant 1 : i32
        %add3A_204 = arith.addi %mul3A_202, %add3A_203 : i32
        %mul3A_205 = arith.constant 128 : i32
        %mul3A_206 = arith.muli %add3A_204, %mul3A_205 : i32
        %dma_wait3A_207 = arith.constant 1 : i32
        %dma_wait3A_208 = tpu.memref_slice %arg8[%mul3A_206] : memref<15872xi32, #tpu.memory_space<vmem>> -> memref<128xi32, #tpu.memory_space<vmem>>
        %dma_wait3A_209 = arith.constant 0 : i32
        %dma_wait3A_210 = arith.constant 0 : i32
        %dma_wait3A_211 = tpu.memref_slice %arg5[%dma_wait3A_209, %dma_wait3A_210] : memref<253952x128xf32, #tpu.memory_space<hbm>> -> memref<253952x128xf32, #tpu.memory_space<hbm>>
        %dma_wait3A_212 = tpu.memref_slice %arg15[%dma_wait3A_207] : memref<4x!tpu.dma_semaphore, #tpu.memory_space<semaphore_mem>> -> memref<1x!tpu.dma_semaphore, #tpu.memory_space<semaphore_mem>>
        %dma_wait3A_213 = tpu.memref_squeeze %dma_wait3A_212 : memref<1x!tpu.dma_semaphore, #tpu.memory_space<semaphore_mem>> -> memref<!tpu.dma_semaphore, #tpu.memory_space<semaphore_mem>>
        tpu.wait_indirect_dma semaphore(%dma_wait3A_213 : memref<!tpu.dma_semaphore, #tpu.memory_space<semaphore_mem>>) src(%dma_wait3A_211 : memref<253952x128xf32, #tpu.memory_space<hbm>>) dst(%arg12 : memref<128x128xf32, #tpu.memory_space<vmem>>)
        %mul3A_214 = arith.constant 128 : i32
        %mul3A_215 = arith.muli %add3A_204, %mul3A_214 : i32
        %dma_start3A_216 = arith.constant 1 : i32
        %dma_start3A_217 = tpu.memref_slice %arg9[%mul3A_215] : memref<15872xi32, #tpu.memory_space<vmem>> -> memref<128xi32, #tpu.memory_space<vmem>>
        %dma_start3A_218 = arith.constant 0 : i32
        %dma_start3A_219 = arith.constant 0 : i32
        %dma_start3A_220 = tpu.memref_slice %arg6[%dma_start3A_218, %dma_start3A_219] : memref<500000x128xf32, #tpu.memory_space<hbm>> -> memref<500000x128xf32, #tpu.memory_space<hbm>>
        %dma_start3A_221 = tpu.memref_slice %arg16[%dma_start3A_216] : memref<4x!tpu.dma_semaphore, #tpu.memory_space<semaphore_mem>> -> memref<1x!tpu.dma_semaphore, #tpu.memory_space<semaphore_mem>>
        %dma_start3A_222 = tpu.memref_squeeze %dma_start3A_221 : memref<1x!tpu.dma_semaphore, #tpu.memory_space<semaphore_mem>> -> memref<!tpu.dma_semaphore, #tpu.memory_space<semaphore_mem>>
        tpu.enqueue_indirect_dma source(%arg12 : memref<128x128xf32, #tpu.memory_space<vmem>>) target(%dma_start3A_220 : memref<500000x128xf32, #tpu.memory_space<hbm>>) offsets(%dma_start3A_217 : memref<128xi32, #tpu.memory_space<vmem>>) semaphore(%dma_start3A_222 : memref<!tpu.dma_semaphore, #tpu.memory_space<semaphore_mem>>)
        %mul3A_223 = arith.constant 4 : i32
        %mul3A_224 = arith.muli %mul3A_223, %while3A_107 : i32
        %add3A_225 = arith.constant 2 : i32
        %add3A_226 = arith.addi %mul3A_224, %add3A_225 : i32
        %mul3A_227 = arith.constant 128 : i32
        %mul3A_228 = arith.muli %add3A_226, %mul3A_227 : i32
        %dma_wait3A_229 = arith.constant 2 : i32
        %dma_wait3A_230 = tpu.memref_slice %arg8[%mul3A_228] : memref<15872xi32, #tpu.memory_space<vmem>> -> memref<128xi32, #tpu.memory_space<vmem>>
        %dma_wait3A_231 = arith.constant 0 : i32
        %dma_wait3A_232 = arith.constant 0 : i32
        %dma_wait3A_233 = tpu.memref_slice %arg5[%dma_wait3A_231, %dma_wait3A_232] : memref<253952x128xf32, #tpu.memory_space<hbm>> -> memref<253952x128xf32, #tpu.memory_space<hbm>>
        %dma_wait3A_234 = tpu.memref_slice %arg15[%dma_wait3A_229] : memref<4x!tpu.dma_semaphore, #tpu.memory_space<semaphore_mem>> -> memref<1x!tpu.dma_semaphore, #tpu.memory_space<semaphore_mem>>
        %dma_wait3A_235 = tpu.memref_squeeze %dma_wait3A_234 : memref<1x!tpu.dma_semaphore, #tpu.memory_space<semaphore_mem>> -> memref<!tpu.dma_semaphore, #tpu.memory_space<semaphore_mem>>
        tpu.wait_indirect_dma semaphore(%dma_wait3A_235 : memref<!tpu.dma_semaphore, #tpu.memory_space<semaphore_mem>>) src(%dma_wait3A_233 : memref<253952x128xf32, #tpu.memory_space<hbm>>) dst(%arg13 : memref<128x128xf32, #tpu.memory_space<vmem>>)
        %mul3A_236 = arith.constant 128 : i32
        %mul3A_237 = arith.muli %add3A_226, %mul3A_236 : i32
        %dma_start3A_238 = arith.constant 2 : i32
        %dma_start3A_239 = tpu.memref_slice %arg9[%mul3A_237] : memref<15872xi32, #tpu.memory_space<vmem>> -> memref<128xi32, #tpu.memory_space<vmem>>
        %dma_start3A_240 = arith.constant 0 : i32
        %dma_start3A_241 = arith.constant 0 : i32
        %dma_start3A_242 = tpu.memref_slice %arg6[%dma_start3A_240, %dma_start3A_241] : memref<500000x128xf32, #tpu.memory_space<hbm>> -> memref<500000x128xf32, #tpu.memory_space<hbm>>
        %dma_start3A_243 = tpu.memref_slice %arg16[%dma_start3A_238] : memref<4x!tpu.dma_semaphore, #tpu.memory_space<semaphore_mem>> -> memref<1x!tpu.dma_semaphore, #tpu.memory_space<semaphore_mem>>
        %dma_start3A_244 = tpu.memref_squeeze %dma_start3A_243 : memref<1x!tpu.dma_semaphore, #tpu.memory_space<semaphore_mem>> -> memref<!tpu.dma_semaphore, #tpu.memory_space<semaphore_mem>>
        tpu.enqueue_indirect_dma source(%arg13 : memref<128x128xf32, #tpu.memory_space<vmem>>) target(%dma_start3A_242 : memref<500000x128xf32, #tpu.memory_space<hbm>>) offsets(%dma_start3A_239 : memref<128xi32, #tpu.memory_space<vmem>>) semaphore(%dma_start3A_244 : memref<!tpu.dma_semaphore, #tpu.memory_space<semaphore_mem>>)
        %mul3A_245 = arith.constant 4 : i32
        %mul3A_246 = arith.muli %mul3A_245, %while3A_107 : i32
        %add3A_247 = arith.constant 3 : i32
        %add3A_248 = arith.addi %mul3A_246, %add3A_247 : i32
        %mul3A_249 = arith.constant 128 : i32
        %mul3A_250 = arith.muli %add3A_248, %mul3A_249 : i32
        %dma_wait3A_251 = arith.constant 3 : i32
        %dma_wait3A_252 = tpu.memref_slice %arg8[%mul3A_250] : memref<15872xi32, #tpu.memory_space<vmem>> -> memref<128xi32, #tpu.memory_space<vmem>>
        %dma_wait3A_253 = arith.constant 0 : i32
        %dma_wait3A_254 = arith.constant 0 : i32
        %dma_wait3A_255 = tpu.memref_slice %arg5[%dma_wait3A_253, %dma_wait3A_254] : memref<253952x128xf32, #tpu.memory_space<hbm>> -> memref<253952x128xf32, #tpu.memory_space<hbm>>
        %dma_wait3A_256 = tpu.memref_slice %arg15[%dma_wait3A_251] : memref<4x!tpu.dma_semaphore, #tpu.memory_space<semaphore_mem>> -> memref<1x!tpu.dma_semaphore, #tpu.memory_space<semaphore_mem>>
        %dma_wait3A_257 = tpu.memref_squeeze %dma_wait3A_256 : memref<1x!tpu.dma_semaphore, #tpu.memory_space<semaphore_mem>> -> memref<!tpu.dma_semaphore, #tpu.memory_space<semaphore_mem>>
        tpu.wait_indirect_dma semaphore(%dma_wait3A_257 : memref<!tpu.dma_semaphore, #tpu.memory_space<semaphore_mem>>) src(%dma_wait3A_255 : memref<253952x128xf32, #tpu.memory_space<hbm>>) dst(%arg14 : memref<128x128xf32, #tpu.memory_space<vmem>>)
        %mul3A_258 = arith.constant 128 : i32
        %mul3A_259 = arith.muli %add3A_248, %mul3A_258 : i32
        %dma_start3A_260 = arith.constant 3 : i32
        %dma_start3A_261 = tpu.memref_slice %arg9[%mul3A_259] : memref<15872xi32, #tpu.memory_space<vmem>> -> memref<128xi32, #tpu.memory_space<vmem>>
        %dma_start3A_262 = arith.constant 0 : i32
        %dma_start3A_263 = arith.constant 0 : i32
        %dma_start3A_264 = tpu.memref_slice %arg6[%dma_start3A_262, %dma_start3A_263] : memref<500000x128xf32, #tpu.memory_space<hbm>> -> memref<500000x128xf32, #tpu.memory_space<hbm>>
        %dma_start3A_265 = tpu.memref_slice %arg16[%dma_start3A_260] : memref<4x!tpu.dma_semaphore, #tpu.memory_space<semaphore_mem>> -> memref<1x!tpu.dma_semaphore, #tpu.memory_space<semaphore_mem>>
        %dma_start3A_266 = tpu.memref_squeeze %dma_start3A_265 : memref<1x!tpu.dma_semaphore, #tpu.memory_space<semaphore_mem>> -> memref<!tpu.dma_semaphore, #tpu.memory_space<semaphore_mem>>
        tpu.enqueue_indirect_dma source(%arg14 : memref<128x128xf32, #tpu.memory_space<vmem>>) target(%dma_start3A_264 : memref<500000x128xf32, #tpu.memory_space<hbm>>) offsets(%dma_start3A_261 : memref<128xi32, #tpu.memory_space<vmem>>) semaphore(%dma_start3A_266 : memref<!tpu.dma_semaphore, #tpu.memory_space<semaphore_mem>>)
        %while3A_267 = arith.constant 0 : i32
        scf.yield %while3A_267 : i32
      }
      %while3A_46 = arith.constant 1 : i32
      %while3A_47 = scf.for %while3A_107 = %while3A_43 to %while3A_39 step %while3A_46 iter_args(%while3A_108 = %while3A_45) -> (i32)  : i32 {
        %mul3A_109 = arith.constant 4 : i32
        %mul3A_110 = arith.muli %mul3A_109, %while3A_107 : i32
        %add3A_111 = arith.constant 0 : i32
        %add3A_112 = arith.addi %mul3A_110, %add3A_111 : i32
        %ge3A = arith.constant 1 : i32
        %ge3A_113 = arith.cmpi sge, %while3A_107, %ge3A : i32
        %convert_element_type3A_114 = arith.extui %ge3A_113 : i1 to i32
        %cond3A_115 = arith.constant 0 : i32
        %cond3A_116 = arith.cmpi ne, %convert_element_type3A_114, %cond3A_115 : i32
        scf.if %cond3A_116 {
          %sub3A_268 = arith.constant 4 : i32
          %sub3A_269 = arith.subi %add3A_112, %sub3A_268 : i32
          %mul3A_270 = arith.constant 128 : i32
          %mul3A_271 = arith.muli %sub3A_269, %mul3A_270 : i32
          %dma_wait3A_272 = arith.constant 0 : i32
          %dma_wait3A_273 = tpu.memref_slice %arg9[%mul3A_271] : memref<15872xi32, #tpu.memory_space<vmem>> -> memref<128xi32, #tpu.memory_space<vmem>>
          %dma_wait3A_274 = arith.constant 0 : i32
          %dma_wait3A_275 = arith.constant 0 : i32
          %dma_wait3A_276 = tpu.memref_slice %arg6[%dma_wait3A_274, %dma_wait3A_275] : memref<500000x128xf32, #tpu.memory_space<hbm>> -> memref<500000x128xf32, #tpu.memory_space<hbm>>
          %dma_wait3A_277 = tpu.memref_slice %arg16[%dma_wait3A_272] : memref<4x!tpu.dma_semaphore, #tpu.memory_space<semaphore_mem>> -> memref<1x!tpu.dma_semaphore, #tpu.memory_space<semaphore_mem>>
          %dma_wait3A_278 = tpu.memref_squeeze %dma_wait3A_277 : memref<1x!tpu.dma_semaphore, #tpu.memory_space<semaphore_mem>> -> memref<!tpu.dma_semaphore, #tpu.memory_space<semaphore_mem>>
          tpu.wait_indirect_dma semaphore(%dma_wait3A_278 : memref<!tpu.dma_semaphore, #tpu.memory_space<semaphore_mem>>) src(%arg11 : memref<128x128xf32, #tpu.memory_space<vmem>>) dst(%dma_wait3A_276 : memref<500000x128xf32, #tpu.memory_space<hbm>>)
        } else {
        }
        %mul3A_117 = arith.constant 128 : i32
        %mul3A_118 = arith.muli %add3A_112, %mul3A_117 : i32
        %dma_start3A = arith.constant 0 : i32
        %dma_start3A_119 = tpu.memref_slice %arg8[%mul3A_118] : memref<15872xi32, #tpu.memory_space<vmem>> -> memref<128xi32, #tpu.memory_space<vmem>>
        %dma_start3A_120 = arith.constant 0 : i32
        %dma_start3A_121 = arith.constant 0 : i32
        %dma_start3A_122 = tpu.memref_slice %arg5[%dma_start3A_120, %dma_start3A_121] : memref<253952x128xf32, #tpu.memory_space<hbm>> -> memref<253952x128xf32, #tpu.memory_space<hbm>>
        %dma_start3A_123 = tpu.memref_slice %arg15[%dma_start3A] : memref<4x!tpu.dma_semaphore, #tpu.memory_space<semaphore_mem>> -> memref<1x!tpu.dma_semaphore, #tpu.memory_space<semaphore_mem>>
        %dma_start3A_124 = tpu.memref_squeeze %dma_start3A_123 : memref<1x!tpu.dma_semaphore, #tpu.memory_space<semaphore_mem>> -> memref<!tpu.dma_semaphore, #tpu.memory_space<semaphore_mem>>
        tpu.enqueue_indirect_dma source(%dma_start3A_122 : memref<253952x128xf32, #tpu.memory_space<hbm>>) target(%arg11 : memref<128x128xf32, #tpu.memory_space<vmem>>) offsets(%dma_start3A_119 : memref<128xi32, #tpu.memory_space<vmem>>) semaphore(%dma_start3A_124 : memref<!tpu.dma_semaphore, #tpu.memory_space<semaphore_mem>>)
        %mul3A_125 = arith.constant 4 : i32
        %mul3A_126 = arith.muli %mul3A_125, %while3A_107 : i32
        %add3A_127 = arith.constant 1 : i32
        %add3A_128 = arith.addi %mul3A_126, %add3A_127 : i32
        %ge3A_129 = arith.constant 1 : i32
        %ge3A_130 = arith.cmpi sge, %while3A_107, %ge3A_129 : i32
        %convert_element_type3A_131 = arith.extui %ge3A_130 : i1 to i32
        %cond3A_132 = arith.constant 0 : i32
        %cond3A_133 = arith.cmpi ne, %convert_element_type3A_131, %cond3A_132 : i32
        scf.if %cond3A_133 {
          %sub3A_268 = arith.constant 4 : i32
          %sub3A_269 = arith.subi %add3A_128, %sub3A_268 : i32
          %mul3A_270 = arith.constant 128 : i32
          %mul3A_271 = arith.muli %sub3A_269, %mul3A_270 : i32
          %dma_wait3A_272 = arith.constant 1 : i32
          %dma_wait3A_273 = tpu.memref_slice %arg9[%mul3A_271] : memref<15872xi32, #tpu.memory_space<vmem>> -> memref<128xi32, #tpu.memory_space<vmem>>
          %dma_wait3A_274 = arith.constant 0 : i32
          %dma_wait3A_275 = arith.constant 0 : i32
          %dma_wait3A_276 = tpu.memref_slice %arg6[%dma_wait3A_274, %dma_wait3A_275] : memref<500000x128xf32, #tpu.memory_space<hbm>> -> memref<500000x128xf32, #tpu.memory_space<hbm>>
          %dma_wait3A_277 = tpu.memref_slice %arg16[%dma_wait3A_272] : memref<4x!tpu.dma_semaphore, #tpu.memory_space<semaphore_mem>> -> memref<1x!tpu.dma_semaphore, #tpu.memory_space<semaphore_mem>>
          %dma_wait3A_278 = tpu.memref_squeeze %dma_wait3A_277 : memref<1x!tpu.dma_semaphore, #tpu.memory_space<semaphore_mem>> -> memref<!tpu.dma_semaphore, #tpu.memory_space<semaphore_mem>>
          tpu.wait_indirect_dma semaphore(%dma_wait3A_278 : memref<!tpu.dma_semaphore, #tpu.memory_space<semaphore_mem>>) src(%arg12 : memref<128x128xf32, #tpu.memory_space<vmem>>) dst(%dma_wait3A_276 : memref<500000x128xf32, #tpu.memory_space<hbm>>)
        } else {
        }
        %mul3A_134 = arith.constant 128 : i32
        %mul3A_135 = arith.muli %add3A_128, %mul3A_134 : i32
        %dma_start3A_136 = arith.constant 1 : i32
        %dma_start3A_137 = tpu.memref_slice %arg8[%mul3A_135] : memref<15872xi32, #tpu.memory_space<vmem>> -> memref<128xi32, #tpu.memory_space<vmem>>
        %dma_start3A_138 = arith.constant 0 : i32
        %dma_start3A_139 = arith.constant 0 : i32
        %dma_start3A_140 = tpu.memref_slice %arg5[%dma_start3A_138, %dma_start3A_139] : memref<253952x128xf32, #tpu.memory_space<hbm>> -> memref<253952x128xf32, #tpu.memory_space<hbm>>
        %dma_start3A_141 = tpu.memref_slice %arg15[%dma_start3A_136] : memref<4x!tpu.dma_semaphore, #tpu.memory_space<semaphore_mem>> -> memref<1x!tpu.dma_semaphore, #tpu.memory_space<semaphore_mem>>
        %dma_start3A_142 = tpu.memref_squeeze %dma_start3A_141 : memref<1x!tpu.dma_semaphore, #tpu.memory_space<semaphore_mem>> -> memref<!tpu.dma_semaphore, #tpu.memory_space<semaphore_mem>>
        tpu.enqueue_indirect_dma source(%dma_start3A_140 : memref<253952x128xf32, #tpu.memory_space<hbm>>) target(%arg12 : memref<128x128xf32, #tpu.memory_space<vmem>>) offsets(%dma_start3A_137 : memref<128xi32, #tpu.memory_space<vmem>>) semaphore(%dma_start3A_142 : memref<!tpu.dma_semaphore, #tpu.memory_space<semaphore_mem>>)
        %mul3A_143 = arith.constant 4 : i32
        %mul3A_144 = arith.muli %mul3A_143, %while3A_107 : i32
        %add3A_145 = arith.constant 2 : i32
        %add3A_146 = arith.addi %mul3A_144, %add3A_145 : i32
        %ge3A_147 = arith.constant 1 : i32
        %ge3A_148 = arith.cmpi sge, %while3A_107, %ge3A_147 : i32
        %convert_element_type3A_149 = arith.extui %ge3A_148 : i1 to i32
        %cond3A_150 = arith.constant 0 : i32
        %cond3A_151 = arith.cmpi ne, %convert_element_type3A_149, %cond3A_150 : i32
        scf.if %cond3A_151 {
          %sub3A_268 = arith.constant 4 : i32
          %sub3A_269 = arith.subi %add3A_146, %sub3A_268 : i32
          %mul3A_270 = arith.constant 128 : i32
          %mul3A_271 = arith.muli %sub3A_269, %mul3A_270 : i32
          %dma_wait3A_272 = arith.constant 2 : i32
          %dma_wait3A_273 = tpu.memref_slice %arg9[%mul3A_271] : memref<15872xi32, #tpu.memory_space<vmem>> -> memref<128xi32, #tpu.memory_space<vmem>>
          %dma_wait3A_274 = arith.constant 0 : i32
          %dma_wait3A_275 = arith.constant 0 : i32
          %dma_wait3A_276 = tpu.memref_slice %arg6[%dma_wait3A_274, %dma_wait3A_275] : memref<500000x128xf32, #tpu.memory_space<hbm>> -> memref<500000x128xf32, #tpu.memory_space<hbm>>
          %dma_wait3A_277 = tpu.memref_slice %arg16[%dma_wait3A_272] : memref<4x!tpu.dma_semaphore, #tpu.memory_space<semaphore_mem>> -> memref<1x!tpu.dma_semaphore, #tpu.memory_space<semaphore_mem>>
          %dma_wait3A_278 = tpu.memref_squeeze %dma_wait3A_277 : memref<1x!tpu.dma_semaphore, #tpu.memory_space<semaphore_mem>> -> memref<!tpu.dma_semaphore, #tpu.memory_space<semaphore_mem>>
          tpu.wait_indirect_dma semaphore(%dma_wait3A_278 : memref<!tpu.dma_semaphore, #tpu.memory_space<semaphore_mem>>) src(%arg13 : memref<128x128xf32, #tpu.memory_space<vmem>>) dst(%dma_wait3A_276 : memref<500000x128xf32, #tpu.memory_space<hbm>>)
        } else {
        }
        %mul3A_152 = arith.constant 128 : i32
        %mul3A_153 = arith.muli %add3A_146, %mul3A_152 : i32
        %dma_start3A_154 = arith.constant 2 : i32
        %dma_start3A_155 = tpu.memref_slice %arg8[%mul3A_153] : memref<15872xi32, #tpu.memory_space<vmem>> -> memref<128xi32, #tpu.memory_space<vmem>>
        %dma_start3A_156 = arith.constant 0 : i32
        %dma_start3A_157 = arith.constant 0 : i32
        %dma_start3A_158 = tpu.memref_slice %arg5[%dma_start3A_156, %dma_start3A_157] : memref<253952x128xf32, #tpu.memory_space<hbm>> -> memref<253952x128xf32, #tpu.memory_space<hbm>>
        %dma_start3A_159 = tpu.memref_slice %arg15[%dma_start3A_154] : memref<4x!tpu.dma_semaphore, #tpu.memory_space<semaphore_mem>> -> memref<1x!tpu.dma_semaphore, #tpu.memory_space<semaphore_mem>>
        %dma_start3A_160 = tpu.memref_squeeze %dma_start3A_159 : memref<1x!tpu.dma_semaphore, #tpu.memory_space<semaphore_mem>> -> memref<!tpu.dma_semaphore, #tpu.memory_space<semaphore_mem>>
        tpu.enqueue_indirect_dma source(%dma_start3A_158 : memref<253952x128xf32, #tpu.memory_space<hbm>>) target(%arg13 : memref<128x128xf32, #tpu.memory_space<vmem>>) offsets(%dma_start3A_155 : memref<128xi32, #tpu.memory_space<vmem>>) semaphore(%dma_start3A_160 : memref<!tpu.dma_semaphore, #tpu.memory_space<semaphore_mem>>)
        %mul3A_161 = arith.constant 4 : i32
        %mul3A_162 = arith.muli %mul3A_161, %while3A_107 : i32
        %add3A_163 = arith.constant 3 : i32
        %add3A_164 = arith.addi %mul3A_162, %add3A_163 : i32
        %ge3A_165 = arith.constant 1 : i32
        %ge3A_166 = arith.cmpi sge, %while3A_107, %ge3A_165 : i32
        %convert_element_type3A_167 = arith.extui %ge3A_166 : i1 to i32
        %cond3A_168 = arith.constant 0 : i32
        %cond3A_169 = arith.cmpi ne, %convert_element_type3A_167, %cond3A_168 : i32
        scf.if %cond3A_169 {
          %sub3A_268 = arith.constant 4 : i32
          %sub3A_269 = arith.subi %add3A_164, %sub3A_268 : i32
          %mul3A_270 = arith.constant 128 : i32
          %mul3A_271 = arith.muli %sub3A_269, %mul3A_270 : i32
          %dma_wait3A_272 = arith.constant 3 : i32
          %dma_wait3A_273 = tpu.memref_slice %arg9[%mul3A_271] : memref<15872xi32, #tpu.memory_space<vmem>> -> memref<128xi32, #tpu.memory_space<vmem>>
          %dma_wait3A_274 = arith.constant 0 : i32
          %dma_wait3A_275 = arith.constant 0 : i32
          %dma_wait3A_276 = tpu.memref_slice %arg6[%dma_wait3A_274, %dma_wait3A_275] : memref<500000x128xf32, #tpu.memory_space<hbm>> -> memref<500000x128xf32, #tpu.memory_space<hbm>>
          %dma_wait3A_277 = tpu.memref_slice %arg16[%dma_wait3A_272] : memref<4x!tpu.dma_semaphore, #tpu.memory_space<semaphore_mem>> -> memref<1x!tpu.dma_semaphore, #tpu.memory_space<semaphore_mem>>
          %dma_wait3A_278 = tpu.memref_squeeze %dma_wait3A_277 : memref<1x!tpu.dma_semaphore, #tpu.memory_space<semaphore_mem>> -> memref<!tpu.dma_semaphore, #tpu.memory_space<semaphore_mem>>
          tpu.wait_indirect_dma semaphore(%dma_wait3A_278 : memref<!tpu.dma_semaphore, #tpu.memory_space<semaphore_mem>>) src(%arg14 : memref<128x128xf32, #tpu.memory_space<vmem>>) dst(%dma_wait3A_276 : memref<500000x128xf32, #tpu.memory_space<hbm>>)
        } else {
        }
        %mul3A_170 = arith.constant 128 : i32
        %mul3A_171 = arith.muli %add3A_164, %mul3A_170 : i32
        %dma_start3A_172 = arith.constant 3 : i32
        %dma_start3A_173 = tpu.memref_slice %arg8[%mul3A_171] : memref<15872xi32, #tpu.memory_space<vmem>> -> memref<128xi32, #tpu.memory_space<vmem>>
        %dma_start3A_174 = arith.constant 0 : i32
        %dma_start3A_175 = arith.constant 0 : i32
        %dma_start3A_176 = tpu.memref_slice %arg5[%dma_start3A_174, %dma_start3A_175] : memref<253952x128xf32, #tpu.memory_space<hbm>> -> memref<253952x128xf32, #tpu.memory_space<hbm>>
        %dma_start3A_177 = tpu.memref_slice %arg15[%dma_start3A_172] : memref<4x!tpu.dma_semaphore, #tpu.memory_space<semaphore_mem>> -> memref<1x!tpu.dma_semaphore, #tpu.memory_space<semaphore_mem>>
        %dma_start3A_178 = tpu.memref_squeeze %dma_start3A_177 : memref<1x!tpu.dma_semaphore, #tpu.memory_space<semaphore_mem>> -> memref<!tpu.dma_semaphore, #tpu.memory_space<semaphore_mem>>
        tpu.enqueue_indirect_dma source(%dma_start3A_176 : memref<253952x128xf32, #tpu.memory_space<hbm>>) target(%arg14 : memref<128x128xf32, #tpu.memory_space<vmem>>) offsets(%dma_start3A_173 : memref<128xi32, #tpu.memory_space<vmem>>) semaphore(%dma_start3A_178 : memref<!tpu.dma_semaphore, #tpu.memory_space<semaphore_mem>>)
        %mul3A_179 = arith.constant 4 : i32
        %mul3A_180 = arith.muli %mul3A_179, %while3A_107 : i32
        %add3A_181 = arith.constant 0 : i32
        %add3A_182 = arith.addi %mul3A_180, %add3A_181 : i32
        %mul3A_183 = arith.constant 128 : i32
        %mul3A_184 = arith.muli %add3A_182, %mul3A_183 : i32
        %dma_wait3A_185 = arith.constant 0 : i32
        %dma_wait3A_186 = tpu.memref_slice %arg8[%mul3A_184] : memref<15872xi32, #tpu.memory_space<vmem>> -> memref<128xi32, #tpu.memory_space<vmem>>
        %dma_wait3A_187 = arith.constant 0 : i32
        %dma_wait3A_188 = arith.constant 0 : i32
        %dma_wait3A_189 = tpu.memref_slice %arg5[%dma_wait3A_187, %dma_wait3A_188] : memref<253952x128xf32, #tpu.memory_space<hbm>> -> memref<253952x128xf32, #tpu.memory_space<hbm>>
        %dma_wait3A_190 = tpu.memref_slice %arg15[%dma_wait3A_185] : memref<4x!tpu.dma_semaphore, #tpu.memory_space<semaphore_mem>> -> memref<1x!tpu.dma_semaphore, #tpu.memory_space<semaphore_mem>>
        %dma_wait3A_191 = tpu.memref_squeeze %dma_wait3A_190 : memref<1x!tpu.dma_semaphore, #tpu.memory_space<semaphore_mem>> -> memref<!tpu.dma_semaphore, #tpu.memory_space<semaphore_mem>>
        tpu.wait_indirect_dma semaphore(%dma_wait3A_191 : memref<!tpu.dma_semaphore, #tpu.memory_space<semaphore_mem>>) src(%dma_wait3A_189 : memref<253952x128xf32, #tpu.memory_space<hbm>>) dst(%arg11 : memref<128x128xf32, #tpu.memory_space<vmem>>)
        %mul3A_192 = arith.constant 128 : i32
        %mul3A_193 = arith.muli %add3A_182, %mul3A_192 : i32
        %dma_start3A_194 = arith.constant 0 : i32
        %dma_start3A_195 = tpu.memref_slice %arg9[%mul3A_193] : memref<15872xi32, #tpu.memory_space<vmem>> -> memref<128xi32, #tpu.memory_space<vmem>>
        %dma_start3A_196 = arith.constant 0 : i32
        %dma_start3A_197 = arith.constant 0 : i32
        %dma_start3A_198 = tpu.memref_slice %arg6[%dma_start3A_196, %dma_start3A_197] : memref<500000x128xf32, #tpu.memory_space<hbm>> -> memref<500000x128xf32, #tpu.memory_space<hbm>>
        %dma_start3A_199 = tpu.memref_slice %arg16[%dma_start3A_194] : memref<4x!tpu.dma_semaphore, #tpu.memory_space<semaphore_mem>> -> memref<1x!tpu.dma_semaphore, #tpu.memory_space<semaphore_mem>>
        %dma_start3A_200 = tpu.memref_squeeze %dma_start3A_199 : memref<1x!tpu.dma_semaphore, #tpu.memory_space<semaphore_mem>> -> memref<!tpu.dma_semaphore, #tpu.memory_space<semaphore_mem>>
        tpu.enqueue_indirect_dma source(%arg11 : memref<128x128xf32, #tpu.memory_space<vmem>>) target(%dma_start3A_198 : memref<500000x128xf32, #tpu.memory_space<hbm>>) offsets(%dma_start3A_195 : memref<128xi32, #tpu.memory_space<vmem>>) semaphore(%dma_start3A_200 : memref<!tpu.dma_semaphore, #tpu.memory_space<semaphore_mem>>)
        %mul3A_201 = arith.constant 4 : i32
        %mul3A_202 = arith.muli %mul3A_201, %while3A_107 : i32
        %add3A_203 = arith.constant 1 : i32
        %add3A_204 = arith.addi %mul3A_202, %add3A_203 : i32
        %mul3A_205 = arith.constant 128 : i32
        %mul3A_206 = arith.muli %add3A_204, %mul3A_205 : i32
        %dma_wait3A_207 = arith.constant 1 : i32
        %dma_wait3A_208 = tpu.memref_slice %arg8[%mul3A_206] : memref<15872xi32, #tpu.memory_space<vmem>> -> memref<128xi32, #tpu.memory_space<vmem>>
        %dma_wait3A_209 = arith.constant 0 : i32
        %dma_wait3A_210 = arith.constant 0 : i32
        %dma_wait3A_211 = tpu.memref_slice %arg5[%dma_wait3A_209, %dma_wait3A_210] : memref<253952x128xf32, #tpu.memory_space<hbm>> -> memref<253952x128xf32, #tpu.memory_space<hbm>>
        %dma_wait3A_212 = tpu.memref_slice %arg15[%dma_wait3A_207] : memref<4x!tpu.dma_semaphore, #tpu.memory_space<semaphore_mem>> -> memref<1x!tpu.dma_semaphore, #tpu.memory_space<semaphore_mem>>
        %dma_wait3A_213 = tpu.memref_squeeze %dma_wait3A_212 : memref<1x!tpu.dma_semaphore, #tpu.memory_space<semaphore_mem>> -> memref<!tpu.dma_semaphore, #tpu.memory_space<semaphore_mem>>
        tpu.wait_indirect_dma semaphore(%dma_wait3A_213 : memref<!tpu.dma_semaphore, #tpu.memory_space<semaphore_mem>>) src(%dma_wait3A_211 : memref<253952x128xf32, #tpu.memory_space<hbm>>) dst(%arg12 : memref<128x128xf32, #tpu.memory_space<vmem>>)
        %mul3A_214 = arith.constant 128 : i32
        %mul3A_215 = arith.muli %add3A_204, %mul3A_214 : i32
        %dma_start3A_216 = arith.constant 1 : i32
        %dma_start3A_217 = tpu.memref_slice %arg9[%mul3A_215] : memref<15872xi32, #tpu.memory_space<vmem>> -> memref<128xi32, #tpu.memory_space<vmem>>
        %dma_start3A_218 = arith.constant 0 : i32
        %dma_start3A_219 = arith.constant 0 : i32
        %dma_start3A_220 = tpu.memref_slice %arg6[%dma_start3A_218, %dma_start3A_219] : memref<500000x128xf32, #tpu.memory_space<hbm>> -> memref<500000x128xf32, #tpu.memory_space<hbm>>
        %dma_start3A_221 = tpu.memref_slice %arg16[%dma_start3A_216] : memref<4x!tpu.dma_semaphore, #tpu.memory_space<semaphore_mem>> -> memref<1x!tpu.dma_semaphore, #tpu.memory_space<semaphore_mem>>
        %dma_start3A_222 = tpu.memref_squeeze %dma_start3A_221 : memref<1x!tpu.dma_semaphore, #tpu.memory_space<semaphore_mem>> -> memref<!tpu.dma_semaphore, #tpu.memory_space<semaphore_mem>>
        tpu.enqueue_indirect_dma source(%arg12 : memref<128x128xf32, #tpu.memory_space<vmem>>) target(%dma_start3A_220 : memref<500000x128xf32, #tpu.memory_space<hbm>>) offsets(%dma_start3A_217 : memref<128xi32, #tpu.memory_space<vmem>>) semaphore(%dma_start3A_222 : memref<!tpu.dma_semaphore, #tpu.memory_space<semaphore_mem>>)
        %mul3A_223 = arith.constant 4 : i32
        %mul3A_224 = arith.muli %mul3A_223, %while3A_107 : i32
        %add3A_225 = arith.constant 2 : i32
        %add3A_226 = arith.addi %mul3A_224, %add3A_225 : i32
        %mul3A_227 = arith.constant 128 : i32
        %mul3A_228 = arith.muli %add3A_226, %mul3A_227 : i32
        %dma_wait3A_229 = arith.constant 2 : i32
        %dma_wait3A_230 = tpu.memref_slice %arg8[%mul3A_228] : memref<15872xi32, #tpu.memory_space<vmem>> -> memref<128xi32, #tpu.memory_space<vmem>>
        %dma_wait3A_231 = arith.constant 0 : i32
        %dma_wait3A_232 = arith.constant 0 : i32
        %dma_wait3A_233 = tpu.memref_slice %arg5[%dma_wait3A_231, %dma_wait3A_232] : memref<253952x128xf32, #tpu.memory_space<hbm>> -> memref<253952x128xf32, #tpu.memory_space<hbm>>
        %dma_wait3A_234 = tpu.memref_slice %arg15[%dma_wait3A_229] : memref<4x!tpu.dma_semaphore, #tpu.memory_space<semaphore_mem>> -> memref<1x!tpu.dma_semaphore, #tpu.memory_space<semaphore_mem>>
        %dma_wait3A_235 = tpu.memref_squeeze %dma_wait3A_234 : memref<1x!tpu.dma_semaphore, #tpu.memory_space<semaphore_mem>> -> memref<!tpu.dma_semaphore, #tpu.memory_space<semaphore_mem>>
        tpu.wait_indirect_dma semaphore(%dma_wait3A_235 : memref<!tpu.dma_semaphore, #tpu.memory_space<semaphore_mem>>) src(%dma_wait3A_233 : memref<253952x128xf32, #tpu.memory_space<hbm>>) dst(%arg13 : memref<128x128xf32, #tpu.memory_space<vmem>>)
        %mul3A_236 = arith.constant 128 : i32
        %mul3A_237 = arith.muli %add3A_226, %mul3A_236 : i32
        %dma_start3A_238 = arith.constant 2 : i32
        %dma_start3A_239 = tpu.memref_slice %arg9[%mul3A_237] : memref<15872xi32, #tpu.memory_space<vmem>> -> memref<128xi32, #tpu.memory_space<vmem>>
        %dma_start3A_240 = arith.constant 0 : i32
        %dma_start3A_241 = arith.constant 0 : i32
        %dma_start3A_242 = tpu.memref_slice %arg6[%dma_start3A_240, %dma_start3A_241] : memref<500000x128xf32, #tpu.memory_space<hbm>> -> memref<500000x128xf32, #tpu.memory_space<hbm>>
        %dma_start3A_243 = tpu.memref_slice %arg16[%dma_start3A_238] : memref<4x!tpu.dma_semaphore, #tpu.memory_space<semaphore_mem>> -> memref<1x!tpu.dma_semaphore, #tpu.memory_space<semaphore_mem>>
        %dma_start3A_244 = tpu.memref_squeeze %dma_start3A_243 : memref<1x!tpu.dma_semaphore, #tpu.memory_space<semaphore_mem>> -> memref<!tpu.dma_semaphore, #tpu.memory_space<semaphore_mem>>
        tpu.enqueue_indirect_dma source(%arg13 : memref<128x128xf32, #tpu.memory_space<vmem>>) target(%dma_start3A_242 : memref<500000x128xf32, #tpu.memory_space<hbm>>) offsets(%dma_start3A_239 : memref<128xi32, #tpu.memory_space<vmem>>) semaphore(%dma_start3A_244 : memref<!tpu.dma_semaphore, #tpu.memory_space<semaphore_mem>>)
        %mul3A_245 = arith.constant 4 : i32
        %mul3A_246 = arith.muli %mul3A_245, %while3A_107 : i32
        %add3A_247 = arith.constant 3 : i32
        %add3A_248 = arith.addi %mul3A_246, %add3A_247 : i32
        %mul3A_249 = arith.constant 128 : i32
        %mul3A_250 = arith.muli %add3A_248, %mul3A_249 : i32
        %dma_wait3A_251 = arith.constant 3 : i32
        %dma_wait3A_252 = tpu.memref_slice %arg8[%mul3A_250] : memref<15872xi32, #tpu.memory_space<vmem>> -> memref<128xi32, #tpu.memory_space<vmem>>
        %dma_wait3A_253 = arith.constant 0 : i32
        %dma_wait3A_254 = arith.constant 0 : i32
        %dma_wait3A_255 = tpu.memref_slice %arg5[%dma_wait3A_253, %dma_wait3A_254] : memref<253952x128xf32, #tpu.memory_space<hbm>> -> memref<253952x128xf32, #tpu.memory_space<hbm>>
        %dma_wait3A_256 = tpu.memref_slice %arg15[%dma_wait3A_251] : memref<4x!tpu.dma_semaphore, #tpu.memory_space<semaphore_mem>> -> memref<1x!tpu.dma_semaphore, #tpu.memory_space<semaphore_mem>>
        %dma_wait3A_257 = tpu.memref_squeeze %dma_wait3A_256 : memref<1x!tpu.dma_semaphore, #tpu.memory_space<semaphore_mem>> -> memref<!tpu.dma_semaphore, #tpu.memory_space<semaphore_mem>>
        tpu.wait_indirect_dma semaphore(%dma_wait3A_257 : memref<!tpu.dma_semaphore, #tpu.memory_space<semaphore_mem>>) src(%dma_wait3A_255 : memref<253952x128xf32, #tpu.memory_space<hbm>>) dst(%arg14 : memref<128x128xf32, #tpu.memory_space<vmem>>)
        %mul3A_258 = arith.constant 128 : i32
        %mul3A_259 = arith.muli %add3A_248, %mul3A_258 : i32
        %dma_start3A_260 = arith.constant 3 : i32
        %dma_start3A_261 = tpu.memref_slice %arg9[%mul3A_259] : memref<15872xi32, #tpu.memory_space<vmem>> -> memref<128xi32, #tpu.memory_space<vmem>>
        %dma_start3A_262 = arith.constant 0 : i32
        %dma_start3A_263 = arith.constant 0 : i32
        %dma_start3A_264 = tpu.memref_slice %arg6[%dma_start3A_262, %dma_start3A_263] : memref<500000x128xf32, #tpu.memory_space<hbm>> -> memref<500000x128xf32, #tpu.memory_space<hbm>>
        %dma_start3A_265 = tpu.memref_slice %arg16[%dma_start3A_260] : memref<4x!tpu.dma_semaphore, #tpu.memory_space<semaphore_mem>> -> memref<1x!tpu.dma_semaphore, #tpu.memory_space<semaphore_mem>>
        %dma_start3A_266 = tpu.memref_squeeze %dma_start3A_265 : memref<1x!tpu.dma_semaphore, #tpu.memory_space<semaphore_mem>> -> memref<!tpu.dma_semaphore, #tpu.memory_space<semaphore_mem>>
        tpu.enqueue_indirect_dma source(%arg14 : memref<128x128xf32, #tpu.memory_space<vmem>>) target(%dma_start3A_264 : memref<500000x128xf32, #tpu.memory_space<hbm>>) offsets(%dma_start3A_261 : memref<128xi32, #tpu.memory_space<vmem>>) semaphore(%dma_start3A_266 : memref<!tpu.dma_semaphore, #tpu.memory_space<semaphore_mem>>)
        %while3A_267 = arith.constant 0 : i32
        scf.yield %while3A_267 : i32
      }
      %sub3A_48 = arith.constant 1 : i32
      %sub3A_49 = arith.subi %select_n3A, %sub3A_48 : i32
      %mul3A_50 = arith.constant 4 : i32
      %mul3A_51 = arith.muli %mul3A_50, %sub3A_49 : i32
      %add3A_52 = arith.constant 0 : i32
      %add3A_53 = arith.addi %mul3A_51, %add3A_52 : i32
      %mul3A_54 = arith.constant 128 : i32
      %mul3A_55 = arith.muli %add3A_53, %mul3A_54 : i32
      %dma_wait3A = arith.constant 0 : i32
      %dma_wait3A_56 = tpu.memref_slice %arg9[%mul3A_55] : memref<15872xi32, #tpu.memory_space<vmem>> -> memref<128xi32, #tpu.memory_space<vmem>>
      %dma_wait3A_57 = arith.constant 0 : i32
      %dma_wait3A_58 = arith.constant 0 : i32
      %dma_wait3A_59 = tpu.memref_slice %arg6[%dma_wait3A_57, %dma_wait3A_58] : memref<500000x128xf32, #tpu.memory_space<hbm>> -> memref<500000x128xf32, #tpu.memory_space<hbm>>
      %dma_wait3A_60 = tpu.memref_slice %arg16[%dma_wait3A] : memref<4x!tpu.dma_semaphore, #tpu.memory_space<semaphore_mem>> -> memref<1x!tpu.dma_semaphore, #tpu.memory_space<semaphore_mem>>
      %dma_wait3A_61 = tpu.memref_squeeze %dma_wait3A_60 : memref<1x!tpu.dma_semaphore, #tpu.memory_space<semaphore_mem>> -> memref<!tpu.dma_semaphore, #tpu.memory_space<semaphore_mem>>
      tpu.wait_indirect_dma semaphore(%dma_wait3A_61 : memref<!tpu.dma_semaphore, #tpu.memory_space<semaphore_mem>>) src(%arg11 : memref<128x128xf32, #tpu.memory_space<vmem>>) dst(%dma_wait3A_59 : memref<500000x128xf32, #tpu.memory_space<hbm>>)
      %sub3A_62 = arith.constant 1 : i32
      %sub3A_63 = arith.subi %select_n3A, %sub3A_62 : i32
      %mul3A_64 = arith.constant 4 : i32
      %mul3A_65 = arith.muli %mul3A_64, %sub3A_63 : i32
      %add3A_66 = arith.constant 1 : i32
      %add3A_67 = arith.addi %mul3A_65, %add3A_66 : i32
      %mul3A_68 = arith.constant 128 : i32
      %mul3A_69 = arith.muli %add3A_67, %mul3A_68 : i32
      %dma_wait3A_70 = arith.constant 1 : i32
      %dma_wait3A_71 = tpu.memref_slice %arg9[%mul3A_69] : memref<15872xi32, #tpu.memory_space<vmem>> -> memref<128xi32, #tpu.memory_space<vmem>>
      %dma_wait3A_72 = arith.constant 0 : i32
      %dma_wait3A_73 = arith.constant 0 : i32
      %dma_wait3A_74 = tpu.memref_slice %arg6[%dma_wait3A_72, %dma_wait3A_73] : memref<500000x128xf32, #tpu.memory_space<hbm>> -> memref<500000x128xf32, #tpu.memory_space<hbm>>
      %dma_wait3A_75 = tpu.memref_slice %arg16[%dma_wait3A_70] : memref<4x!tpu.dma_semaphore, #tpu.memory_space<semaphore_mem>> -> memref<1x!tpu.dma_semaphore, #tpu.memory_space<semaphore_mem>>
      %dma_wait3A_76 = tpu.memref_squeeze %dma_wait3A_75 : memref<1x!tpu.dma_semaphore, #tpu.memory_space<semaphore_mem>> -> memref<!tpu.dma_semaphore, #tpu.memory_space<semaphore_mem>>
      tpu.wait_indirect_dma semaphore(%dma_wait3A_76 : memref<!tpu.dma_semaphore, #tpu.memory_space<semaphore_mem>>) src(%arg12 : memref<128x128xf32, #tpu.memory_space<vmem>>) dst(%dma_wait3A_74 : memref<500000x128xf32, #tpu.memory_space<hbm>>)
      %sub3A_77 = arith.constant 1 : i32
      %sub3A_78 = arith.subi %select_n3A, %sub3A_77 : i32
      %mul3A_79 = arith.constant 4 : i32
      %mul3A_80 = arith.muli %mul3A_79, %sub3A_78 : i32
      %add3A_81 = arith.constant 2 : i32
      %add3A_82 = arith.addi %mul3A_80, %add3A_81 : i32
      %mul3A_83 = arith.constant 128 : i32
      %mul3A_84 = arith.muli %add3A_82, %mul3A_83 : i32
      %dma_wait3A_85 = arith.constant 2 : i32
      %dma_wait3A_86 = tpu.memref_slice %arg9[%mul3A_84] : memref<15872xi32, #tpu.memory_space<vmem>> -> memref<128xi32, #tpu.memory_space<vmem>>
      %dma_wait3A_87 = arith.constant 0 : i32
      %dma_wait3A_88 = arith.constant 0 : i32
      %dma_wait3A_89 = tpu.memref_slice %arg6[%dma_wait3A_87, %dma_wait3A_88] : memref<500000x128xf32, #tpu.memory_space<hbm>> -> memref<500000x128xf32, #tpu.memory_space<hbm>>
      %dma_wait3A_90 = tpu.memref_slice %arg16[%dma_wait3A_85] : memref<4x!tpu.dma_semaphore, #tpu.memory_space<semaphore_mem>> -> memref<1x!tpu.dma_semaphore, #tpu.memory_space<semaphore_mem>>
      %dma_wait3A_91 = tpu.memref_squeeze %dma_wait3A_90 : memref<1x!tpu.dma_semaphore, #tpu.memory_space<semaphore_mem>> -> memref<!tpu.dma_semaphore, #tpu.memory_space<semaphore_mem>>
      tpu.wait_indirect_dma semaphore(%dma_wait3A_91 : memref<!tpu.dma_semaphore, #tpu.memory_space<semaphore_mem>>) src(%arg13 : memref<128x128xf32, #tpu.memory_space<vmem>>) dst(%dma_wait3A_89 : memref<500000x128xf32, #tpu.memory_space<hbm>>)
      %sub3A_92 = arith.constant 1 : i32
      %sub3A_93 = arith.subi %select_n3A, %sub3A_92 : i32
      %mul3A_94 = arith.constant 4 : i32
      %mul3A_95 = arith.muli %mul3A_94, %sub3A_93 : i32
      %add3A_96 = arith.constant 3 : i32
      %add3A_97 = arith.addi %mul3A_95, %add3A_96 : i32
      %mul3A_98 = arith.constant 128 : i32
      %mul3A_99 = arith.muli %add3A_97, %mul3A_98 : i32
      %dma_wait3A_100 = arith.constant 3 : i32
      %dma_wait3A_101 = tpu.memref_slice %arg9[%mul3A_99] : memref<15872xi32, #tpu.memory_space<vmem>> -> memref<128xi32, #tpu.memory_space<vmem>>
      %dma_wait3A_102 = arith.constant 0 : i32
      %dma_wait3A_103 = arith.constant 0 : i32
      %dma_wait3A_104 = tpu.memref_slice %arg6[%dma_wait3A_102, %dma_wait3A_103] : memref<500000x128xf32, #tpu.memory_space<hbm>> -> memref<500000x128xf32, #tpu.memory_space<hbm>>
      %dma_wait3A_105 = tpu.memref_slice %arg16[%dma_wait3A_100] : memref<4x!tpu.dma_semaphore, #tpu.memory_space<semaphore_mem>> -> memref<1x!tpu.dma_semaphore, #tpu.memory_space<semaphore_mem>>
      %dma_wait3A_106 = tpu.memref_squeeze %dma_wait3A_105 : memref<1x!tpu.dma_semaphore, #tpu.memory_space<semaphore_mem>> -> memref<!tpu.dma_semaphore, #tpu.memory_space<semaphore_mem>>
      tpu.wait_indirect_dma semaphore(%dma_wait3A_106 : memref<!tpu.dma_semaphore, #tpu.memory_space<semaphore_mem>>) src(%arg14 : memref<128x128xf32, #tpu.memory_space<vmem>>) dst(%dma_wait3A_104 : memref<500000x128xf32, #tpu.memory_space<hbm>>)
    } else {
    }
    return
  }
}

module attributes {stable_mosaic.version = 14 : i64} {
  func.func @_copy_body(%arg0: i32, %arg1: memref<2000x128xf32, #tpu.memory_space<vmem>>, %arg2: memref<2000x128xf32, #tpu.memory_space<vmem>>) attributes {dimension_semantics = [#tpu.dimension_semantics<arbitrary>], iteration_bounds = array<i64: 173>, scalar_prefetch = 0 : i64, scratch_operands = 0 : i64, tpu.core_type = #tpu.core_type<tc>, window_params = [{transform_indices = @transform_0, window_bounds = array<i64: 2000, 128>}, {transform_indices = @transform_1, window_bounds = array<i64: 2000, 128>}]} {
    %get3A = arith.constant 0 : index
    %get3A_0 = arith.constant 0 : index
    %get3A_1 = vector.load %arg1[%get3A, %get3A_0] : memref<2000x128xf32, #tpu.memory_space<vmem>>, vector<2000x128xf32>
    %swap3A = arith.constant 0 : index
    %swap3A_2 = arith.constant 0 : index
    %swap3A_3 = vector.load %arg2[%swap3A, %swap3A_2] : memref<2000x128xf32, #tpu.memory_space<vmem>>, vector<2000x128xf32>
    tpu.vector_store %arg2[%swap3A, %swap3A_2], %get3A_1 {strides = array<i32>} : memref<2000x128xf32, #tpu.memory_space<vmem>>, vector<2000x128xf32>,
    return
  }
  func.func @transform_0(%arg0: i32) -> (i32, i32) {
    %add3A = arith.constant 77 : i32
    %add3A_0 = arith.addi %arg0, %add3A : i32
    %c0_i32 = arith.constant 0 : i32
    %c0_i32_1 = arith.constant 0 : i32
    return %add3A_0, %c0_i32 : i32, i32
  }
  func.func @transform_1(%arg0: i32) -> (i32, i32) {
    %add3A = arith.constant 77 : i32
    %add3A_0 = arith.addi %arg0, %add3A : i32
    %c0_i32 = arith.constant 0 : i32
    %c0_i32_1 = arith.constant 0 : i32
    return %add3A_0, %c0_i32 : i32, i32
  }
}

module attributes {stable_mosaic.version = 14 : i64} {
  func.func @_update_body(%arg0: i32, %arg1: memref<8192x128xf32, #tpu.memory_space<vmem>>, %arg2: memref<8192x128xf32, #tpu.memory_space<vmem>>, %arg3: memref<256x128xf32, #tpu.memory_space<vmem>>, %arg4: memref<1x128xf32, #tpu.memory_space<vmem>>, %arg5: memref<256x128xf32, #tpu.memory_space<vmem>>, %arg6: memref<1x128xf32, #tpu.memory_space<vmem>>, %arg7: memref<8192x128xf32, #tpu.memory_space<vmem>>) attributes {dimension_semantics = [#tpu.dimension_semantics<arbitrary>], iteration_bounds = array<i64: 31>, scalar_prefetch = 0 : i64, scratch_operands = 0 : i64, tpu.core_type = #tpu.core_type<tc>, window_params = [{transform_indices = @transform_0, window_bounds = array<i64: 8192, 128>}, {transform_indices = @transform_1, window_bounds = array<i64: 8192, 128>}, {pipeline_mode = #tpu.pipeline_mode<synchronous>, transform_indices = @transform_2, window_bounds = array<i64: 256, 128>}, {pipeline_mode = #tpu.pipeline_mode<synchronous>, transform_indices = @transform_3, window_bounds = array<i64: 1, 128>}, {pipeline_mode = #tpu.pipeline_mode<synchronous>, transform_indices = @transform_4, window_bounds = array<i64: 256, 128>}, {pipeline_mode = #tpu.pipeline_mode<synchronous>, transform_indices = @transform_5, window_bounds = array<i64: 1, 128>}, {transform_indices = @transform_6, window_bounds = array<i64: 8192, 128>}]} {
    %get3A = arith.constant 0 : index
    %get3A_0 = arith.constant 0 : index
    %get3A_1 = vector.load %arg1[%get3A, %get3A_0] : memref<8192x128xf32, #tpu.memory_space<vmem>>, vector<8192x128xf32>
    %get3A_2 = arith.constant 0 : index
    %get3A_3 = arith.constant 0 : index
    %get3A_4 = vector.load %arg2[%get3A_2, %get3A_3] : memref<8192x128xf32, #tpu.memory_space<vmem>>, vector<8192x128xf32>
    %get3A_5 = arith.constant 0 : index
    %get3A_6 = arith.constant 0 : index
    %get3A_7 = vector.load %arg3[%get3A_5, %get3A_6] : memref<256x128xf32, #tpu.memory_space<vmem>>, vector<128x128xf32>
    %dot_general3A = arith.constant dense<0.000000e+00> : vector<8192x128xf32>
    %dot_general3A_8 = tpu.matmul %get3A_1, %get3A_7, %dot_general3A {dimension_numbers = #tpu.dot_dimension_numbers<[1], [0], [0], [1], [0, 0, 1, 1], [], []>, transpose_lhs_hint = false} : vector<8192x128xf32>, vector<128x128xf32>, vector<8192x128xf32> -> vector<8192x128xf32>
    %get3A_9 = arith.constant 128 : index
    %get3A_10 = arith.constant 0 : index
    %get3A_11 = vector.load %arg3[%get3A_9, %get3A_10] : memref<256x128xf32, #tpu.memory_space<vmem>>, vector<128x128xf32>
    %dot_general3A_12 = arith.constant dense<0.000000e+00> : vector<8192x128xf32>
    %dot_general3A_13 = tpu.matmul %get3A_4, %get3A_11, %dot_general3A_12 {dimension_numbers = #tpu.dot_dimension_numbers<[1], [0], [0], [1], [0, 0, 1, 1], [], []>, transpose_lhs_hint = false} : vector<8192x128xf32>, vector<128x128xf32>, vector<8192x128xf32> -> vector<8192x128xf32>
    %add3A = arith.addf %dot_general3A_8, %dot_general3A_13 : vector<8192x128xf32>
    %get3A_14 = arith.constant 0 : index
    %get3A_15 = arith.constant 0 : index
    %get3A_16 = vector.load %arg4[%get3A_14, %get3A_15] : memref<1x128xf32, #tpu.memory_space<vmem>>, vector<1x128xf32>
    %add3A_17 = vector.broadcast %get3A_16 : vector<1x128xf32> to vector<8192x128xf32>
    %add3A_18 = arith.addf %add3A, %add3A_17 : vector<8192x128xf32>
    %logistic3A = arith.negf %add3A_18 : vector<8192x128xf32>
    %logistic3A_19 = math.exp %logistic3A : vector<8192x128xf32>
    %logistic3A_20 = arith.constant 1.000000e+00 : f32
    %logistic3A_21 = vector.broadcast %logistic3A_20 : f32 to vector<8192x128xf32>
    %logistic3A_22 = arith.addf %logistic3A_21, %logistic3A_19 : vector<8192x128xf32>
    %logistic3A_23 = arith.divf %logistic3A_21, %logistic3A_22 : vector<8192x128xf32>
    %get3A_24 = arith.constant 0 : index
    %get3A_25 = arith.constant 0 : index
    %get3A_26 = vector.load %arg5[%get3A_24, %get3A_25] : memref<256x128xf32, #tpu.memory_space<vmem>>, vector<128x128xf32>
    %dot_general3A_27 = arith.constant dense<0.000000e+00> : vector<8192x128xf32>
    %dot_general3A_28 = tpu.matmul %get3A_1, %get3A_26, %dot_general3A_27 {dimension_numbers = #tpu.dot_dimension_numbers<[1], [0], [0], [1], [0, 0, 1, 1], [], []>, transpose_lhs_hint = false} : vector<8192x128xf32>, vector<128x128xf32>, vector<8192x128xf32> -> vector<8192x128xf32>
    %get3A_29 = arith.constant 128 : index
    %get3A_30 = arith.constant 0 : index
    %get3A_31 = vector.load %arg5[%get3A_29, %get3A_30] : memref<256x128xf32, #tpu.memory_space<vmem>>, vector<128x128xf32>
    %dot_general3A_32 = arith.constant dense<0.000000e+00> : vector<8192x128xf32>
    %dot_general3A_33 = tpu.matmul %get3A_4, %get3A_31, %dot_general3A_32 {dimension_numbers = #tpu.dot_dimension_numbers<[1], [0], [0], [1], [0, 0, 1, 1], [], []>, transpose_lhs_hint = false} : vector<8192x128xf32>, vector<128x128xf32>, vector<8192x128xf32> -> vector<8192x128xf32>
    %add3A_34 = arith.addf %dot_general3A_28, %dot_general3A_33 : vector<8192x128xf32>
    %get3A_35 = arith.constant 0 : index
    %get3A_36 = arith.constant 0 : index
    %get3A_37 = vector.load %arg6[%get3A_35, %get3A_36] : memref<1x128xf32, #tpu.memory_space<vmem>>, vector<1x128xf32>
    %add3A_38 = vector.broadcast %get3A_37 : vector<1x128xf32> to vector<8192x128xf32>
    %add3A_39 = arith.addf %add3A_34, %add3A_38 : vector<8192x128xf32>
    %max3A = arith.constant 0.000000e+00 : f32
    %max3A_40 = vector.broadcast %max3A : f32 to vector<8192x128xf32>
    %max3A_41 = arith.maximumf %add3A_39, %max3A_40 : vector<8192x128xf32>
    %mul3A = arith.mulf %logistic3A_23, %get3A_1 : vector<8192x128xf32>
    %sub3A = arith.constant 1.000000e+00 : f32
    %sub3A_42 = vector.broadcast %sub3A : f32 to vector<8192x128xf32>
    %sub3A_43 = arith.subf %sub3A_42, %logistic3A_23 : vector<8192x128xf32>
    %mul3A_44 = arith.mulf %sub3A_43, %max3A_41 : vector<8192x128xf32>
    %add3A_45 = arith.addf %mul3A, %mul3A_44 : vector<8192x128xf32>
    %swap3A = arith.constant 0 : index
    %swap3A_46 = arith.constant 0 : index
    %swap3A_47 = vector.load %arg7[%swap3A, %swap3A_46] : memref<8192x128xf32, #tpu.memory_space<vmem>>, vector<8192x128xf32>
    tpu.vector_store %arg7[%swap3A, %swap3A_46], %add3A_45 {strides = array<i32>} : memref<8192x128xf32, #tpu.memory_space<vmem>>, vector<8192x128xf32>,
    return
  }
  func.func @transform_0(%arg0: i32) -> (i32, i32) {
    %c0_i32 = arith.constant 0 : i32
    %c0_i32_0 = arith.constant 0 : i32
    return %arg0, %c0_i32 : i32, i32
  }
  func.func @transform_1(%arg0: i32) -> (i32, i32) {
    %c0_i32 = arith.constant 0 : i32
    %c0_i32_0 = arith.constant 0 : i32
    return %arg0, %c0_i32 : i32, i32
  }
  func.func @transform_2(%arg0: i32) -> (i32, i32) {
    %c0_i32 = arith.constant 0 : i32
    %c0_i32_0 = arith.constant 0 : i32
    %c0_i32_1 = arith.constant 0 : i32
    return %c0_i32, %c0_i32_0 : i32, i32
  }
  func.func @transform_3(%arg0: i32) -> (i32, i32) {
    %c0_i32 = arith.constant 0 : i32
    %c0_i32_0 = arith.constant 0 : i32
    %c0_i32_1 = arith.constant 0 : i32
    return %c0_i32, %c0_i32_0 : i32, i32
  }
  func.func @transform_4(%arg0: i32) -> (i32, i32) {
    %c0_i32 = arith.constant 0 : i32
    %c0_i32_0 = arith.constant 0 : i32
    %c0_i32_1 = arith.constant 0 : i32
    return %c0_i32, %c0_i32_0 : i32, i32
  }
  func.func @transform_5(%arg0: i32) -> (i32, i32) {
    %c0_i32 = arith.constant 0 : i32
    %c0_i32_0 = arith.constant 0 : i32
    %c0_i32_1 = arith.constant 0 : i32
    return %c0_i32, %c0_i32_0 : i32, i32
  }
  func.func @transform_6(%arg0: i32) -> (i32, i32) {
    %c0_i32 = arith.constant 0 : i32
    %c0_i32_0 = arith.constant 0 : i32
    return %arg0, %c0_i32 : i32, i32
  }
}

</mosaic_0001>

<sc_bundles>
// kernel: kernel.10.cloned.1.call-start
scs
__scs_entry_jumppad:
0x0: {  	(pc) =	sbr.rel $0x88, $3  }
0x1: {  	(tag) =	ssettag $0x0;
	lr =	simm.s32 $0x1  }
0x2: {  	[smem:$0x3F99] =	sst lr;
	_ =	strace $0xD0000000  }
0x3: {  	_ = 	snop  }
0x4: {  	_ = 	snop  }
0x5: {  	_ = 	snop  }
0x6: {  	_ = 	snop  }
0x7: {  	_ = 	snop  }
__scs_overlays_trampoline_lowered:
0x8: {  	[smem:$0x3FA8] =	sst s0  }
0x9: {  	[smem:$0x3FA9] =	sst s1  }
0xa: {  	[smem:$0x3FAA] =	sst s2  }
0xb: {  	[smem:$0x3FAB] =	sst s3  }
0xc: {  	[smem:$0x3FAC] =	sst s4  }
0xd: {  	[smem:$0x3FAD] =	sst s5  }
0xe: {  	[smem:$0x3FAE] =	sst s6  }
0xf: {  	[smem:$0x3FAF] =	sst s7  }
0x10: {  	[smem:$0x3FB0] =	sst s8  }
0x11: {  	[smem:$0x3FB1] =	sst s9;
	s0 =	simm.s32 @!p0 $0x0  }
0x12: {  	s1 =	sld [smem:$0x3F97];
	s0 =	simm.s32 @p0 $0x1  }
0x13: {  	[smem:$0x3FB2] =	sst s0;
	s0 =	simm.s32 @!p1 $0x0  }
0x14: {  	s2 =	sld [smem:$0x3F96];
	s0 =	simm.s32 @p1 $0x1  }
0x15: {  	[smem:$0x3FB3] =	sst s0;
	s0 =	simm.s32 @!p2 $0x0  }
0x16: {  	s3 =	sld [smem:$0x3FDB];
	s0 =	simm.s32 @p2 $0x1  }
0x17: {  	s4 =	simm.s32 $0x1BF5;
	[smem:$0x3FB5] =	sst s0  }
0x18: {  	s0 =	sld [smem:$0x3F98];
	_ =	swait.ge [sflag:s4], $0x0  }
0x19: {  	s7 =	sld [smem:$0x3F99]  }
0x1a: {  	s8 =	sadd.s32 $0xFFFFE003, lr  }
0x1b: {  	s9 =	sadd.s32 $0xFFFFFEF7, lr;
	s5 =	simm.s32 $0xFFFFFFFF;
	p2 =	slt.u32 s8, $0xFFFFF086  }
0x1c: {  	p1 =	slt.u32 s9, $0xF7A;
	s5 =	simm.s32 @!p2 $0x0  }
0x1d: {  	s5 =	simm.s32 @p1 $0x1;
	p0 =	seq.s32 s7, s2  }
0x1e: {  	s7 =	smul.u32 @!p0 $0xF7A, s2;
	p2 =	seq.s32 @!p0 s5, $0x0  }
0x1f: {  	s9 =	smul.u32 $0xF7A, s1;
	s8 =	simm.s32 @!p0 $0x1BF5;
	p2 =	por !p2, p0  }
0x20: {  	[sflag:s8] =	ssyncset.s32 @!p0 $0xFFFFF086;
	s6 =	sadd.s32 @!p0 s3, s7;
	s7 =	simm.s32 @!p0 $0x108  }
0x21: {  	s3 =	sadd.s32 s3, s9;
	s6 =	sadd.s32 @!p0 $0x88, s6;
	s7 =	simm.s32 @p2 $0x1082  }
0x22: {  	[simem:s7], [sflag:s8] =	dma.local @!p0 [hbm:s6], $0xF7A  }
0x23: {  	s9 =	sor.u32 $0xD0000000, s2;
	s6 =	simm.s32 $0x108;
	_ =	swait.ge @!p0 [sflag:s8], $0x0  }
0x24: {  	s3 =	sadd.s32 $0x88, s3;
	s6 =	simm.s32 @!p1 $0x1082;
	[sflag:s4] =	ssyncset.s32 $0xFFFFF086  }
0x25: {  	[simem:s6], [sflag:s4] =	dma.local [hbm:s3], $0xF7A  }
0x26: {  	[smem:$0x3F99] =	sst s1;
	(tag) =	ssettag s2;
	_ =	strace s9  }
0x27: {  	s1 =	sld [smem:$0x3FA9]  }
0x28: {  	s2 =	sld [smem:$0x3FAA]  }
0x29: {  	s4 =	sld [smem:$0x3FAC]  }
0x2a: {  	p0 =	seq.s32 s5, $0x0;
	s5 =	sld [smem:$0x3FAD]  }
0x2b: {  	s6 =	sld [smem:$0x3FAE]  }
0x2c: {  	s7 =	sld [smem:$0x3FAF]  }
0x2d: {  	s3 =	simm.s32 $0x108;
	s8 =	sld [smem:$0x3FB0]  }
0x2e: {  	s3 =	simm.s32 @!p0 $0x1082;
	s9 =	sld [smem:$0x3FB1]  }
0x2f: {  	lr =	sadd.s32 s0, s3;
	s0 =	sld [smem:$0x3FA8]  }
0x30: {  	s3 =	sld [smem:$0x3FAB]  }
0x31: {  	[smem:$0x3FB4] =	sst s10  }
0x32: {  	s10 =	sld [smem:$0x3FB2];
	_ =	sdelay $0x3  }
0x33: {  	p0 =	seq.s32 s10, $0x1;
	s10 =	sld [smem:$0x3FB4];
	_ =	sdelay $0x3  }
0x34: {  	[smem:$0x3FB4] =	sst s10  }
0x35: {  	s10 =	sld [smem:$0x3FB3];
	_ =	sdelay $0x3  }
0x36: {  	p1 =	seq.s32 s10, $0x1;
	s10 =	sld [smem:$0x3FB4];
	_ =	sdelay $0x3  }
0x37: {  	[smem:$0x3FB4] =	sst s10  }
0x38: {  	s10 =	sld [smem:$0x3FB5]  }
0x39: {  	_ = 	snop;
	(pc) =	sbr.ind lr, $3  }
0x3a: {  	_ = 	snop  }
0x3b: {  	_ = 	snop  }
0x3c: {  	p2 =	seq.s32 s10, $0x1;
	s10 =	sld [smem:$0x3FB4]  }
0x3d: {  	_ =	shalt  }
0x3e: {  	_ =	shalt  }
0x3f: {  	_ =	shalt  }
0x40: {  	_ =	shalt  }
0x41: {  	_ =	shalt  }
0x42: {  	_ =	shalt  }
0x43: {  	_ =	shalt  }
0x44: {  	_ =	shalt  }
0x45: {  	_ =	shalt  }
0x46: {  	_ =	shalt  }
0x47: {  	_ =	shalt  }
0x48: {  	_ =	shalt  }
0x49: {  	_ =	shalt  }
0x4a: {  	_ =	shalt  }
0x4b: {  	_ =	shalt  }
0x4c: {  	_ =	shalt  }
0x4d: {  	_ =	shalt  }
0x4e: {  	_ =	shalt  }
0x4f: {  	_ =	shalt  }
0x50: {  	_ =	shalt  }
0x51: {  	_ =	shalt  }
0x52: {  	_ =	shalt  }
0x53: {  	_ =	shalt  }
0x54: {  	_ =	shalt  }
0x55: {  	_ =	shalt  }
0x56: {  	_ =	shalt  }
0x57: {  	_ =	shalt  }
0x58: {  	_ =	shalt  }
0x59: {  	_ =	shalt  }
0x5a: {  	_ =	shalt  }
0x5b: {  	_ =	shalt  }
0x5c: {  	_ =	shalt  }
0x5d: {  	_ =	shalt  }
0x5e: {  	_ =	shalt  }
0x5f: {  	_ =	shalt  }
0x60: {  	_ =	shalt  }
0x61: {  	_ =	shalt  }
0x62: {  	_ =	shalt  }
0x63: {  	_ =	shalt  }
0x64: {  	_ =	shalt  }
0x65: {  	_ =	shalt  }
0x66: {  	_ =	shalt  }
0x67: {  	_ =	shalt  }
0x68: {  	_ =	shalt  }
0x69: {  	_ =	shalt  }
0x6a: {  	_ =	shalt  }
0x6b: {  	_ =	shalt  }
0x6c: {  	_ =	shalt  }
0x6d: {  	_ =	shalt  }
0x6e: {  	_ =	shalt  }
0x6f: {  	_ =	shalt  }
0x70: {  	_ =	shalt  }
0x71: {  	_ =	shalt  }
0x72: {  	_ =	shalt  }
0x73: {  	_ =	shalt  }
0x74: {  	_ =	shalt  }
0x75: {  	_ =	shalt  }
0x76: {  	_ =	shalt  }
0x77: {  	_ =	shalt  }
0x78: {  	_ =	shalt  }
0x79: {  	_ =	shalt  }
0x7a: {  	_ =	shalt  }
0x7b: {  	_ =	shalt  }
0x7c: {  	_ =	shalt  }
0x7d: {  	_ =	shalt  }
0x7e: {  	_ =	shalt  }
0x7f: {  	_ =	shalt  }
0x80: {  	_ =	shalt  }
0x81: {  	_ =	shalt  }
0x82: {  	_ =	shalt  }
0x83: {  	_ =	shalt  }
0x84: {  	_ =	shalt  }
0x85: {  	_ =	shalt  }
0x86: {  	_ =	shalt  }
0x87: {  	_ =	shalt  }
.Lfunc_end0:
.L_simem_size_0:
called_computation.1_lowered:
.L_overlay_start_0:
0x88: {  	s2 =	sld [smem:$0x3FD9]  }
0x89: {  	s3 =	sld [smem:$0x3FFE];
	_ =	sdelay $0x1  }
0x8a: {  	s1 =	srdreg.scid  }
0x8b: {  	s0 =	sand.u32 $0x1, s1  }
0x8c: {  	s18 =	sshll.u32 s0, $0xA;
	s2 =	sadd.s32 s3, s2  }
0x8d: {  	s2 =	sadd.s32 s2, s18  }
0x8e: {  	[smem:$0x3FC0] =	sst s2  }
0x8f: {  	_ = 	snop  }
0x90: {  	s19 =	sld [smem:$0x3FC9]  }
0x91: {  	s4 =	sld [smem:$0x3FD0];
	(tm) =	ssettm $0x1  }
0x92: {  	s20 =	sld [smem:$0x3FFB];
	_ =	sdelay $0x3  }
0x93: {  	_ =	strace s20  }
0x94: {  	s2 =	sld [smem:$0x3FFC];
	_ =	sdelay $0x3  }
0x95: {  	_ =	strace s2  }
0x96: {  	s2 =	sld [smem:$0x3FFD];
	_ =	sdelay $0x3  }
0x97: {  	_ =	strace s2  }
0x98: {  	_ =	strace $0x8FFFFFFF  }
0x99: {  	s21 =	sld [smem:$0x3FDB];
	_ =	sdelay $0x1  }
0x9a: {  	s5 =	simm.s32 $_scs_section_size  }
0x9b: {  	s6 =	simm.s32 $_size__tile_overlayer_lowered;
	s7 =	simm.s32 $_tile_overlayer_lowered  }
0x9c: {  	s8 =	simm.s32 $0x1BFF;
	s22 =	sshll.u32 s7, $0x1;
	s5 =	sadd.s32 s5, s21  }
0x9d: {  	s23 =	simm.s32 $0x0;
	s6 =	sshll.u32 s6, $0x1;
	s7 =	sadd.s32 s22, s5  }
0x9e: {  	[timem:s23], [sflag:s8] =	dma.local [hbm:s7], s6  }
0x9f: {  	_ =	swait.ge [sflag:s8], s6  }
0xa0: {  	s6 =	ssub.s32 $0x0, s6;
	[sflag:s8] =	ssyncset.done $0x0  }
0xa1: {  	[sflag:s8] =	ssyncadd.s32 s6;
	_ =	sdelay $0x1  }
0xa2: {  	s24 =	simm.s32 $0x1B8B  }
0xa3: {  	_ =	swait.ge [sflag:s24], $0x1  }
0xa4: {  	[sflag:s24] =	ssyncset.done $0x0  }
0xa5: {  	[sflag:s24] =	ssyncadd.s32 $0xFFFFFFFF  }
0xa6: {  	s6 =	sld [smem:$0x0]  }
0xa7: {  	s7 =	sand.u32 $0xFFFFFFFE, s1  }
0xa8: {  	p0 =	sne.s32 s1, s7  }
0xa9: {  	s7 =	sshll.u32 @p0 s7, $0xE  }
0xaa: {  	s7 =	sadd.s32 @p0 $0x11B8D, s7;
	s8 =	sshll.u32 @p0 s6, $0x11  }
0xab: {  	s7 =	sor.u32 @p0 s8, s7  }
0xac: {  	[sflag:s7] =	ssyncadd.remote.s32 @p0 $0x1;
	_ =	sdelay $0x1  }
0xad: {  	s7 =	simm.s32 @p0 $0x1B8D  }
0xae: {  	_ =	swait.eq @p0 [sflag:s7], $0x1  }
0xaf: {  	[sflag:s7] =	ssyncadd.s32 @p0 $0xFFFFFFFF  }
0xb0: {  	s8 =	sshll.u32 @!p0 s1, $0xE  }
0xb1: {  	s8 =	sor.u32 @!p0 $0x4000, s8;
	s7 =	simm.s32 @!p0 $0x1B8D  }
0xb2: {  	s6 =	sshll.u32 @!p0 s6, $0x11;
	s8 =	sadd.s32 @!p0 $0x11B8D, s8;
	_ =	swait.eq @!p0 [sflag:s7], $0x1  }
0xb3: {  	s6 =	sor.u32 @!p0 s6, s8;
	[sflag:s7] =	ssyncadd.s32 @!p0 $0xFFFFFFFF  }
0xb4: {  	s25 =	simm.s32 $0x1B8E;
	[sflag:s6] =	ssyncadd.remote.s32 @!p0 $0x1  }
0xb5: {  	s26 =	simm.s32 $execute0_lowered;
	[smem:$0x3FD2] =	sst s25  }
0xb6: {  	s6 =	sshll.u32 s26, $0x1;
	_ =	strace $0x80000049;
	[dreg:$0x1] =	wrdreg $0xFFFFFFFF  }
0xb7: {  	s28 =	simm.s32 $_size_execute0_lowered;
	s5 =	sadd.s32 s5, s6;
	[dreg:$0x0] =	wrdreg $0x0  }
0xb8: {  	s6 =	sshll.u32 s28, $0x1;
	[dreg:$0x2] =	wrdreg s5  }
0xb9: {  	[dreg:$0x3] =	wrdreg s6  }
0xba: {  	[dreg:$0x4] =	wrdreg $0xC0  }
0xbb: {  	_ =	task [dreg:s23], $0x5FFFF  }
0xbc: {  	[dreg:$0x1] =	wrdreg $0xFFFFFFFF  }
0xbd: {  	[dreg:$0x0] =	wrdreg $0x60  }
0xbe: {  	[dreg:$0x2] =	wrdreg s19  }
0xbf: {  	[dreg:$0x3] =	wrdreg s4  }
0xc0: {  	[dreg:$0x4] =	wrdreg $0xA  }
0xc1: {  	_ =	task.clear_ibuf [dreg:s23], $0x5FFFF;
	_ =	strace $0x90000049  }
0xc2: {  	s29 =	simm.s32 $0xA;
	_ =	strace $0x8000004B  }
0xc3: {  	_ =	swait.ge [sflag:s29], $0x1  }
0xc4: {  	[sflag:s29] =	ssyncadd.s32 $0xFFFFFFFF  }
0xc5: {  	_ =	strace $0x9000004B  }
0xc6: {  	_ =	sfence  }
0xc7: {  	s30 =	sld [smem:$0x0];
	_ =	sdelay $0x2  }
0xc8: {  	s31 =	sshll.u32 s1, $0xD;
	s1 =	sshrl.u32 s1, $0x2  }
0xc9: {  	s4 =	sand.u32 $0x4000, s31;
	s1 =	sadd.s32 s1, s30  }
0xca: {  	s0 =	sor.u32 s4, s0;
	s1 =	sshll.u32 s1, $0x11  }
0xcb: {  	s0 =	sor.u32 s1, s0  }
0xcc: {  	s0 =	sadd.s32 $0x8F2B, s0  }
0xcd: {  	[sflag:s0] =	ssyncadd.remote.s32 $0x1  }
0xce: {  	_ =	sfence.sel $0xFFFF  }
0xcf: {  	[dreg:$0x0] =	wrdreg $0xFFFFFFFF;
	(pc) =	sbr.abs _section_cstart, $3  }
0xd0: {  	[dreg:$0x1] =	wrdreg $0xFFFFFFFF  }
0xd1: {  	_ =	task.clear_ibuf [dreg:s23], $0x2FFFF;
	_ =	strace $0x9FFFFFFF  }
0xd2: {  	(tm) =	ssettm $0x7FFFFFFF  }
0xd3: {  	_ =	shalt  }
tec
execute0_lowered:
.L_overlay_start_1:
0x0: {  	(tag) =	ssettag $0x1  }
0x1: {  	s1 =	srdreg.scid;
	s0 =	stileid.u32  }
0x2: {  	s31 =	sand.u32 $0x1, s1;
	s26 =	sshll.u32 s0, $0x1  }
0x3: {  	s29 =	rddreg [dreg:$0x0];
	s1 =	sor.u32 s31, s26  }
0x4: {  	s30 =	rddreg [dreg:$0x1];
	s2 =	simm.s32 $0x0;
	s5 =	smul.u32 $0x12E80, s1  }
0x5: {  	s4 =	simm.s32 $0x1;
	[smem:$0x7FF] =	sst s2  }
0x6: {  	_ =	strace $0x8000004A;
	s1 =	smul.u32 $0x97400, s1;
	s3 =	sadd.s32 s29, s5  }
0x7: {  	[tilespmem:s2], [sflag:$0x1] =	stream.linear.gather [hbm4b:s3+s2], $0xDC00, $0x38;
	[tilespmem:$0x1B800] =	vst v63  }
0x8: {  	_ =	swait.ge [sflag:s4], $0xDC00  }
0x9: {  	s1 =	sshrl.u32 s1, $0x3;
	[sflag:s4] =	ssyncset.done $0x0  }
0xa: {  	s5 =	sadd.s32 s30, s5;
	s9 =	sadd.s32 $0x1B80, s1;
	[sflag:s4] =	ssyncadd.s32 $0xFFFF2400  }
0xb: {  	[hbm4b:s5+s2] =	stream.linear.scatter [tilespmem:s2], [sflag:$0x3], $0xDC00, $0x38;
	[tilespmem:$0x1B800] =	vst v63  }
0xc: {  	s7 =	simm.s32 $0xDC00;
	s8 =	simm.s32 $0x2;
	s6 =	sadd.s32 s29, s9  }
0xd: {  	[tilespmem:s7], [sflag:$0x2] =	stream.linear.gather [hbm4b:s6+s2], $0xDC00, $0x38;
	[tilespmem:$0x1B800] =	vst v63  }
0xe: {  	_ =	swait.ge [sflag:s8], $0xDC00  }
0xf: {  	[sflag:s8] =	ssyncset.done $0x0  }
0x10: {  	s10 =	sadd.s32 s30, s9;
	s9 =	simm.s32 $0x3;
	[sflag:s8] =	ssyncadd.s32 $0xFFFF2400  }
0x11: {  	[hbm4b:s10+s2] =	stream.linear.scatter [tilespmem:s7], [sflag:$0x4], $0xDC00, $0x38;
	[tilespmem:$0x1B800] =	vst v63  }
0x12: {  	_ =	swait.ge [sflag:s9], $0xDC00  }
0x13: {  	s12 =	sadd.s32 $0x3700, s1;
	[sflag:s9] =	ssyncset.done $0x0  }
0x14: {  	s11 =	sadd.s32 s29, s12;
	[sflag:s9] =	ssyncadd.s32 $0xFFFF2400  }
0x15: {  	[tilespmem:s2], [sflag:$0x1] =	stream.linear.gather [hbm4b:s11+s2], $0xDC00, $0x38;
	[tilespmem:$0x1B800] =	vst v63  }
0x16: {  	_ =	swait.ge [sflag:s4], $0xDC00  }
0x17: {  	[sflag:s4] =	ssyncset.done $0x0  }
0x18: {  	s13 =	simm.s32 $0x4;
	s12 =	sadd.s32 s30, s12;
	[sflag:s4] =	ssyncadd.s32 $0xFFFF2400  }
0x19: {  	[hbm4b:s12+s2] =	stream.linear.scatter [tilespmem:s2], [sflag:$0x3], $0xDC00, $0x38;
	[tilespmem:$0x1B800] =	vst v63  }
0x1a: {  	_ =	swait.ge [sflag:s13], $0xDC00  }
0x1b: {  	s15 =	sadd.s32 $0x5280, s1;
	[sflag:s13] =	ssyncset.done $0x0  }
0x1c: {  	s14 =	sadd.s32 s29, s15;
	[sflag:s13] =	ssyncadd.s32 $0xFFFF2400  }
0x1d: {  	[tilespmem:s7], [sflag:$0x2] =	stream.linear.gather [hbm4b:s14+s2], $0xDC00, $0x38;
	[tilespmem:$0x1B800] =	vst v63  }
0x1e: {  	_ =	swait.ge [sflag:s8], $0xDC00  }
0x1f: {  	[sflag:s8] =	ssyncset.done $0x0  }
0x20: {  	s15 =	sadd.s32 s30, s15;
	[sflag:s8] =	ssyncadd.s32 $0xFFFF2400  }
0x21: {  	[hbm4b:s15+s2] =	stream.linear.scatter [tilespmem:s7], [sflag:$0x4], $0xDC00, $0x38;
	[tilespmem:$0x1B800] =	vst v63  }
0x22: {  	_ =	swait.ge [sflag:s9], $0xDC00  }
0x23: {  	s17 =	sadd.s32 $0x6E00, s1;
	[sflag:s9] =	ssyncset.done $0x0  }
0x24: {  	s16 =	sadd.s32 s29, s17;
	[sflag:s9] =	ssyncadd.s32 $0xFFFF2400  }
0x25: {  	[tilespmem:s2], [sflag:$0x1] =	stream.linear.gather [hbm4b:s16+s2], $0xDC00, $0x38;
	[tilespmem:$0x1B800] =	vst v63  }
0x26: {  	_ =	swait.ge [sflag:s4], $0xDC00  }
0x27: {  	[sflag:s4] =	ssyncset.done $0x0  }
0x28: {  	s17 =	sadd.s32 s30, s17;
	[sflag:s4] =	ssyncadd.s32 $0xFFFF2400  }
0x29: {  	[hbm4b:s17+s2] =	stream.linear.scatter [tilespmem:s2], [sflag:$0x3], $0xDC00, $0x38;
	[tilespmem:$0x1B800] =	vst v63  }
0x2a: {  	_ =	swait.ge [sflag:s13], $0xDC00  }
0x2b: {  	s19 =	sadd.s32 $0x8980, s1;
	[sflag:s13] =	ssyncset.done $0x0  }
0x2c: {  	s18 =	sadd.s32 s29, s19;
	[sflag:s13] =	ssyncadd.s32 $0xFFFF2400  }
0x2d: {  	[tilespmem:s7], [sflag:$0x2] =	stream.linear.gather [hbm4b:s18+s2], $0xDC00, $0x38;
	[tilespmem:$0x1B800] =	vst v63  }
0x2e: {  	_ =	swait.ge [sflag:s8], $0xDC00  }
0x2f: {  	[sflag:s8] =	ssyncset.done $0x0  }
0x30: {  	s19 =	sadd.s32 s30, s19;
	[sflag:s8] =	ssyncadd.s32 $0xFFFF2400  }
0x31: {  	[hbm4b:s19+s2] =	stream.linear.scatter [tilespmem:s7], [sflag:$0x4], $0xDC00, $0x38;
	[tilespmem:$0x1B800] =	vst v63  }
0x32: {  	_ =	swait.ge [sflag:s9], $0xDC00  }
0x33: {  	s21 =	sadd.s32 $0xA500, s1;
	[sflag:s9] =	ssyncset.done $0x0  }
0x34: {  	s20 =	sadd.s32 s29, s21;
	[sflag:s9] =	ssyncadd.s32 $0xFFFF2400  }
0x35: {  	[tilespmem:s2], [sflag:$0x1] =	stream.linear.gather [hbm4b:s20+s2], $0xDC00, $0x38;
	[tilespmem:$0x1B800] =	vst v63  }
0x36: {  	_ =	swait.ge [sflag:s4], $0xDC00  }
0x37: {  	[sflag:s4] =	ssyncset.done $0x0  }
0x38: {  	s21 =	sadd.s32 s30, s21;
	[sflag:s4] =	ssyncadd.s32 $0xFFFF2400  }
0x39: {  	[hbm4b:s21+s2] =	stream.linear.scatter [tilespmem:s2], [sflag:$0x3], $0xDC00, $0x38;
	[tilespmem:$0x1B800] =	vst v63  }
0x3a: {  	_ =	swait.ge [sflag:s13], $0xDC00  }
0x3b: {  	s23 =	sadd.s32 $0xC080, s1;
	[sflag:s13] =	ssyncset.done $0x0  }
0x3c: {  	s22 =	sadd.s32 s29, s23;
	[sflag:s13] =	ssyncadd.s32 $0xFFFF2400  }
0x3d: {  	[tilespmem:s7], [sflag:$0x2] =	stream.linear.gather [hbm4b:s22+s2], $0xDC00, $0x38;
	[tilespmem:$0x1B800] =	vst v63  }
0x3e: {  	_ =	swait.ge [sflag:s8], $0xDC00  }
0x3f: {  	[sflag:s8] =	ssyncset.done $0x0  }
0x40: {  	s23 =	sadd.s32 s30, s23;
	[sflag:s8] =	ssyncadd.s32 $0xFFFF2400  }
0x41: {  	[hbm4b:s23+s2] =	stream.linear.scatter [tilespmem:s7], [sflag:$0x4], $0xDC00, $0x38;
	[tilespmem:$0x1B800] =	vst v63  }
0x42: {  	_ =	swait.ge [sflag:s9], $0xDC00  }
0x43: {  	s25 =	sadd.s32 $0xDC00, s1;
	[sflag:s9] =	ssyncset.done $0x0  }
0x44: {  	s24 =	sadd.s32 s29, s25;
	[sflag:s9] =	ssyncadd.s32 $0xFFFF2400  }
0x45: {  	[tilespmem:s2], [sflag:$0x1] =	stream.linear.gather [hbm4b:s24+s2], $0xDC00, $0x38;
	[tilespmem:$0x1B800] =	vst v63  }
0x46: {  	_ =	swait.ge [sflag:s4], $0xDC00  }
0x47: {  	[sflag:s4] =	ssyncset.done $0x0  }
0x48: {  	s25 =	sadd.s32 s30, s25;
	[sflag:s4] =	ssyncadd.s32 $0xFFFF2400  }
0x49: {  	[hbm4b:s25+s2] =	stream.linear.scatter [tilespmem:s2], [sflag:$0x3], $0xDC00, $0x38;
	[tilespmem:$0x1B800] =	vst v63  }
0x4a: {  	_ =	swait.ge [sflag:s13], $0xDC00  }
0x4b: {  	s28 =	sadd.s32 $0xF780, s1;
	[sflag:s13] =	ssyncset.done $0x0  }
0x4c: {  	s26 =	sadd.s32 s29, s28;
	[sflag:s13] =	ssyncadd.s32 $0xFFFF2400  }
0x4d: {  	[tilespmem:s7], [sflag:$0x2] =	stream.linear.gather [hbm4b:s26+s2], $0xDC00, $0x38;
	[tilespmem:$0x1B800] =	vst v63  }
0x4e: {  	_ =	swait.ge [sflag:s8], $0xDC00  }
0x4f: {  	[sflag:s8] =	ssyncset.done $0x0  }
0x50: {  	s1 =	sadd.s32 $0x11300, s1;
	s28 =	sadd.s32 s30, s28;
	[sflag:s8] =	ssyncadd.s32 $0xFFFF2400  }
0x51: {  	[hbm4b:s28+s2] =	stream.linear.scatter [tilespmem:s7], [sflag:$0x4], $0xDC00, $0x38;
	[tilespmem:$0x1B800] =	vst v63  }
0x52: {  	s29 =	sadd.s32 s29, s1;
	_ =	swait.ge [sflag:s9], $0xDC00  }
0x53: {  	s30 =	sadd.s32 s30, s1;
	s1 =	ssub.s32 $0x2, s31;
	[sflag:s9] =	ssyncset.done $0x0  }
0x54: {  	s31 =	sshrl.u32 s1, $0x1;
	[sflag:s9] =	ssyncadd.s32 $0xFFFF2400  }
0x55: {  	[tilespmem:s2], [sflag:$0x1] =	stream.linear.gather [hbm4b:s29+s2], $0xDC00, $0x38;
	[tilespmem:$0x1B800] =	vst v63  }
0x56: {  	s1 =	ssub.s32 s1, s31;
	_ =	swait.ge [sflag:s4], $0xDC00  }
0x57: {  	s1 =	smax.u32 s1, $0x1;
	[sflag:s4] =	ssyncset.done $0x0  }
0x58: {  	p0 =	sne.s32 s1, $0x1;
	[sflag:s4] =	ssyncadd.s32 $0xFFFF2400  }
0x59: {  	[hbm4b:s30+s2] =	stream.linear.scatter [tilespmem:s2], [sflag:$0x3], $0xDC00, $0x38;
	[tilespmem:$0x1B800] =	vst v63  }
.Ltmp0:
0x5a: {  	_ =	swait.ge [sflag:s13], $0xDC00;
	(pc) =	sbr.rel @!p0 .LBB2_2-.Ltmp0, $4  }
0x5b: {  	[sflag:s13] =	ssyncset.done $0x0  }
0x5c: {  	[sflag:s13] =	ssyncadd.s32 $0xFFFF2400  }
0x5d: {  	_ =	swait.ge [sflag:s9], $0xDC00  }
0x5e: {  	s31 =	sadd.s32 $0xFFFFFFFF, s1;
	[sflag:s9] =	ssyncset.done $0x0  }
.LBB2_1:
0x5f: {  	p0 =	sne.s32 s31, $0x1;
	s31 =	sadd.s32 $0xFFFFFFFF, s31;
	[sflag:s9] =	ssyncadd.s32 $0xFFFF2400  }
0x60: {  	[tilespmem:s2], [sflag:$0x1] =	stream.linear.gather [hbm4b:s3+s2], $0xDC00, $0x38;
	[tilespmem:$0x1B800] =	vst v63  }
0x61: {  	_ =	swait.ge [sflag:s4], $0xDC00  }
0x62: {  	[sflag:s4] =	ssyncset.done $0x0  }
0x63: {  	[sflag:s4] =	ssyncadd.s32 $0xFFFF2400  }
0x64: {  	[hbm4b:s5+s2] =	stream.linear.scatter [tilespmem:s2], [sflag:$0x3], $0xDC00, $0x38;
	[tilespmem:$0x1B800] =	vst v63  }
0x65: {  	_ = 	snop  }
0x66: {  	[tilespmem:s7], [sflag:$0x2] =	stream.linear.gather [hbm4b:s6+s2], $0xDC00, $0x38;
	[tilespmem:$0x1B800] =	vst v63  }
0x67: {  	_ =	swait.ge [sflag:s8], $0xDC00  }
0x68: {  	[sflag:s8] =	ssyncset.done $0x0  }
0x69: {  	[sflag:s8] =	ssyncadd.s32 $0xFFFF2400  }
0x6a: {  	[hbm4b:s10+s2] =	stream.linear.scatter [tilespmem:s7], [sflag:$0x4], $0xDC00, $0x38;
	[tilespmem:$0x1B800] =	vst v63  }
0x6b: {  	_ =	swait.ge [sflag:s9], $0xDC00  }
0x6c: {  	[sflag:s9] =	ssyncset.done $0x0  }
0x6d: {  	[sflag:s9] =	ssyncadd.s32 $0xFFFF2400  }
0x6e: {  	[tilespmem:s2], [sflag:$0x1] =	stream.linear.gather [hbm4b:s11+s2], $0xDC00, $0x38;
	[tilespmem:$0x1B800] =	vst v63  }
0x6f: {  	_ =	swait.ge [sflag:s4], $0xDC00  }
0x70: {  	[sflag:s4] =	ssyncset.done $0x0  }
0x71: {  	[sflag:s4] =	ssyncadd.s32 $0xFFFF2400  }
0x72: {  	[hbm4b:s12+s2] =	stream.linear.scatter [tilespmem:s2], [sflag:$0x3], $0xDC00, $0x38;
	[tilespmem:$0x1B800] =	vst v63  }
0x73: {  	_ =	swait.ge [sflag:s13], $0xDC00  }
0x74: {  	[sflag:s13] =	ssyncset.done $0x0  }
0x75: {  	[sflag:s13] =	ssyncadd.s32 $0xFFFF2400  }
0x76: {  	[tilespmem:s7], [sflag:$0x2] =	stream.linear.gather [hbm4b:s14+s2], $0xDC00, $0x38;
	[tilespmem:$0x1B800] =	vst v63  }
0x77: {  	_ =	swait.ge [sflag:s8], $0xDC00  }
0x78: {  	[sflag:s8] =	ssyncset.done $0x0  }
0x79: {  	[sflag:s8] =	ssyncadd.s32 $0xFFFF2400  }
0x7a: {  	[hbm4b:s15+s2] =	stream.linear.scatter [tilespmem:s7], [sflag:$0x4], $0xDC00, $0x38;
	[tilespmem:$0x1B800] =	vst v63  }
0x7b: {  	_ =	swait.ge [sflag:s9], $0xDC00  }
0x7c: {  	[sflag:s9] =	ssyncset.done $0x0  }
0x7d: {  	[sflag:s9] =	ssyncadd.s32 $0xFFFF2400  }
0x7e: {  	[tilespmem:s2], [sflag:$0x1] =	stream.linear.gather [hbm4b:s16+s2], $0xDC00, $0x38;
	[tilespmem:$0x1B800] =	vst v63  }
0x7f: {  	_ =	swait.ge [sflag:s4], $0xDC00  }
0x80: {  	[sflag:s4] =	ssyncset.done $0x0  }
0x81: {  	[sflag:s4] =	ssyncadd.s32 $0xFFFF2400  }
0x82: {  	[hbm4b:s17+s2] =	stream.linear.scatter [tilespmem:s2], [sflag:$0x3], $0xDC00, $0x38;
	[tilespmem:$0x1B800] =	vst v63  }
0x83: {  	_ =	swait.ge [sflag:s13], $0xDC00  }
0x84: {  	[sflag:s13] =	ssyncset.done $0x0  }
0x85: {  	[sflag:s13] =	ssyncadd.s32 $0xFFFF2400  }
0x86: {  	[tilespmem:s7], [sflag:$0x2] =	stream.linear.gather [hbm4b:s18+s2], $0xDC00, $0x38;
	[tilespmem:$0x1B800] =	vst v63  }
0x87: {  	_ =	swait.ge [sflag:s8], $0xDC00  }
0x88: {  	[sflag:s8] =	ssyncset.done $0x0  }
0x89: {  	[sflag:s8] =	ssyncadd.s32 $0xFFFF2400  }
0x8a: {  	[hbm4b:s19+s2] =	stream.linear.scatter [tilespmem:s7], [sflag:$0x4], $0xDC00, $0x38;
	[tilespmem:$0x1B800] =	vst v63  }
0x8b: {  	_ =	swait.ge [sflag:s9], $0xDC00  }
0x8c: {  	[sflag:s9] =	ssyncset.done $0x0  }
0x8d: {  	[sflag:s9] =	ssyncadd.s32 $0xFFFF2400  }
0x8e: {  	[tilespmem:s2], [sflag:$0x1] =	stream.linear.gather [hbm4b:s20+s2], $0xDC00, $0x38;
	[tilespmem:$0x1B800] =	vst v63  }
0x8f: {  	_ =	swait.ge [sflag:s4], $0xDC00  }
0x90: {  	[sflag:s4] =	ssyncset.done $0x0  }
0x91: {  	[sflag:s4] =	ssyncadd.s32 $0xFFFF2400  }
0x92: {  	[hbm4b:s21+s2] =	stream.linear.scatter [tilespmem:s2], [sflag:$0x3], $0xDC00, $0x38;
	[tilespmem:$0x1B800] =	vst v63  }
0x93: {  	_ =	swait.ge [sflag:s13], $0xDC00  }
0x94: {  	[sflag:s13] =	ssyncset.done $0x0  }
0x95: {  	[sflag:s13] =	ssyncadd.s32 $0xFFFF2400  }
0x96: {  	[tilespmem:s7], [sflag:$0x2] =	stream.linear.gather [hbm4b:s22+s2], $0xDC00, $0x38;
	[tilespmem:$0x1B800] =	vst v63  }
0x97: {  	_ =	swait.ge [sflag:s8], $0xDC00  }
0x98: {  	[sflag:s8] =	ssyncset.done $0x0  }
0x99: {  	[sflag:s8] =	ssyncadd.s32 $0xFFFF2400  }
0x9a: {  	[hbm4b:s23+s2] =	stream.linear.scatter [tilespmem:s7], [sflag:$0x4], $0xDC00, $0x38;
	[tilespmem:$0x1B800] =	vst v63  }
0x9b: {  	_ =	swait.ge [sflag:s9], $0xDC00  }
0x9c: {  	[sflag:s9] =	ssyncset.done $0x0  }
0x9d: {  	[sflag:s9] =	ssyncadd.s32 $0xFFFF2400  }
0x9e: {  	[tilespmem:s2], [sflag:$0x1] =	stream.linear.gather [hbm4b:s24+s2], $0xDC00, $0x38;
	[tilespmem:$0x1B800] =	vst v63  }
0x9f: {  	_ =	swait.ge [sflag:s4], $0xDC00  }
0xa0: {  	[sflag:s4] =	ssyncset.done $0x0  }
0xa1: {  	[sflag:s4] =	ssyncadd.s32 $0xFFFF2400  }
0xa2: {  	[hbm4b:s25+s2] =	stream.linear.scatter [tilespmem:s2], [sflag:$0x3], $0xDC00, $0x38;
	[tilespmem:$0x1B800] =	vst v63  }
0xa3: {  	_ =	swait.ge [sflag:s13], $0xDC00  }
0xa4: {  	[sflag:s13] =	ssyncset.done $0x0  }
0xa5: {  	[sflag:s13] =	ssyncadd.s32 $0xFFFF2400  }
0xa6: {  	[tilespmem:s7], [sflag:$0x2] =	stream.linear.gather [hbm4b:s26+s2], $0xDC00, $0x38;
	[tilespmem:$0x1B800] =	vst v63  }
0xa7: {  	_ =	swait.ge [sflag:s8], $0xDC00  }
0xa8: {  	[sflag:s8] =	ssyncset.done $0x0  }
0xa9: {  	[sflag:s8] =	ssyncadd.s32 $0xFFFF2400  }
0xaa: {  	[hbm4b:s28+s2] =	stream.linear.scatter [tilespmem:s7], [sflag:$0x4], $0xDC00, $0x38;
	[tilespmem:$0x1B800] =	vst v63  }
0xab: {  	_ =	swait.ge [sflag:s9], $0xDC00  }
0xac: {  	[sflag:s9] =	ssyncset.done $0x0  }
0xad: {  	[sflag:s9] =	ssyncadd.s32 $0xFFFF2400  }
0xae: {  	[tilespmem:s2], [sflag:$0x1] =	stream.linear.gather [hbm4b:s29+s2], $0xDC00, $0x38;
	[tilespmem:$0x1B800] =	vst v63  }
0xaf: {  	_ =	swait.ge [sflag:s4], $0xDC00  }
0xb0: {  	[sflag:s4] =	ssyncset.done $0x0  }
0xb1: {  	[sflag:s4] =	ssyncadd.s32 $0xFFFF2400  }
0xb2: {  	[hbm4b:s30+s2] =	stream.linear.scatter [tilespmem:s2], [sflag:$0x3], $0xDC00, $0x38;
	[tilespmem:$0x1B800] =	vst v63  }
.Ltmp1:
0xb3: {  	_ =	swait.ge [sflag:s13], $0xDC00;
	(pc) =	sbr.rel @p0 .LBB2_1-.Ltmp1, $4  }
0xb4: {  	[sflag:s13] =	ssyncset.done $0x0  }
0xb5: {  	[sflag:s13] =	ssyncadd.s32 $0xFFFF2400  }
0xb6: {  	_ =	swait.ge [sflag:s9], $0xDC00  }
0xb7: {  	[sflag:s9] =	ssyncset.done $0x0  }
.LBB2_2:
0xb8: {  	[sflag:s9] =	ssyncadd.s32 $0xFFFF2400  }
0xb9: {  	_ =	sfence.sel $0x180000  }
0xba: {  	[bflag:$0x0] =	sbarrier.arrive $0xFFFF  }
0xbb: {  	_ =	strace $0x9000004A  }
0xbc: {  	[bflag:$0x2] =	sbarrier.arrive $0xFFFF  }
0xbd: {  	p0 =	sne.s32 s0, $0x0;
	s0 =	rddreg [dreg:$0x2]  }
0xbe: {  	s0 =	sadd.s32 @!p0 $0x100000, s0  }
0xbf: {  	[sflag:s0] =	ssyncadd.tile.s32 @!p0 $0x1;
	_ =	shalt  }
.Lfunc_end2:
_tile_overlayer_lowered:
.L_overlay_start_2:
0xc0: {  	(tag) =	ssettag $0x2  }
0xc1: {  	s0 =	rddreg [dreg:$0x0];
	s2 =	stileid.u32  }
0xc2: {  	s1 =	rddreg [dreg:$0x1];
	p0 =	sne.s32 s2, $0x0  }
0xc3: {  	s3 =	rddreg [dreg:$0x2];
	[bflag:$0x3] =	sbarrier.arrive $0xFFFF;
	s2 =	simm.s32 @!p0 $0x1C05  }
0xc4: {  	[timem:s3], [sflag:s2] =	dma.local @!p0 [hbm:s0], s1  }
0xc5: {  	s0 =	simm.s32 @!p0 $0x5  }
0xc6: {  	_ =	swait.ge @!p0 [sflag:s0], s1  }
0xc7: {  	s1 =	ssub.s32 @!p0 $0x0, s1;
	[sflag:s0] =	ssyncset.done @!p0 $0x0  }
0xc8: {  	[sflag:s0] =	ssyncadd.s32 @!p0 s1  }
0xc9: {  	[bflag:$0x3] =	sbarrier.arrive $0xFFFF  }
0xca: {  	_ =	shalt  }

// kernel: kernel.13.cloned.1.call-start
scs
__scs_entry_jumppad:
0x0: {  	(pc) =	sbr.rel $0x88, $3  }
0x1: {  	(tag) =	ssettag $0x0;
	lr =	simm.s32 $0x1  }
0x2: {  	[smem:$0x3F99] =	sst lr;
	_ =	strace $0xD0000000  }
0x3: {  	_ = 	snop  }
0x4: {  	_ = 	snop  }
0x5: {  	_ = 	snop  }
0x6: {  	_ = 	snop  }
0x7: {  	_ = 	snop  }
__scs_overlays_trampoline_lowered:
0x8: {  	[smem:$0x3FA8] =	sst s0  }
0x9: {  	[smem:$0x3FA9] =	sst s1  }
0xa: {  	[smem:$0x3FAA] =	sst s2  }
0xb: {  	[smem:$0x3FAB] =	sst s3  }
0xc: {  	[smem:$0x3FAC] =	sst s4  }
0xd: {  	[smem:$0x3FAD] =	sst s5  }
0xe: {  	[smem:$0x3FAE] =	sst s6  }
0xf: {  	[smem:$0x3FAF] =	sst s7  }
0x10: {  	[smem:$0x3FB0] =	sst s8  }
0x11: {  	[smem:$0x3FB1] =	sst s9;
	s0 =	simm.s32 @!p0 $0x0  }
0x12: {  	s1 =	sld [smem:$0x3F97];
	s0 =	simm.s32 @p0 $0x1  }
0x13: {  	[smem:$0x3FB2] =	sst s0;
	s0 =	simm.s32 @!p1 $0x0  }
0x14: {  	s2 =	sld [smem:$0x3F96];
	s0 =	simm.s32 @p1 $0x1  }
0x15: {  	[smem:$0x3FB3] =	sst s0;
	s0 =	simm.s32 @!p2 $0x0  }
0x16: {  	s3 =	sld [smem:$0x3FDB];
	s0 =	simm.s32 @p2 $0x1  }
0x17: {  	s4 =	simm.s32 $0x1BF5;
	[smem:$0x3FB5] =	sst s0  }
0x18: {  	s0 =	sld [smem:$0x3F98];
	_ =	swait.ge [sflag:s4], $0x0  }
0x19: {  	s7 =	sld [smem:$0x3F99]  }
0x1a: {  	s8 =	sadd.s32 $0xFFFFE003, lr  }
0x1b: {  	s9 =	sadd.s32 $0xFFFFFEF7, lr;
	s5 =	simm.s32 $0xFFFFFFFF;
	p2 =	slt.u32 s8, $0xFFFFF086  }
0x1c: {  	p1 =	slt.u32 s9, $0xF7A;
	s5 =	simm.s32 @!p2 $0x0  }
0x1d: {  	s5 =	simm.s32 @p1 $0x1;
	p0 =	seq.s32 s7, s2  }
0x1e: {  	s7 =	smul.u32 @!p0 $0xF7A, s2;
	p2 =	seq.s32 @!p0 s5, $0x0  }
0x1f: {  	s9 =	smul.u32 $0xF7A, s1;
	s8 =	simm.s32 @!p0 $0x1BF5;
	p2 =	por !p2, p0  }
0x20: {  	[sflag:s8] =	ssyncset.s32 @!p0 $0xFFFFF086;
	s6 =	sadd.s32 @!p0 s3, s7;
	s7 =	simm.s32 @!p0 $0x108  }
0x21: {  	s3 =	sadd.s32 s3, s9;
	s6 =	sadd.s32 @!p0 $0x88, s6;
	s7 =	simm.s32 @p2 $0x1082  }
0x22: {  	[simem:s7], [sflag:s8] =	dma.local @!p0 [hbm:s6], $0xF7A  }
0x23: {  	s9 =	sor.u32 $0xD0000000, s2;
	s6 =	simm.s32 $0x108;
	_ =	swait.ge @!p0 [sflag:s8], $0x0  }
0x24: {  	s3 =	sadd.s32 $0x88, s3;
	s6 =	simm.s32 @!p1 $0x1082;
	[sflag:s4] =	ssyncset.s32 $0xFFFFF086  }
0x25: {  	[simem:s6], [sflag:s4] =	dma.local [hbm:s3], $0xF7A  }
0x26: {  	[smem:$0x3F99] =	sst s1;
	(tag) =	ssettag s2;
	_ =	strace s9  }
0x27: {  	s1 =	sld [smem:$0x3FA9]  }
0x28: {  	s2 =	sld [smem:$0x3FAA]  }
0x29: {  	s4 =	sld [smem:$0x3FAC]  }
0x2a: {  	p0 =	seq.s32 s5, $0x0;
	s5 =	sld [smem:$0x3FAD]  }
0x2b: {  	s6 =	sld [smem:$0x3FAE]  }
0x2c: {  	s7 =	sld [smem:$0x3FAF]  }
0x2d: {  	s3 =	simm.s32 $0x108;
	s8 =	sld [smem:$0x3FB0]  }
0x2e: {  	s3 =	simm.s32 @!p0 $0x1082;
	s9 =	sld [smem:$0x3FB1]  }
0x2f: {  	lr =	sadd.s32 s0, s3;
	s0 =	sld [smem:$0x3FA8]  }
0x30: {  	s3 =	sld [smem:$0x3FAB]  }
0x31: {  	[smem:$0x3FB4] =	sst s10  }
0x32: {  	s10 =	sld [smem:$0x3FB2];
	_ =	sdelay $0x3  }
0x33: {  	p0 =	seq.s32 s10, $0x1;
	s10 =	sld [smem:$0x3FB4];
	_ =	sdelay $0x3  }
0x34: {  	[smem:$0x3FB4] =	sst s10  }
0x35: {  	s10 =	sld [smem:$0x3FB3];
	_ =	sdelay $0x3  }
0x36: {  	p1 =	seq.s32 s10, $0x1;
	s10 =	sld [smem:$0x3FB4];
	_ =	sdelay $0x3  }
0x37: {  	[smem:$0x3FB4] =	sst s10  }
0x38: {  	s10 =	sld [smem:$0x3FB5]  }
0x39: {  	_ = 	snop;
	(pc) =	sbr.ind lr, $3  }
0x3a: {  	_ = 	snop  }
0x3b: {  	_ = 	snop  }
0x3c: {  	p2 =	seq.s32 s10, $0x1;
	s10 =	sld [smem:$0x3FB4]  }
0x3d: {  	_ =	shalt  }
0x3e: {  	_ =	shalt  }
0x3f: {  	_ =	shalt  }
0x40: {  	_ =	shalt  }
0x41: {  	_ =	shalt  }
0x42: {  	_ =	shalt  }
0x43: {  	_ =	shalt  }
0x44: {  	_ =	shalt  }
0x45: {  	_ =	shalt  }
0x46: {  	_ =	shalt  }
0x47: {  	_ =	shalt  }
0x48: {  	_ =	shalt  }
0x49: {  	_ =	shalt  }
0x4a: {  	_ =	shalt  }
0x4b: {  	_ =	shalt  }
0x4c: {  	_ =	shalt  }
0x4d: {  	_ =	shalt  }
0x4e: {  	_ =	shalt  }
0x4f: {  	_ =	shalt  }
0x50: {  	_ =	shalt  }
0x51: {  	_ =	shalt  }
0x52: {  	_ =	shalt  }
0x53: {  	_ =	shalt  }
0x54: {  	_ =	shalt  }
0x55: {  	_ =	shalt  }
0x56: {  	_ =	shalt  }
0x57: {  	_ =	shalt  }
0x58: {  	_ =	shalt  }
0x59: {  	_ =	shalt  }
0x5a: {  	_ =	shalt  }
0x5b: {  	_ =	shalt  }
0x5c: {  	_ =	shalt  }
0x5d: {  	_ =	shalt  }
0x5e: {  	_ =	shalt  }
0x5f: {  	_ =	shalt  }
0x60: {  	_ =	shalt  }
0x61: {  	_ =	shalt  }
0x62: {  	_ =	shalt  }
0x63: {  	_ =	shalt  }
0x64: {  	_ =	shalt  }
0x65: {  	_ =	shalt  }
0x66: {  	_ =	shalt  }
0x67: {  	_ =	shalt  }
0x68: {  	_ =	shalt  }
0x69: {  	_ =	shalt  }
0x6a: {  	_ =	shalt  }
0x6b: {  	_ =	shalt  }
0x6c: {  	_ =	shalt  }
0x6d: {  	_ =	shalt  }
0x6e: {  	_ =	shalt  }
0x6f: {  	_ =	shalt  }
0x70: {  	_ =	shalt  }
0x71: {  	_ =	shalt  }
0x72: {  	_ =	shalt  }
0x73: {  	_ =	shalt  }
0x74: {  	_ =	shalt  }
0x75: {  	_ =	shalt  }
0x76: {  	_ =	shalt  }
0x77: {  	_ =	shalt  }
0x78: {  	_ =	shalt  }
0x79: {  	_ =	shalt  }
0x7a: {  	_ =	shalt  }
0x7b: {  	_ =	shalt  }
0x7c: {  	_ =	shalt  }
0x7d: {  	_ =	shalt  }
0x7e: {  	_ =	shalt  }
0x7f: {  	_ =	shalt  }
0x80: {  	_ =	shalt  }
0x81: {  	_ =	shalt  }
0x82: {  	_ =	shalt  }
0x83: {  	_ =	shalt  }
0x84: {  	_ =	shalt  }
0x85: {  	_ =	shalt  }
0x86: {  	_ =	shalt  }
0x87: {  	_ =	shalt  }
.Lfunc_end0:
.L_simem_size_0:
called_computation.2_lowered:
.L_overlay_start_0:
0x88: {  	s2 =	sld [smem:$0x3FD9]  }
0x89: {  	s3 =	sld [smem:$0x3FFE];
	_ =	sdelay $0x1  }
0x8a: {  	s1 =	srdreg.scid  }
0x8b: {  	s0 =	sand.u32 $0x1, s1  }
0x8c: {  	s17 =	sshll.u32 s0, $0xA;
	s2 =	sadd.s32 s3, s2  }
0x8d: {  	s2 =	sadd.s32 s2, s17  }
0x8e: {  	[smem:$0x3FC0] =	sst s2  }
0x8f: {  	_ = 	snop  }
0x90: {  	s2 =	sld [smem:$0x3FD0];
	(tm) =	ssettm $0x1  }
0x91: {  	s18 =	sld [smem:$0x3FFB];
	_ =	sdelay $0x3  }
0x92: {  	_ =	strace s18  }
0x93: {  	s3 =	sld [smem:$0x3FFC];
	_ =	sdelay $0x3  }
0x94: {  	_ =	strace s3  }
0x95: {  	s3 =	sld [smem:$0x3FFD];
	_ =	sdelay $0x3  }
0x96: {  	_ =	strace s3  }
0x97: {  	_ =	strace $0x8FFFFFFF  }
0x98: {  	s19 =	sld [smem:$0x3FDB];
	_ =	sdelay $0x1  }
0x99: {  	s4 =	simm.s32 $_scs_section_size  }
0x9a: {  	s5 =	simm.s32 $_size__tile_overlayer_lowered;
	s6 =	simm.s32 $_tile_overlayer_lowered  }
0x9b: {  	s22 =	simm.s32 $0x1BFF;
	s21 =	sshll.u32 s6, $0x1;
	s3 =	sadd.s32 s4, s19  }
0x9c: {  	s7 =	simm.s32 $0x0;
	s20 =	sshll.u32 s5, $0x1;
	s5 =	sadd.s32 s21, s3  }
0x9d: {  	[timem:s7], [sflag:s22] =	dma.local [hbm:s5], s20  }
0x9e: {  	_ =	swait.ge [sflag:s22], s20  }
0x9f: {  	s4 =	ssub.s32 $0x0, s20;
	[sflag:s22] =	ssyncset.done $0x0  }
0xa0: {  	[sflag:s22] =	ssyncadd.s32 s4;
	_ =	sdelay $0x1  }
0xa1: {  	s23 =	simm.s32 $0x1B8B  }
0xa2: {  	_ =	swait.ge [sflag:s23], $0x1  }
0xa3: {  	[sflag:s23] =	ssyncset.done $0x0  }
0xa4: {  	s25 =	simm.s32 $0x1B8E;
	s24 =	sld [smem:$0x3FFE];
	[sflag:s23] =	ssyncadd.s32 $0xFFFFFFFF  }
0xa5: {  	s26 =	simm.s32 $execute0_lowered;
	[smem:$0x3FD2] =	sst s25  }
0xa6: {  	s5 =	sshll.u32 s26, $0x1;
	_ =	strace $0x8000004C;
	[dreg:$0x1] =	wrdreg $0xFFFFFFFF  }
0xa7: {  	s28 =	simm.s32 $_size_execute0_lowered;
	s3 =	sadd.s32 s3, s5;
	[dreg:$0x0] =	wrdreg $0x0  }
0xa8: {  	s5 =	sshll.u32 s28, $0x1;
	[dreg:$0x2] =	wrdreg s3  }
0xa9: {  	[dreg:$0x3] =	wrdreg s5  }
0xaa: {  	[dreg:$0x4] =	wrdreg $0xC0  }
0xab: {  	_ =	task [dreg:s7], $0x5FFFF  }
0xac: {  	[dreg:$0x1] =	wrdreg $0xFFFFFFFF  }
0xad: {  	[dreg:$0x0] =	wrdreg $0x60  }
0xae: {  	[dreg:$0x2] =	wrdreg s24  }
0xaf: {  	[dreg:$0x3] =	wrdreg s2  }
0xb0: {  	[dreg:$0x4] =	wrdreg $0x9  }
0xb1: {  	_ =	task.clear_ibuf [dreg:s7], $0x5FFFF;
	_ =	strace $0x9000004C  }
0xb2: {  	s29 =	simm.s32 $0x9;
	_ =	strace $0x8000004E  }
0xb3: {  	_ =	swait.ge [sflag:s29], $0x1  }
0xb4: {  	[sflag:s29] =	ssyncadd.s32 $0xFFFFFFFF  }
0xb5: {  	_ =	strace $0x9000004E  }
0xb6: {  	_ =	sfence  }
0xb7: {  	s30 =	sld [smem:$0x0];
	_ =	sdelay $0x2  }
0xb8: {  	s31 =	sshll.u32 s1, $0xD;
	s1 =	sshrl.u32 s1, $0x2  }
0xb9: {  	s3 =	sand.u32 $0x4000, s31;
	s1 =	sadd.s32 s1, s30  }
0xba: {  	s0 =	sor.u32 s3, s0;
	s1 =	sshll.u32 s1, $0x11  }
0xbb: {  	s0 =	sor.u32 s1, s0  }
0xbc: {  	s0 =	sadd.s32 $0x8F2B, s0  }
0xbd: {  	[sflag:s0] =	ssyncadd.remote.s32 $0x1  }
0xbe: {  	_ =	sfence.sel $0xFFFF  }
0xbf: {  	[dreg:$0x0] =	wrdreg $0xFFFFFFFF;
	(pc) =	sbr.abs _section_cstart, $3  }
0xc0: {  	[dreg:$0x1] =	wrdreg $0xFFFFFFFF  }
0xc1: {  	_ =	task.clear_ibuf [dreg:s7], $0x2FFFF;
	_ =	strace $0x9FFFFFFF  }
0xc2: {  	(tm) =	ssettm $0x7FFFFFFF  }
0xc3: {  	_ =	shalt  }
tec
execute0_lowered:
.L_overlay_start_1:
0x0: {  	(tag) =	ssettag $0x1  }
0x1: {  	s4 =	rddreg [dreg:$0x0];
	s1 =	srdreg.scid  }
0x2: {  	s0 =	stileid.u32;
	s2 =	rddreg [dreg:$0x1]  }
0x3: {  	s3 =	simm.s32 $0x0;
	s11 =	simm.s32 $0x7C00;
	s12 =	simm.s32 $0x1  }
0x4: {  	s13 =	simm.s32 $0x5;
	s14 =	simm.s32 $0x6;
	s15 =	simm.s32 $0x7  }
0x5: {  	s16 =	simm.s32 $0x8;
	s17 =	simm.s32 $0x80;
	s18 =	simm.s32 $0x7C80  }
0x6: {  	s19 =	simm.s32 $0xBC80;
	s20 =	simm.s32 $0xFC80;
	s21 =	simm.s32 $0x13C80  }
0x7: {  	s22 =	simm.s32 $0x2;
	s5 =	sand.u32 $0x1, s1;
	s6 =	sshll.u32 s0, $0x1  }
0x8: {  	s23 =	simm.s32 $0x3;
	s24 =	simm.s32 $0x4;
	s6 =	sor.u32 s5, s6  }
0x9: {  	s25 =	simm.s32 $0x0;
	[smem:$0x7FF] =	sst s3;
	s7 =	smul.u32 $0x7C0, s6  }
.Ltmp0:
0xa: {  	s0 =	simm.s32 $0x3E00;
	s31 =	ssub.s32 $0x2, s5;
	(pc) =	sbr.rel .LBB2_1-.Ltmp0, $4  }
0xb: {  	_ =	strace $0x8000004D;
	s6 =	sshll.u32 s6, $0x1;
	s9 =	sshrl.u32 s31, $0x1  }
0xc: {  	s8 =	sadd.s32 s6, s4;
	s7 =	sadd.s32 s7, s4;
	s4 =	sadd.s32 $0x7F0400, s4  }
0xd: {  	s9 =	ssub.s32 s31, s9;
	s5 =	sadd.s32 $0x7D1200, s7;
	s6 =	sadd.s32 $0x7E0A00, s7  }
0xe: {  	s7 =	sadd.s32 $0x7F0200, s8;
	s8 =	smax.u32 s9, $0x1;
	s9 =	simm.s32 $0x9  }
.LBB2_5:
0xf: {  	[hbm4b:s2+s17] =	stream.indirect.scatter [tilespmem:s21], [sflag:$0x8], $0x80, s29, s17, $0xb8;
	[tilespmem:$0x17C80] =	vst v63  }
.LBB2_6:
0x10: {  	_ =	swait.ge [sflag:s13], $0x4000  }
0x11: {  	[sflag:s13] =	ssyncset.done $0x0  }
0x12: {  	[sflag:s13] =	ssyncadd.s32 $0xFFFFC000  }
0x13: {  	_ =	swait.ge [sflag:s14], $0x4000  }
0x14: {  	[sflag:s14] =	ssyncset.done $0x0  }
0x15: {  	[sflag:s14] =	ssyncadd.s32 $0xFFFFC000  }
0x16: {  	_ =	swait.ge [sflag:s15], $0x4000  }
0x17: {  	[sflag:s15] =	ssyncset.done $0x0  }
0x18: {  	[sflag:s15] =	ssyncadd.s32 $0xFFFFC000  }
0x19: {  	_ =	swait.ge [sflag:s16], $0x4000  }
0x1a: {  	[sflag:s16] =	ssyncset.done $0x0  }
0x1b: {  	s0 =	simm.s32 $0x3E00;
	[sflag:s16] =	ssyncadd.s32 $0xFFFFC000  }
.LBB2_7:
0x1c: {  	s25 =	sadd.s32 $0x1, s25  }
0x1d: {  	p0 =	sne.s32 s25, s8  }
.Ltmp1:
0x1e: {  	_ = 	snop;
	(pc) =	sbr.rel @!p0 .LBB2_8-.Ltmp1, $1  }
0x1f: {  	_ =	sdelay $0x3  }
.LBB2_1:
0x20: {  	[tilespmem:s3], [sflag:$0x9] =	stream.linear.gather [hbm4b:s5+s3], $0x3E00, $0x38;
	[tilespmem:$0x17C80] =	vst v63  }
0x21: {  	_ =	swait.ge [sflag:s9], $0x3E00  }
0x22: {  	[sflag:s9] =	ssyncset.done $0x0  }
0x23: {  	[sflag:s9] =	ssyncadd.s32 $0xFFFFC200  }
0x24: {  	[tilespmem:s0], [sflag:$0x9] =	stream.linear.gather [hbm4b:s6+s3], $0x3E00, $0x38;
	[tilespmem:$0x17C80] =	vst v63  }
0x25: {  	_ =	swait.ge [sflag:s9], $0x3E00  }
0x26: {  	[sflag:s9] =	ssyncset.done $0x0  }
0x27: {  	[sflag:s9] =	ssyncadd.s32 $0xFFFFC200  }
0x28: {  	[tilespmem:s11], [sflag:$0x9] =	stream.linear.gather [hbm4b:s7+s3], $0x10, $0x38;
	[tilespmem:$0x17C80] =	vst v63  }
0x29: {  	_ =	swait.ge [sflag:s9], $0x10  }
0x2a: {  	[sflag:s9] =	ssyncset.done $0x0  }
0x2b: {  	[sflag:s9] =	ssyncadd.s32 $0xFFFFFFF0  }
0x2c: {  	v0 =	vld [tilespmem:$0x7C00];
	_ =	sdelay $0x4  }
0x2d: {  	v0 =	vxor.u32 $0x80000000, v0  }
0x2e: {  	(xrf0) =	vmax.scan.msk.u32 $0xffff, v0;
	_ =	sdelay $0x5  }
0x2f: {  	v0, _, _ =	vpop (xrf0)  }
0x30: {  	(v2sf) =	vpush v0, $0xF;
	_ =	sdelay $0xe  }
0x31: {  	s26 =	spop (v2sf)  }
0x32: {  	p0 =	slt.u32 s26, $0x80000001  }
.Ltmp2:
0x33: {  	_ = 	snop;
	(pc) =	sbr.rel @p0 .LBB2_7-.Ltmp2, $1  }
0x34: {  	_ =	sdelay $0x3  }
0x35: {  	s26 =	sadd.s32 $0x800001FF, s26  }
0x36: {  	s28 =	sand.u32 $0x1FF, s26  }
0x37: {  	s29 =	sshra.s32 s26, $0x1F;
	p0 =	slt.s32 s26, $0x0;
	p1 =	sne.s32 s28, $0x0  }
0x38: {  	s31 =	sshrl.u32 s29, $0x17;
	p0 =	por !p0, !p1  }
0x39: {  	s28 =	simm.s32 $0x1;
	s26 =	sadd.s32 s31, s26;
	p0 =	por !p0, !p0  }
0x3a: {  	s26 =	sshra.s32 s26, $0x9;
	s28 =	simm.s32 @!p0 $0x0  }
0x3b: {  	s28 =	ssub.s32 s26, s28  }
0x3c: {  	p1 =	slt.s32 s28, $0x1  }
0x3d: {  	s29 =	simm.s32 @!p1 $0x80;
	s30 =	simm.s32 @!p1 $0x0;
	s31 =	simm.s32 @!p1 $0x7C80  }
0x3e: {  	[tilespmem:s31], [sflag:$0x1] =	stream.indirect.gather @!p1 [hbm4b:s4+s29], $0x80, s30, s29, $0xb8;
	[tilespmem:$0x17C80] =	vst v63  }
0x3f: {  	s30 =	simm.s32 @!p1 $0xBC80  }
0x40: {  	[tilespmem:s30], [sflag:$0x2] =	stream.indirect.gather @!p1 [hbm4b:s4+s29], $0x80, s29, s29, $0xb8;
	[tilespmem:$0x17C80] =	vst v63  }
0x41: {  	s1 =	simm.s32 @!p1 $0x100;
	s0 =	simm.s32 @!p1 $0xFC80  }
0x42: {  	[tilespmem:s0], [sflag:$0x3] =	stream.indirect.gather @!p1 [hbm4b:s4+s29], $0x80, s1, s29, $0xb8;
	[tilespmem:$0x17C80] =	vst v63  }
0x43: {  	s10 =	simm.s32 @!p1 $0x13C80;
	s1 =	simm.s32 @!p1 $0x180  }
0x44: {  	[tilespmem:s10], [sflag:$0x4] =	stream.indirect.gather @!p1 [hbm4b:s4+s29], $0x80, s1, s29, $0xb8;
	[tilespmem:$0x17C80] =	vst v63  }
0x45: {  	s1 =	simm.s32 @!p1 $0x1  }
0x46: {  	_ =	swait.ge @!p1 [sflag:s1], $0x4000  }
0x47: {  	[sflag:s1] =	ssyncset.done @!p1 $0x0  }
0x48: {  	[sflag:s1] =	ssyncadd.s32 @!p1 $0xFFFFC000;
	s1 =	simm.s32 @!p1 $0x3E00  }
0x49: {  	[hbm4b:s2+s29] =	stream.indirect.scatter @!p1 [tilespmem:s31], [sflag:$0x5], $0x80, s1, s29, $0xb8;
	[tilespmem:$0x17C80] =	vst v63  }
0x4a: {  	s1 =	simm.s32 @!p1 $0x2  }
0x4b: {  	_ =	swait.ge @!p1 [sflag:s1], $0x4000  }
0x4c: {  	[sflag:s1] =	ssyncset.done @!p1 $0x0  }
0x4d: {  	[sflag:s1] =	ssyncadd.s32 @!p1 $0xFFFFC000;
	s1 =	simm.s32 @!p1 $0x3E80  }
0x4e: {  	[hbm4b:s2+s29] =	stream.indirect.scatter @!p1 [tilespmem:s30], [sflag:$0x6], $0x80, s1, s29, $0xb8;
	[tilespmem:$0x17C80] =	vst v63  }
0x4f: {  	s1 =	simm.s32 @!p1 $0x3  }
0x50: {  	_ =	swait.ge @!p1 [sflag:s1], $0x4000  }
0x51: {  	[sflag:s1] =	ssyncset.done @!p1 $0x0  }
0x52: {  	[sflag:s1] =	ssyncadd.s32 @!p1 $0xFFFFC000;
	s1 =	simm.s32 @!p1 $0x3F00  }
0x53: {  	[hbm4b:s2+s29] =	stream.indirect.scatter @!p1 [tilespmem:s0], [sflag:$0x7], $0x80, s1, s29, $0xb8;
	[tilespmem:$0x17C80] =	vst v63  }
0x54: {  	s0 =	simm.s32 @!p1 $0x4  }
0x55: {  	_ =	swait.ge @!p1 [sflag:s0], $0x4000  }
0x56: {  	[sflag:s0] =	ssyncset.done @!p1 $0x0  }
0x57: {  	p2 =	seq.s32 @!p1 s28, $0x1;
	[sflag:s0] =	ssyncadd.s32 @!p1 $0xFFFFC000;
	s0 =	simm.s32 @!p1 $0x3F80  }
0x58: {  	[hbm4b:s2+s29] =	stream.indirect.scatter @!p1 [tilespmem:s10], [sflag:$0x8], $0x80, s0, s29, $0xb8;
	[tilespmem:$0x17C80] =	vst v63  }
0x59: {  	p1 =	por p1, p2  }
.Ltmp3:
0x5a: {  	_ = 	snop;
	(pc) =	sbr.rel @p1 .LBB2_6-.Ltmp3, $1  }
0x5b: {  	_ =	sdelay $0x3  }
0x5c: {  	_ =	swait.ge [sflag:s13], $0x4000  }
0x5d: {  	[sflag:s13] =	ssyncset.done $0x0  }
0x5e: {  	s0 =	simm.s32 $0x200;
	[sflag:s13] =	ssyncadd.s32 $0xFFFFC000  }
0x5f: {  	[tilespmem:s18], [sflag:$0x1] =	stream.indirect.gather [hbm4b:s4+s17], $0x80, s0, s17, $0xb8;
	[tilespmem:$0x17C80] =	vst v63  }
0x60: {  	_ =	swait.ge [sflag:s14], $0x4000  }
0x61: {  	[sflag:s14] =	ssyncset.done $0x0  }
0x62: {  	s31 =	simm.s32 $0x280;
	[sflag:s14] =	ssyncadd.s32 $0xFFFFC000  }
0x63: {  	[tilespmem:s19], [sflag:$0x2] =	stream.indirect.gather [hbm4b:s4+s17], $0x80, s31, s17, $0xb8;
	[tilespmem:$0x17C80] =	vst v63  }
0x64: {  	_ =	swait.ge [sflag:s15], $0x4000  }
0x65: {  	[sflag:s15] =	ssyncset.done $0x0  }
0x66: {  	s1 =	simm.s32 $0x300;
	[sflag:s15] =	ssyncadd.s32 $0xFFFFC000  }
0x67: {  	[tilespmem:s20], [sflag:$0x3] =	stream.indirect.gather [hbm4b:s4+s17], $0x80, s1, s17, $0xb8;
	[tilespmem:$0x17C80] =	vst v63  }
0x68: {  	_ =	swait.ge [sflag:s16], $0x4000  }
0x69: {  	[sflag:s16] =	ssyncset.done $0x0  }
0x6a: {  	s10 =	simm.s32 $0x380;
	[sflag:s16] =	ssyncadd.s32 $0xFFFFC000  }
0x6b: {  	[tilespmem:s21], [sflag:$0x4] =	stream.indirect.gather [hbm4b:s4+s17], $0x80, s10, s17, $0xb8;
	[tilespmem:$0x17C80] =	vst v63  }
0x6c: {  	_ =	swait.ge [sflag:s12], $0x4000  }
0x6d: {  	[sflag:s12] =	ssyncset.done $0x0  }
0x6e: {  	s30 =	simm.s32 $0x4000;
	[sflag:s12] =	ssyncadd.s32 $0xFFFFC000  }
0x6f: {  	[hbm4b:s2+s17] =	stream.indirect.scatter [tilespmem:s18], [sflag:$0x5], $0x80, s30, s17, $0xb8;
	[tilespmem:$0x17C80] =	vst v63  }
0x70: {  	s0 =	simm.s32 $0xFFFFFFFF;
	_ =	swait.ge [sflag:s22], $0x4000  }
0x71: {  	s0 =	simm.s32 @!p0 $0x0;
	[sflag:s22] =	ssyncset.done $0x0  }
0x72: {  	s0 =	sadd.s32 s0, s26;
	s31 =	simm.s32 $0x4080;
	[sflag:s22] =	ssyncadd.s32 $0xFFFFC000  }
0x73: {  	[hbm4b:s2+s17] =	stream.indirect.scatter [tilespmem:s19], [sflag:$0x6], $0x80, s31, s17, $0xb8;
	[tilespmem:$0x17C80] =	vst v63  }
0x74: {  	s0 =	sadd.s32 $0xFFFFFFFF, s0;
	_ =	swait.ge [sflag:s23], $0x4000  }
0x75: {  	p0 =	sne.s32 s0, $0x1;
	[sflag:s23] =	ssyncset.done $0x0  }
.Ltmp4:
0x76: {  	s1 =	simm.s32 $0x4100;
	[sflag:s23] =	ssyncadd.s32 $0xFFFFC000;
	(pc) =	sbr.rel @!p0 .LBB2_5-.Ltmp4, $4  }
0x77: {  	[hbm4b:s2+s17] =	stream.indirect.scatter [tilespmem:s20], [sflag:$0x7], $0x80, s1, s17, $0xb8;
	[tilespmem:$0x17C80] =	vst v63  }
0x78: {  	_ =	swait.ge [sflag:s24], $0x4000  }
0x79: {  	s29 =	simm.s32 $0x4180;
	[sflag:s24] =	ssyncset.done $0x0  }
0x7a: {  	s28 =	simm.s32 $0x800;
	s26 =	sadd.s32 $0xFFFFFFFF, s0;
	[sflag:s24] =	ssyncadd.s32 $0xFFFFC000  }
.LBB2_4:
0x7b: {  	[hbm4b:s2+s17] =	stream.indirect.scatter [tilespmem:s21], [sflag:$0x8], $0x80, s29, s17, $0xb8;
	[tilespmem:$0x17C80] =	vst v63  }
0x7c: {  	p0 =	sne.s32 s26, $0x1;
	s26 =	sadd.s32 $0xFFFFFFFF, s26;
	_ =	swait.ge [sflag:s13], $0x4000  }
0x7d: {  	s29 =	sshra.s32 s28, $0x2;
	[sflag:s13] =	ssyncset.done $0x0  }
0x7e: {  	s0 =	sadd.s32 $0x200, s29;
	[sflag:s13] =	ssyncadd.s32 $0xFFFFC000  }
0x7f: {  	[tilespmem:s18], [sflag:$0x1] =	stream.indirect.gather [hbm4b:s4+s17], $0x80, s0, s17, $0xb8;
	[tilespmem:$0x17C80] =	vst v63  }
0x80: {  	_ =	swait.ge [sflag:s14], $0x4000  }
0x81: {  	[sflag:s14] =	ssyncset.done $0x0  }
0x82: {  	s0 =	sadd.s32 $0x280, s29;
	[sflag:s14] =	ssyncadd.s32 $0xFFFFC000  }
0x83: {  	[tilespmem:s19], [sflag:$0x2] =	stream.indirect.gather [hbm4b:s4+s17], $0x80, s0, s17, $0xb8;
	[tilespmem:$0x17C80] =	vst v63  }
0x84: {  	_ =	swait.ge [sflag:s15], $0x4000  }
0x85: {  	[sflag:s15] =	ssyncset.done $0x0  }
0x86: {  	s0 =	sadd.s32 $0x300, s29;
	[sflag:s15] =	ssyncadd.s32 $0xFFFFC000  }
0x87: {  	[tilespmem:s20], [sflag:$0x3] =	stream.indirect.gather [hbm4b:s4+s17], $0x80, s0, s17, $0xb8;
	[tilespmem:$0x17C80] =	vst v63  }
0x88: {  	_ =	swait.ge [sflag:s16], $0x4000  }
0x89: {  	[sflag:s16] =	ssyncset.done $0x0  }
0x8a: {  	s0 =	sadd.s32 $0x380, s29;
	[sflag:s16] =	ssyncadd.s32 $0xFFFFC000  }
0x8b: {  	[tilespmem:s21], [sflag:$0x4] =	stream.indirect.gather [hbm4b:s4+s17], $0x80, s0, s17, $0xb8;
	[tilespmem:$0x17C80] =	vst v63  }
0x8c: {  	_ =	swait.ge [sflag:s12], $0x4000  }
0x8d: {  	[sflag:s12] =	ssyncset.done $0x0  }
0x8e: {  	s0 =	sadd.s32 $0x4000, s29;
	[sflag:s12] =	ssyncadd.s32 $0xFFFFC000  }
0x8f: {  	[hbm4b:s2+s17] =	stream.indirect.scatter [tilespmem:s18], [sflag:$0x5], $0x80, s0, s17, $0xb8;
	[tilespmem:$0x17C80] =	vst v63  }
0x90: {  	_ =	swait.ge [sflag:s22], $0x4000  }
0x91: {  	[sflag:s22] =	ssyncset.done $0x0  }
0x92: {  	s0 =	sadd.s32 $0x4080, s29;
	[sflag:s22] =	ssyncadd.s32 $0xFFFFC000  }
0x93: {  	[hbm4b:s2+s17] =	stream.indirect.scatter [tilespmem:s19], [sflag:$0x6], $0x80, s0, s17, $0xb8;
	[tilespmem:$0x17C80] =	vst v63  }
0x94: {  	_ =	swait.ge [sflag:s23], $0x4000  }
0x95: {  	[sflag:s23] =	ssyncset.done $0x0  }
.Ltmp5:
0x96: {  	s0 =	sadd.s32 $0x4100, s29;
	[sflag:s23] =	ssyncadd.s32 $0xFFFFC000;
	(pc) =	sbr.rel @p0 .LBB2_4-.Ltmp5, $4  }
0x97: {  	[hbm4b:s2+s17] =	stream.indirect.scatter [tilespmem:s20], [sflag:$0x7], $0x80, s0, s17, $0xb8;
	[tilespmem:$0x17C80] =	vst v63  }
0x98: {  	_ =	swait.ge [sflag:s24], $0x4000  }
0x99: {  	[sflag:s24] =	ssyncset.done $0x0  }
0x9a: {  	s28 =	sadd.s32 $0x800, s28;
	s29 =	sadd.s32 $0x4180, s29;
	[sflag:s24] =	ssyncadd.s32 $0xFFFFC000  }
.Ltmp6:
0x9b: {  	_ = 	snop;
	(pc) =	sbr.rel .LBB2_5-.Ltmp6, $1  }
0x9c: {  	_ =	sdelay $0x3  }
.LBB2_8:
0x9d: {  	_ =	sfence.sel $0x180000  }
0x9e: {  	[bflag:$0x0] =	sbarrier.arrive $0xFFFF  }
0x9f: {  	_ =	strace $0x9000004D  }
0xa0: {  	s0 =	stileid.u32;
	[bflag:$0x2] =	sbarrier.arrive $0xFFFF  }
0xa1: {  	p0 =	sne.s32 s0, $0x0;
	s0 =	rddreg [dreg:$0x2]  }
0xa2: {  	s0 =	sadd.s32 @!p0 $0x100000, s0  }
0xa3: {  	[sflag:s0] =	ssyncadd.tile.s32 @!p0 $0x1;
	_ =	shalt  }
.Lfunc_end2:
_tile_overlayer_lowered:
.L_overlay_start_2:
0xa4: {  	(tag) =	ssettag $0x2  }
0xa5: {  	s0 =	rddreg [dreg:$0x0];
	s2 =	stileid.u32  }
0xa6: {  	s1 =	rddreg [dreg:$0x1];
	p0 =	sne.s32 s2, $0x0  }
0xa7: {  	s3 =	rddreg [dreg:$0x2];
	[bflag:$0x3] =	sbarrier.arrive $0xFFFF;
	s2 =	simm.s32 @!p0 $0x1C09  }
0xa8: {  	[timem:s3], [sflag:s2] =	dma.local @!p0 [hbm:s0], s1  }
0xa9: {  	s0 =	simm.s32 @!p0 $0x9  }
0xaa: {  	_ =	swait.ge @!p0 [sflag:s0], s1  }
0xab: {  	s1 =	ssub.s32 @!p0 $0x0, s1;
	[sflag:s0] =	ssyncset.done @!p0 $0x0  }
0xac: {  	[sflag:s0] =	ssyncadd.s32 @!p0 s1  }
0xad: {  	[bflag:$0x3] =	sbarrier.arrive $0xFFFF  }
0xae: {  	_ =	shalt  }

// kernel: kernel.7.cloned.1.call-start
scs
__scs_entry_jumppad:
0x0: {  	(pc) =	sbr.rel $0x88, $3  }
0x1: {  	(tag) =	ssettag $0x0;
	lr =	simm.s32 $0x1  }
0x2: {  	[smem:$0x3F99] =	sst lr;
	_ =	strace $0xD0000000  }
0x3: {  	_ = 	snop  }
0x4: {  	_ = 	snop  }
0x5: {  	_ = 	snop  }
0x6: {  	_ = 	snop  }
0x7: {  	_ = 	snop  }
__scs_overlays_trampoline_lowered:
0x8: {  	[smem:$0x3FA8] =	sst s0  }
0x9: {  	[smem:$0x3FA9] =	sst s1  }
0xa: {  	[smem:$0x3FAA] =	sst s2  }
0xb: {  	[smem:$0x3FAB] =	sst s3  }
0xc: {  	[smem:$0x3FAC] =	sst s4  }
0xd: {  	[smem:$0x3FAD] =	sst s5  }
0xe: {  	[smem:$0x3FAE] =	sst s6  }
0xf: {  	[smem:$0x3FAF] =	sst s7  }
0x10: {  	[smem:$0x3FB0] =	sst s8  }
0x11: {  	[smem:$0x3FB1] =	sst s9;
	s0 =	simm.s32 @!p0 $0x0  }
0x12: {  	s1 =	sld [smem:$0x3F97];
	s0 =	simm.s32 @p0 $0x1  }
0x13: {  	[smem:$0x3FB2] =	sst s0;
	s0 =	simm.s32 @!p1 $0x0  }
0x14: {  	s2 =	sld [smem:$0x3F96];
	s0 =	simm.s32 @p1 $0x1  }
0x15: {  	[smem:$0x3FB3] =	sst s0;
	s0 =	simm.s32 @!p2 $0x0  }
0x16: {  	s3 =	sld [smem:$0x3FDB];
	s0 =	simm.s32 @p2 $0x1  }
0x17: {  	s4 =	simm.s32 $0x1BF5;
	[smem:$0x3FB5] =	sst s0  }
0x18: {  	s0 =	sld [smem:$0x3F98];
	_ =	swait.ge [sflag:s4], $0x0  }
0x19: {  	s7 =	sld [smem:$0x3F99]  }
0x1a: {  	s8 =	sadd.s32 $0xFFFFE003, lr  }
0x1b: {  	s9 =	sadd.s32 $0xFFFFFEF7, lr;
	s5 =	simm.s32 $0xFFFFFFFF;
	p2 =	slt.u32 s8, $0xFFFFF086  }
0x1c: {  	p1 =	slt.u32 s9, $0xF7A;
	s5 =	simm.s32 @!p2 $0x0  }
0x1d: {  	s5 =	simm.s32 @p1 $0x1;
	p0 =	seq.s32 s7, s2  }
0x1e: {  	s7 =	smul.u32 @!p0 $0xF7A, s2;
	p2 =	seq.s32 @!p0 s5, $0x0  }
0x1f: {  	s9 =	smul.u32 $0xF7A, s1;
	s8 =	simm.s32 @!p0 $0x1BF5;
	p2 =	por !p2, p0  }
0x20: {  	[sflag:s8] =	ssyncset.s32 @!p0 $0xFFFFF086;
	s6 =	sadd.s32 @!p0 s3, s7;
	s7 =	simm.s32 @!p0 $0x108  }
0x21: {  	s3 =	sadd.s32 s3, s9;
	s6 =	sadd.s32 @!p0 $0x88, s6;
	s7 =	simm.s32 @p2 $0x1082  }
0x22: {  	[simem:s7], [sflag:s8] =	dma.local @!p0 [hbm:s6], $0xF7A  }
0x23: {  	s9 =	sor.u32 $0xD0000000, s2;
	s6 =	simm.s32 $0x108;
	_ =	swait.ge @!p0 [sflag:s8], $0x0  }
0x24: {  	s3 =	sadd.s32 $0x88, s3;
	s6 =	simm.s32 @!p1 $0x1082;
	[sflag:s4] =	ssyncset.s32 $0xFFFFF086  }
0x25: {  	[simem:s6], [sflag:s4] =	dma.local [hbm:s3], $0xF7A  }
0x26: {  	[smem:$0x3F99] =	sst s1;
	(tag) =	ssettag s2;
	_ =	strace s9  }
0x27: {  	s1 =	sld [smem:$0x3FA9]  }
0x28: {  	s2 =	sld [smem:$0x3FAA]  }
0x29: {  	s4 =	sld [smem:$0x3FAC]  }
0x2a: {  	p0 =	seq.s32 s5, $0x0;
	s5 =	sld [smem:$0x3FAD]  }
0x2b: {  	s6 =	sld [smem:$0x3FAE]  }
0x2c: {  	s7 =	sld [smem:$0x3FAF]  }
0x2d: {  	s3 =	simm.s32 $0x108;
	s8 =	sld [smem:$0x3FB0]  }
0x2e: {  	s3 =	simm.s32 @!p0 $0x1082;
	s9 =	sld [smem:$0x3FB1]  }
0x2f: {  	lr =	sadd.s32 s0, s3;
	s0 =	sld [smem:$0x3FA8]  }
0x30: {  	s3 =	sld [smem:$0x3FAB]  }
0x31: {  	[smem:$0x3FB4] =	sst s10  }
0x32: {  	s10 =	sld [smem:$0x3FB2];
	_ =	sdelay $0x3  }
0x33: {  	p0 =	seq.s32 s10, $0x1;
	s10 =	sld [smem:$0x3FB4];
	_ =	sdelay $0x3  }
0x34: {  	[smem:$0x3FB4] =	sst s10  }
0x35: {  	s10 =	sld [smem:$0x3FB3];
	_ =	sdelay $0x3  }
0x36: {  	p1 =	seq.s32 s10, $0x1;
	s10 =	sld [smem:$0x3FB4];
	_ =	sdelay $0x3  }
0x37: {  	[smem:$0x3FB4] =	sst s10  }
0x38: {  	s10 =	sld [smem:$0x3FB5]  }
0x39: {  	_ = 	snop;
	(pc) =	sbr.ind lr, $3  }
0x3a: {  	_ = 	snop  }
0x3b: {  	_ = 	snop  }
0x3c: {  	p2 =	seq.s32 s10, $0x1;
	s10 =	sld [smem:$0x3FB4]  }
0x3d: {  	_ =	shalt  }
0x3e: {  	_ =	shalt  }
0x3f: {  	_ =	shalt  }
0x40: {  	_ =	shalt  }
0x41: {  	_ =	shalt  }
0x42: {  	_ =	shalt  }
0x43: {  	_ =	shalt  }
0x44: {  	_ =	shalt  }
0x45: {  	_ =	shalt  }
0x46: {  	_ =	shalt  }
0x47: {  	_ =	shalt  }
0x48: {  	_ =	shalt  }
0x49: {  	_ =	shalt  }
0x4a: {  	_ =	shalt  }
0x4b: {  	_ =	shalt  }
0x4c: {  	_ =	shalt  }
0x4d: {  	_ =	shalt  }
0x4e: {  	_ =	shalt  }
0x4f: {  	_ =	shalt  }
0x50: {  	_ =	shalt  }
0x51: {  	_ =	shalt  }
0x52: {  	_ =	shalt  }
0x53: {  	_ =	shalt  }
0x54: {  	_ =	shalt  }
0x55: {  	_ =	shalt  }
0x56: {  	_ =	shalt  }
0x57: {  	_ =	shalt  }
0x58: {  	_ =	shalt  }
0x59: {  	_ =	shalt  }
0x5a: {  	_ =	shalt  }
0x5b: {  	_ =	shalt  }
0x5c: {  	_ =	shalt  }
0x5d: {  	_ =	shalt  }
0x5e: {  	_ =	shalt  }
0x5f: {  	_ =	shalt  }
0x60: {  	_ =	shalt  }
0x61: {  	_ =	shalt  }
0x62: {  	_ =	shalt  }
0x63: {  	_ =	shalt  }
0x64: {  	_ =	shalt  }
0x65: {  	_ =	shalt  }
0x66: {  	_ =	shalt  }
0x67: {  	_ =	shalt  }
0x68: {  	_ =	shalt  }
0x69: {  	_ =	shalt  }
0x6a: {  	_ =	shalt  }
0x6b: {  	_ =	shalt  }
0x6c: {  	_ =	shalt  }
0x6d: {  	_ =	shalt  }
0x6e: {  	_ =	shalt  }
0x6f: {  	_ =	shalt  }
0x70: {  	_ =	shalt  }
0x71: {  	_ =	shalt  }
0x72: {  	_ =	shalt  }
0x73: {  	_ =	shalt  }
0x74: {  	_ =	shalt  }
0x75: {  	_ =	shalt  }
0x76: {  	_ =	shalt  }
0x77: {  	_ =	shalt  }
0x78: {  	_ =	shalt  }
0x79: {  	_ =	shalt  }
0x7a: {  	_ =	shalt  }
0x7b: {  	_ =	shalt  }
0x7c: {  	_ =	shalt  }
0x7d: {  	_ =	shalt  }
0x7e: {  	_ =	shalt  }
0x7f: {  	_ =	shalt  }
0x80: {  	_ =	shalt  }
0x81: {  	_ =	shalt  }
0x82: {  	_ =	shalt  }
0x83: {  	_ =	shalt  }
0x84: {  	_ =	shalt  }
0x85: {  	_ =	shalt  }
0x86: {  	_ =	shalt  }
0x87: {  	_ =	shalt  }
.Lfunc_end0:
.L_simem_size_0:
called_computation_lowered:
.L_overlay_start_0:
0x88: {  	s2 =	sld [smem:$0x3FD9]  }
0x89: {  	s3 =	sld [smem:$0x3FFE];
	_ =	sdelay $0x1  }
0x8a: {  	s1 =	srdreg.scid  }
0x8b: {  	s0 =	sand.u32 $0x1, s1  }
0x8c: {  	s17 =	sshll.u32 s0, $0xA;
	s2 =	sadd.s32 s3, s2  }
0x8d: {  	s2 =	sadd.s32 s2, s17  }
0x8e: {  	[smem:$0x3FC0] =	sst s2  }
0x8f: {  	_ = 	snop  }
0x90: {  	s2 =	sld [smem:$0x3FC9]  }
0x91: {  	s18 =	sld [smem:$0x3FC8];
	(tm) =	ssettm $0x1  }
0x92: {  	s4 =	sld [smem:$0x3FFB];
	_ =	sdelay $0x3  }
0x93: {  	_ =	strace s4  }
0x94: {  	s4 =	sld [smem:$0x3FFC];
	_ =	sdelay $0x3  }
0x95: {  	_ =	strace s4  }
0x96: {  	s4 =	sld [smem:$0x3FFD];
	_ =	sdelay $0x3  }
0x97: {  	_ =	strace s4  }
0x98: {  	_ =	strace $0x8FFFFFFF  }
0x99: {  	s19 =	sld [smem:$0x3FDB];
	_ =	sdelay $0x1  }
0x9a: {  	s5 =	simm.s32 $_scs_section_size  }
0x9b: {  	s6 =	simm.s32 $_size__tile_overlayer_lowered;
	s7 =	simm.s32 $_tile_overlayer_lowered  }
0x9c: {  	s22 =	simm.s32 $0x1BFF;
	s21 =	sshll.u32 s7, $0x1;
	s4 =	sadd.s32 s5, s19  }
0x9d: {  	s8 =	simm.s32 $0x0;
	s20 =	sshll.u32 s6, $0x1;
	s6 =	sadd.s32 s21, s4  }
0x9e: {  	[timem:s8], [sflag:s22] =	dma.local [hbm:s6], s20  }
0x9f: {  	_ =	swait.ge [sflag:s22], s20  }
0xa0: {  	s5 =	ssub.s32 $0x0, s20;
	[sflag:s22] =	ssyncset.done $0x0  }
0xa1: {  	[sflag:s22] =	ssyncadd.s32 s5;
	_ =	sdelay $0x1  }
0xa2: {  	s23 =	simm.s32 $0x1B8B  }
0xa3: {  	_ =	swait.ge [sflag:s23], $0x1  }
0xa4: {  	[sflag:s23] =	ssyncset.done $0x0  }
0xa5: {  	s25 =	simm.s32 $0x1B8E;
	s24 =	sld [smem:$0x3FFE];
	[sflag:s23] =	ssyncadd.s32 $0xFFFFFFFF  }
0xa6: {  	s26 =	simm.s32 $execute0_lowered;
	[smem:$0x3FD2] =	sst s25  }
0xa7: {  	s6 =	sshll.u32 s26, $0x1;
	_ =	strace $0x80000046;
	[dreg:$0x1] =	wrdreg $0xFFFFFFFF  }
0xa8: {  	s28 =	simm.s32 $_size_execute0_lowered;
	s4 =	sadd.s32 s4, s6;
	[dreg:$0x0] =	wrdreg $0x0  }
0xa9: {  	s6 =	sshll.u32 s28, $0x1;
	[dreg:$0x2] =	wrdreg s4  }
0xaa: {  	[dreg:$0x3] =	wrdreg s6  }
0xab: {  	[dreg:$0x4] =	wrdreg $0xC0  }
0xac: {  	_ =	task [dreg:s8], $0x5FFFF  }
0xad: {  	[dreg:$0x1] =	wrdreg $0xFFFFFFFF  }
0xae: {  	[dreg:$0x0] =	wrdreg $0x60  }
0xaf: {  	[dreg:$0x2] =	wrdreg s2  }
0xb0: {  	[dreg:$0x3] =	wrdreg s18  }
0xb1: {  	[dreg:$0x4] =	wrdreg s24  }
0xb2: {  	[dreg:$0x5] =	wrdreg $0x9  }
0xb3: {  	_ =	task.clear_ibuf [dreg:s8], $0x6FFFF;
	_ =	strace $0x90000046  }
0xb4: {  	s29 =	simm.s32 $0x9;
	_ =	strace $0x80000048  }
0xb5: {  	_ =	swait.ge [sflag:s29], $0x1  }
0xb6: {  	[sflag:s29] =	ssyncadd.s32 $0xFFFFFFFF  }
0xb7: {  	_ =	strace $0x90000048  }
0xb8: {  	_ =	sfence  }
0xb9: {  	s30 =	sld [smem:$0x0];
	_ =	sdelay $0x2  }
0xba: {  	s31 =	sshll.u32 s1, $0xD;
	s1 =	sshrl.u32 s1, $0x2  }
0xbb: {  	s3 =	sand.u32 $0x4000, s31;
	s1 =	sadd.s32 s1, s30  }
0xbc: {  	s0 =	sor.u32 s3, s0;
	s1 =	sshll.u32 s1, $0x11  }
0xbd: {  	s0 =	sor.u32 s1, s0  }
0xbe: {  	s0 =	sadd.s32 $0x8F2B, s0  }
0xbf: {  	[sflag:s0] =	ssyncadd.remote.s32 $0x1  }
0xc0: {  	_ =	sfence.sel $0xFFFF  }
0xc1: {  	[dreg:$0x0] =	wrdreg $0xFFFFFFFF;
	(pc) =	sbr.abs _section_cstart, $3  }
0xc2: {  	[dreg:$0x1] =	wrdreg $0xFFFFFFFF  }
0xc3: {  	_ =	task.clear_ibuf [dreg:s8], $0x2FFFF;
	_ =	strace $0x9FFFFFFF  }
0xc4: {  	(tm) =	ssettm $0x7FFFFFFF  }
0xc5: {  	_ =	shalt  }
tec
execute0_lowered:
.L_overlay_start_1:
0x0: {  	(tag) =	ssettag $0x1  }
0x1: {  	s1 =	rddreg [dreg:$0x0]  }
0x2: {  	s3 =	rddreg [dreg:$0x1]  }
0x3: {  	s0 =	srdreg.scid;
	s18 =	stileid.u32  }
0x4: {  	s2 =	rddreg [dreg:$0x2];
	s4 =	simm.s32 $0x0;
	s28 =	simm.s32 $0x40  }
0x5: {  	s29 =	simm.s32 $0x8B80;
	s30 =	simm.s32 $0xCB80;
	s31 =	simm.s32 $0x4E00  }
0x6: {  	s0 =	sand.u32 $0x1, s0;
	s5 =	sshll.u32 s18, $0x1;
	s22 =	smul.u32 $0x7A20, s18  }
0x7: {  	s6 =	sor.u32 s0, s5;
	s13 =	ssub.s32 $0x2, s0;
	s0 =	smul.u32 $0x3D10, s0  }
0x8: {  	[smem:$0x7FF] =	sst s4;
	s19 =	sadd.s32 $0x1A00, s2;
	s5 =	smul.u32 $0x1F00, s6  }
0x9: {  	s7 =	sadd.s32 $0x11200, s2;
	s8 =	sadd.s32 $0x3F1200, s2;
	s10 =	smul.u32 $0x7C0, s6  }
0xa: {  	_ =	strace $0x80000047;
	[dreg:$0x4] =	wrdreg s19;
	s14 =	smul.u32 $0xF8000, s6  }
0xb: {  	s12 =	sshll.u32 s6, $0x1;
	s26 =	sshrl.u32 s13, $0x1;
	s17 =	smul.u32 $0x3D10, s6  }
0xc: {  	s15 =	sadd.s32 s12, s2;
	s16 =	ssub.s32 s13, s26;
	s0 =	sadd.s32 s0, s22  }
0xd: {  	s22 =	simm.s32 $0xB;
	s9 =	sshrl.u32 s5, $0x3;
	s10 =	sadd.s32 s10, s2  }
0xe: {  	s20 =	sshrl.u32 s14, $0x3;
	s14 =	sadd.s32 $0x1D00, s2;
	s25 =	sadd.s32 $0x7F0200, s15  }
0xf: {  	s26 =	smax.u32 s16, $0x1;
	[dreg:$0xe] =	wrdreg s0;
	s16 =	simm.s32 $0x3E00  }
0x10: {  	s0 =	simm.s32 $0xAB80;
	v0 =	vmov s17;
	s17 =	simm.s32 $0x0;
	s11 =	sadd.s32 s9, s2  }
0x11: {  	s12 =	sadd.s32 s19, s9;
	s19 =	sadd.s32 $0x1B00, s2;
	[dreg:$0xc] =	wrdreg s25  }
0x12: {  	s6 =	sadd.s32 $0x1EC00, s20;
	s23 =	sadd.s32 $0x7D1200, s10;
	[dreg:$0xd] =	wrdreg s26  }
0x13: {  	s24 =	sadd.s32 $0x7E0A00, s10;
	s26 =	simm.s32 $0x1;
	[dreg:$0x5] =	wrdreg s12  }
0x14: {  	s25 =	simm.s32 $0x3;
	s9 =	simm.s32 $0x4;
	[dreg:$0x7] =	wrdreg s19  }
.Ltmp0:
0x15: {  	s10 =	simm.s32 $0x6;
	[dreg:$0xa] =	wrdreg s23;
	(pc) =	sbr.rel .LBB2_1-.Ltmp0, $4  }
0x16: {  	s13 =	sadd.s32 $0x9600, s11;
	s12 =	sadd.s32 $0x1C00, s2;
	[dreg:$0xb] =	wrdreg s24  }
0x17: {  	s21 =	sadd.s32 s7, s6;
	s6 =	sadd.s32 s8, s6;
	[dreg:$0x6] =	wrdreg s13  }
0x18: {  	s2 =	simm.s32 $0x2;
	s23 =	simm.s32 $0xEB80;
	[dreg:$0x8] =	wrdreg s21  }
0x19: {  	v1 =	vimm.s32 $0xFFFFFFFF;
	v2 =	vlaneseq.u32;
	s13 =	sadd.s32 $0xFFFFFFC0, s5;
	[dreg:$0x9] =	wrdreg s6;
	s6 =	simm.s32 $0x5  }
.LBB2_12:
0x1a: {  	v3 =	vmov s11;
	s17 =	rddreg [dreg:$0xf]  }
.LBB2_18:
0x1b: {  	s11 =	rddreg [dreg:$0xa];
	s15 =	simm.s32 $0x10B80  }
0x1c: {  	[hbm4b:s11+s4] =	stream.linear.scatter [tilespmem:s15], [sflag:$0xB], $0x3E00, $0x38;
	[tilespmem:$0x18780] =	vst v63  }
0x1d: {  	_ =	swait.ge [sflag:s22], $0x3E00  }
0x1e: {  	[sflag:s22] =	ssyncset.done $0x0  }
0x1f: {  	s20 =	simm.s32 $0x14980;
	s19 =	rddreg [dreg:$0xb];
	[sflag:s22] =	ssyncadd.s32 $0xFFFFC200  }
0x20: {  	[hbm4b:s19+s4] =	stream.linear.scatter [tilespmem:s20], [sflag:$0xB], $0x3E00, $0x38;
	[tilespmem:$0x18780] =	vst v63  }
0x21: {  	_ =	swait.ge [sflag:s22], $0x3E00  }
0x22: {  	[sflag:s22] =	ssyncset.done $0x0  }
0x23: {  	[sflag:s22] =	ssyncadd.s32 $0xFFFFC200  }
0x24: {  	s16 =	simm.s32 $0x3E00;
	s21 =	rddreg [dreg:$0xc];
	[tilespmem:$0x3E00] =	vst v3  }
0x25: {  	[hbm4b:s21+s4] =	stream.linear.scatter [tilespmem:s16], [sflag:$0xB], $0x10, $0x38;
	[tilespmem:$0x18780] =	vst v63  }
0x26: {  	_ =	swait.ge [sflag:s22], $0x10  }
0x27: {  	s17 =	sadd.s32 $0x1, s17;
	s24 =	rddreg [dreg:$0xd]  }
0x28: {  	p0 =	sne.s32 s17, s24  }
.Ltmp1:
0x29: {  	_ = 	snop;
	(pc) =	sbr.rel @!p0 .LBB2_19-.Ltmp1, $3  }
0x2a: {  	_ =	sdelay $0x1  }
0x2b: {  	[sflag:s22] =	ssyncset.done $0x0  }
0x2c: {  	[sflag:s22] =	ssyncadd.s32 $0xFFFFFFF0  }
.LBB2_1:
0x2d: {  	[dreg:$0xf] =	wrdreg s17;
	s11 =	simm.s32 $0x40;
	s15 =	simm.s32 $0x0  }
.LBB2_2:
0x2e: {  	p0 =	sne.s32 s11, $0xF400;
	[tilespmem:s15+$0x4E00] =	vst v1;
	s15 =	smov.u32 s11;
	s11 =	sadd.s32 $0x40, s11  }
.Ltmp2:
0x2f: {  	(pc) =	sbr.rel @p0 .LBB2_2-.Ltmp2, $2  }
0x30: {  	_ =	sdelay $0x2  }
0x31: {  	s15 =	sshra.s32 s15, $0x2  }
0x32: {  	[tilespmem:s15+$0x4E00] =	vst v1;
	s20 =	simm.s32 $0x0;
	s11 =	rddreg [dreg:$0x5]  }
0x33: {  	[tilespmem:s20], [sflag:$0xB] =	stream.linear.gather [hbm4b:s11+s20], $0x1F00, $0x38;
	[tilespmem:$0x18780] =	vst v63  }
0x34: {  	_ =	swait.ge [sflag:s22], $0x1F00  }
0x35: {  	[sflag:s22] =	ssyncset.done $0x0  }
0x36: {  	s18 =	simm.s32 $0x1F00;
	s17 =	rddreg [dreg:$0x6];
	[sflag:s22] =	ssyncadd.s32 $0xFFFFE100  }
0x37: {  	[tilespmem:s18], [sflag:$0xB] =	stream.linear.gather [hbm4b:s17+s20], $0x1F00, $0x38;
	[tilespmem:$0x18780] =	vst v63  }
0x38: {  	_ =	swait.ge [sflag:s22], $0x1F00  }
0x39: {  	[sflag:s22] =	ssyncset.done $0x0  }
0x3a: {  	s19 =	rddreg [dreg:$0x4];
	[sflag:s22] =	ssyncadd.s32 $0xFFFFE100  }
0x3b: {  	[tilespmem:s16], [sflag:$0x1] =	stream.linear.gather [hbm4b:s19+s20], $0x800, $0x38;
	[tilespmem:$0x18780] =	vst v63  }
0x3c: {  	s24 =	simm.s32 $0x4600;
	s21 =	rddreg [dreg:$0x7]  }
0x3d: {  	[tilespmem:s24], [sflag:$0x2] =	stream.linear.gather [hbm4b:s21+s20], $0x800, $0x38;
	[tilespmem:$0x18780] =	vst v63  }
0x3e: {  	s18 =	simm.s32 $0x0;
	s24 =	simm.s32 $0x830  }
.LBB2_4:
0x3f: {  	_ =	swait.ge [sflag:s26], $0x800  }
0x40: {  	p0 =	seq.s32 s18, $0x0;
	[sflag:s26] =	ssyncset.done $0x0  }
0x41: {  	s11 =	simm.s32 @!p0 $0x7;
	[sflag:s26] =	ssyncadd.s32 $0xFFFFF800  }
0x42: {  	_ =	swait.ge @!p0 [sflag:s11], $0x2000  }
0x43: {  	[sflag:s11] =	ssyncset.done @!p0 $0x0  }
0x44: {  	[sflag:s11] =	ssyncadd.s32 @!p0 $0xFFFFE000;
	s11 =	simm.s32 @!p0 $0x9  }
0x45: {  	_ =	swait.ge @!p0 [sflag:s11], $0x2000  }
0x46: {  	[sflag:s11] =	ssyncset.done @!p0 $0x0  }
0x47: {  	[sflag:s11] =	ssyncadd.s32 @!p0 $0xFFFFE000;
	s11 =	sshll.u32 s18, $0x7  }
0x48: {  	[tilespmem:s29], [sflag:$0x3] =	stream.indirect.gather [hbm4b:s1+s28], $0x80, s11, s28, $0xb8;
	[tilespmem:$0x18780] =	vst v63  }
0x49: {  	s15 =	sadd.s32 $0x1F00, s11  }
0x4a: {  	[tilespmem:s30], [sflag:$0x5] =	stream.indirect.gather [hbm4b:s3+s28], $0x80, s15, s28, $0xb8;
	[tilespmem:$0x18780] =	vst v63  }
0x4b: {  	s16 =	sshll.u32 s18, $0x1;
	s17 =	simm.s32 $0x0;
	s15 =	simm.s32 $0x3E20  }
.LBB2_5:
0x4c: {  	v3 =	vld [tilespmem:s15+$0xFFFFFFE0];
	_ =	sdelay $0x3  }
0x4d: {  	s21 =	sadd.s32 s17, s20  }
0x4e: {  	v4 =	vmov s21;
	v3 =	vsub.s32 v3, v0  }
0x4f: {  	vm1 =	vlt.u32 v4, $0x3D090;
	vm0 =	vlt.u32 v3, $0x3D10  }
0x50: {  	vm0 =	vmand vm1, vm0;
	_ =	sdelay $0x4  }
0x51: {  	v57 =	vor.u32 s21, v2  }
0x52: {  	[tilespmem:v3+s31+$0x0] =	vst.idx.msk vm0, v57  }
0x53: {  	v3 =	vld [tilespmem:s15+$0xFFFFFFF0];
	_ =	sdelay $0x3  }
0x54: {  	s19 =	sadd.s32 $0x10, s21  }
0x55: {  	v58 =	vmov s19;
	v3 =	vsub.s32 v3, v0  }
0x56: {  	vm11 =	vlt.u32 v58, $0x3D090;
	vm10 =	vlt.u32 v3, $0x3D10  }
0x57: {  	vm0 =	vmand vm11, vm10;
	_ =	sdelay $0x4  }
0x58: {  	v59 =	vor.u32 s19, v2  }
0x59: {  	[tilespmem:v3+s31+$0x0] =	vst.idx.msk vm0, v59  }
0x5a: {  	v3 =	vld [tilespmem:s15+$0x0];
	_ =	sdelay $0x3  }
0x5b: {  	s19 =	sadd.s32 $0x20, s21  }
0x5c: {  	v60 =	vmov s19;
	v3 =	vsub.s32 v3, v0  }
0x5d: {  	vm13 =	vlt.u32 v60, $0x3D090;
	vm12 =	vlt.u32 v3, $0x3D10  }
0x5e: {  	vm0 =	vmand vm13, vm12;
	_ =	sdelay $0x4  }
0x5f: {  	v61 =	vor.u32 s19, v2  }
0x60: {  	[tilespmem:v3+s31+$0x0] =	vst.idx.msk vm0, v61  }
0x61: {  	v3 =	vld [tilespmem:s15+$0x10];
	_ =	sdelay $0x3  }
0x62: {  	s21 =	sadd.s32 $0x30, s21  }
0x63: {  	v62 =	vmov s21;
	v3 =	vsub.s32 v3, v0  }
0x64: {  	vm15 =	vlt.u32 v62, $0x3D090;
	vm14 =	vlt.u32 v3, $0x3D10  }
0x65: {  	vm0 =	vmand vm15, vm14  }
0x66: {  	p1 =	sne.s32 s17, $0x7C0  }
.Ltmp3:
0x67: {  	_ = 	snop;
	(pc) =	sbr.rel @p1 .LBB2_5-.Ltmp3, $3  }
0x68: {  	_ =	sdelay $0x1  }
0x69: {  	v63 =	vor.u32 s21, v2  }
0x6a: {  	s17 =	sadd.s32 $0x40, s17;
	s15 =	sadd.s32 $0x40, s15;
	[tilespmem:v3+s31+$0x0] =	vst.idx.msk vm0, v63  }
0x6b: {  	p1 =	seq.s32 s18, $0x3D  }
0x6c: {  	p2 =	seq.s32 @!p1 s18, $0x0;
	s15 =	sshll.u32 @!p1 s18, $0x9;
	s19 =	simm.s32 @!p1 $0x0  }
0x6d: {  	s21 =	simm.s32 @!p1 $0x3E00;
	s17 =	sadd.s32 @!p1 s15, s12;
	p2 =	por p1, !p2  }
0x6e: {  	[tilespmem:s21], [sflag:$0x1] =	stream.linear.gather @!p1 [hbm4b:s17+s19], $0x800, $0x38;
	[tilespmem:$0x18780] =	vst v63  }
0x6f: {  	_ =	swait.ge @p2 [sflag:s9], $0x2000  }
0x70: {  	[sflag:s9] =	ssyncset.done @p2 $0x0  }
0x71: {  	[sflag:s9] =	ssyncadd.s32 @p2 $0xFFFFE000  }
0x72: {  	s17 =	sadd.s32 @p2 s11, s13;
	_ =	swait.ge @p2 [sflag:s10], $0x2000  }
0x73: {  	s17 =	sshll.u32 @p2 s17, $0x4;
	[sflag:s10] =	ssyncset.done @p2 $0x0  }
0x74: {  	s19 =	sadd.s32 @p2 s7, s17;
	[sflag:s10] =	ssyncadd.s32 @p2 $0xFFFFE000  }
0x75: {  	[hbm4b:s19+s4] =	stream.linear.scatter @p2 [tilespmem:s0], [sflag:$0x8], $0x2000, $0x38;
	[tilespmem:$0x18780] =	vst v63  }
0x76: {  	s17 =	sadd.s32 @p2 s8, s17  }
0x77: {  	[hbm4b:s17+s4] =	stream.linear.scatter @p2 [tilespmem:s23], [sflag:$0xA], $0x2000, $0x38;
	[tilespmem:$0x18780] =	vst v63  }
0x78: {  	_ =	swait.ge [sflag:s2], $0x800  }
0x79: {  	[sflag:s2] =	ssyncset.done $0x0  }
0x7a: {  	s17 =	simm.s32 @!p0 $0x8;
	[sflag:s2] =	ssyncadd.s32 $0xFFFFF800  }
0x7b: {  	_ =	swait.ge @!p0 [sflag:s17], $0x2000  }
0x7c: {  	[sflag:s17] =	ssyncset.done @!p0 $0x0  }
0x7d: {  	[sflag:s17] =	ssyncadd.s32 @!p0 $0xFFFFE000;
	s17 =	simm.s32 @!p0 $0xA  }
0x7e: {  	_ =	swait.ge @!p0 [sflag:s17], $0x2000  }
0x7f: {  	s16 =	sor.u32 $0x1, s16;
	[sflag:s17] =	ssyncset.done @!p0 $0x0  }
0x80: {  	s16 =	sshll.u32 s16, $0x6;
	[sflag:s17] =	ssyncadd.s32 @!p0 $0xFFFFE000  }
0x81: {  	[tilespmem:s0], [sflag:$0x4] =	stream.indirect.gather [hbm4b:s1+s28], $0x80, s16, s28, $0xb8;
	[tilespmem:$0x18780] =	vst v63  }
0x82: {  	s16 =	sadd.s32 $0x1F00, s16  }
0x83: {  	[tilespmem:s23], [sflag:$0x6] =	stream.indirect.gather [hbm4b:s3+s28], $0x80, s16, s28, $0xb8;
	[tilespmem:$0x18780] =	vst v63  }
0x84: {  	s17 =	smov.u32 s24;
	s16 =	simm.s32 $0x0  }
.LBB2_7:
0x85: {  	s19 =	sshra.s32 s16, $0x2  }
0x86: {  	v3 =	vld [tilespmem:s19+$0x4600];
	_ =	sdelay $0x3  }
0x87: {  	s21 =	sadd.s32 $0xFFFFFFD0, s17  }
0x88: {  	v4 =	vmov s21;
	v3 =	vsub.s32 v3, v0  }
0x89: {  	vm1 =	vlt.u32 v4, $0x3D090;
	vm0 =	vlt.u32 v3, $0x3D10  }
0x8a: {  	vm0 =	vmand vm1, vm0;
	_ =	sdelay $0x4  }
0x8b: {  	v57 =	vor.u32 s21, v2  }
0x8c: {  	[tilespmem:v3+s31+$0x0] =	vst.idx.msk vm0, v57  }
0x8d: {  	v3 =	vld [tilespmem:s19+$0x4610];
	_ =	sdelay $0x3  }
0x8e: {  	s21 =	sadd.s32 $0xFFFFFFE0, s17  }
0x8f: {  	v58 =	vmov s21;
	v3 =	vsub.s32 v3, v0  }
0x90: {  	vm11 =	vlt.u32 v58, $0x3D090;
	vm10 =	vlt.u32 v3, $0x3D10  }
0x91: {  	vm0 =	vmand vm11, vm10;
	_ =	sdelay $0x4  }
0x92: {  	v59 =	vor.u32 s21, v2  }
0x93: {  	[tilespmem:v3+s31+$0x0] =	vst.idx.msk vm0, v59  }
0x94: {  	v3 =	vld [tilespmem:s19+$0x4620];
	_ =	sdelay $0x3  }
0x95: {  	s21 =	sadd.s32 $0xFFFFFFF0, s17  }
0x96: {  	v60 =	vmov s21;
	v3 =	vsub.s32 v3, v0  }
0x97: {  	vm13 =	vlt.u32 v60, $0x3D090;
	vm12 =	vlt.u32 v3, $0x3D10  }
0x98: {  	vm0 =	vmand vm13, vm12;
	_ =	sdelay $0x4  }
0x99: {  	v61 =	vor.u32 s21, v2  }
0x9a: {  	[tilespmem:v3+s31+$0x0] =	vst.idx.msk vm0, v61  }
0x9b: {  	v3 =	vld [tilespmem:s19+$0x4630];
	_ =	sdelay $0x4  }
0x9c: {  	v62 =	vmov s17;
	v3 =	vsub.s32 v3, v0  }
0x9d: {  	vm15 =	vlt.u32 v62, $0x3D090;
	vm14 =	vlt.u32 v3, $0x3D10  }
0x9e: {  	vm0 =	vmand vm15, vm14  }
0x9f: {  	p0 =	sne.s32 s16, $0x1F00  }
.Ltmp4:
0xa0: {  	_ = 	snop;
	(pc) =	sbr.rel @p0 .LBB2_7-.Ltmp4, $3  }
0xa1: {  	_ =	sdelay $0x1  }
0xa2: {  	v63 =	vor.u32 s17, v2  }
0xa3: {  	s16 =	sadd.s32 $0x100, s16;
	s17 =	sadd.s32 $0x40, s17;
	[tilespmem:v3+s31+$0x0] =	vst.idx.msk vm0, v63  }
0xa4: {  	s15 =	sadd.s32 @!p1 s15, s14;
	s16 =	simm.s32 @!p1 $0x0;
	s17 =	simm.s32 @!p1 $0x4600  }
0xa5: {  	[tilespmem:s17], [sflag:$0x2] =	stream.linear.gather @!p1 [hbm4b:s15+s16], $0x800, $0x38;
	[tilespmem:$0x18780] =	vst v63  }
0xa6: {  	_ =	swait.ge [sflag:s25], $0x2000  }
0xa7: {  	[sflag:s25] =	ssyncset.done $0x0  }
0xa8: {  	s18 =	sadd.s32 $0x1, s18;
	[sflag:s25] =	ssyncadd.s32 $0xFFFFE000  }
0xa9: {  	s11 =	sadd.s32 s5, s11;
	p0 =	sne.s32 s18, $0x3E;
	_ =	swait.ge [sflag:s6], $0x2000  }
.Ltmp5:
0xaa: {  	s11 =	sshll.u32 s11, $0x4;
	[sflag:s6] =	ssyncset.done $0x0;
	(pc) =	sbr.rel @p0 .LBB2_4-.Ltmp5, $4  }
0xab: {  	s21 =	sadd.s32 s7, s11;
	[sflag:s6] =	ssyncadd.s32 $0xFFFFE000  }
0xac: {  	[hbm4b:s21+s4] =	stream.linear.scatter [tilespmem:s29], [sflag:$0x7], $0x2000, $0x38;
	[tilespmem:$0x18780] =	vst v63  }
0xad: {  	s20 =	sadd.s32 $0x1000, s20;
	s24 =	sadd.s32 $0x1000, s24;
	s11 =	sadd.s32 s8, s11  }
0xae: {  	[hbm4b:s11+s4] =	stream.linear.scatter [tilespmem:s30], [sflag:$0x9], $0x2000, $0x38;
	[tilespmem:$0x18780] =	vst v63  }
0xaf: {  	_ =	swait.ge [sflag:s9], $0x2000  }
0xb0: {  	[sflag:s9] =	ssyncset.done $0x0  }
0xb1: {  	[sflag:s9] =	ssyncadd.s32 $0xFFFFE000  }
0xb2: {  	_ =	swait.ge [sflag:s10], $0x2000  }
0xb3: {  	[sflag:s10] =	ssyncset.done $0x0  }
0xb4: {  	s11 =	simm.s32 $0x0;
	s15 =	rddreg [dreg:$0x8];
	[sflag:s10] =	ssyncadd.s32 $0xFFFFE000  }
0xb5: {  	[hbm4b:s15+s11] =	stream.linear.scatter [tilespmem:s0], [sflag:$0x8], $0x2000, $0x38;
	[tilespmem:$0x18780] =	vst v63  }
0xb6: {  	s18 =	simm.s32 $0x7;
	s17 =	rddreg [dreg:$0x9]  }
0xb7: {  	[hbm4b:s17+s11] =	stream.linear.scatter [tilespmem:s23], [sflag:$0xA], $0x2000, $0x38;
	[tilespmem:$0x18780] =	vst v63  }
0xb8: {  	_ =	swait.ge [sflag:s18], $0x2000  }
0xb9: {  	[sflag:s18] =	ssyncset.done $0x0  }
0xba: {  	s19 =	simm.s32 $0x9;
	[sflag:s18] =	ssyncadd.s32 $0xFFFFE000  }
0xbb: {  	_ =	swait.ge [sflag:s19], $0x2000  }
0xbc: {  	[sflag:s19] =	ssyncset.done $0x0  }
0xbd: {  	s20 =	simm.s32 $0x8;
	[sflag:s19] =	ssyncadd.s32 $0xFFFFE000  }
0xbe: {  	_ =	swait.ge [sflag:s20], $0x2000  }
0xbf: {  	[sflag:s20] =	ssyncset.done $0x0  }
0xc0: {  	s21 =	simm.s32 $0xA;
	[sflag:s20] =	ssyncadd.s32 $0xFFFFE000  }
0xc1: {  	_ =	swait.ge [sflag:s21], $0x2000  }
0xc2: {  	[sflag:s21] =	ssyncset.done $0x0  }
0xc3: {  	s24 =	simm.s32 $0x0;
	[sflag:s21] =	ssyncadd.s32 $0xFFFFE000  }
0xc4: {  	v3 =	vld [tilespmem:s24+$0x4E00];
	_ =	sdelay $0x4  }
0xc5: {  	vm0 =	vgt.s32 v3, $0xFFFFFFFF  }
0xc6: {  	v4 =	vmpcnt.ones.xlane vm0;
	_ =	sdelay $0x1  }
0xc7: {  	v4 =	vxor.u32 $0x80000000, v4  }
0xc8: {  	(xrf0) =	vmax.scan.msk.u32 $0xffff, v4;
	_ =	sdelay $0x5  }
0xc9: {  	s15 =	rddreg [dreg:$0xe];
	v4, _, _ =	vpop (xrf0)  }
0xca: {  	v5 =	vor.u32 s15, v2;
	[tilespmem:s11+$0x10B80] =	vst.msk vm0, v3;
	(v2sf) =	vpush v4, $0xF  }
0xcb: {  	s16 =	simm.s32 $0x80;
	s17 =	simm.s32 $0x10;
	[tilespmem:s11+$0x14980] =	vst.msk vm0, v5  }
.LBB2_10:
0xcc: {  	p0 =	sne.s32 s16, $0xF400;
	v3 =	vld [tilespmem:s17+$0x4E00];
	_ =	sdelay $0x4  }
0xcd: {  	vm0 =	vgt.s32 v3, $0xFFFFFFFF  }
0xce: {  	v4 =	vmpcnt.ones.xlane vm0;
	_ =	sdelay $0x1  }
0xcf: {  	v4 =	vxor.u32 $0x80000000, v4  }
0xd0: {  	(xrf0) =	vmax.scan.msk.u32 $0xffff, v4;
	_ =	sdelay $0x3  }
.Ltmp6:
0xd1: {  	s17 =	spop (v2sf);
	(pc) =	sbr.rel @p0 .LBB2_10-.Ltmp6, $4  }
0xd2: {  	s11 =	sadd.s32 s17, s11  }
0xd3: {  	s15 =	sadd.s32 $0x10, s15;
	v4, _, _ =	vpop (xrf0);
	s11 =	sadd.s32 $0x80000000, s11  }
0xd4: {  	v5 =	vor.u32 s15, v2;
	[tilespmem:s11+$0x10B80] =	vst.msk vm0, v3;
	(v2sf) =	vpush v4, $0xF  }
0xd5: {  	s17 =	sshra.s32 s16, $0x2;
	s16 =	sadd.s32 $0x40, s16;
	[tilespmem:s11+$0x14980] =	vst.msk vm0, v5  }
0xd6: {  	v3 =	vld [tilespmem:s17+$0x4E00];
	_ =	sdelay $0x4  }
0xd7: {  	vm0 =	vgt.s32 v3, $0xFFFFFFFF  }
0xd8: {  	v4 =	vmpcnt.ones.xlane vm0;
	_ =	sdelay $0x1  }
0xd9: {  	v4 =	vxor.u32 $0x80000000, v4  }
0xda: {  	(xrf0) =	vmax.scan.msk.u32 $0xffff, v4;
	_ =	sdelay $0x5  }
0xdb: {  	v4, _, _ =	vpop (xrf0)  }
0xdc: {  	(v2sf) =	vpush v4, $0xF;
	_ =	sdelay $0xc  }
0xdd: {  	s16 =	spop (v2sf)  }
0xde: {  	s11 =	sadd.s32 s16, s11  }
0xdf: {  	s16 =	sadd.s32 $0x80000000, s11;
	s24 =	spop (v2sf)  }
0xe0: {  	s11 =	sadd.s32 s24, s16  }
0xe1: {  	s11 =	sadd.s32 $0x80000000, s11  }
0xe2: {  	p0 =	sgt.s32 s11, $0x0  }
.Ltmp7:
0xe3: {  	_ = 	snop;
	(pc) =	sbr.rel @!p0 .LBB2_12-.Ltmp7, $4  }
0xe4: {  	_ = 	snop  }
0xe5: {  	s15 =	sadd.s32 $0x10, s15  }
0xe6: {  	v63 =	vor.u32 s15, v2;
	[tilespmem:s16+$0x10B80] =	vst.msk vm0, v3  }
0xe7: {  	[tilespmem:s16+$0x14980] =	vst.msk vm0, v63  }
0xe8: {  	s20 =	sadd.s32 $0x1FF, s11  }
0xe9: {  	s15 =	sadd.s32 $0xFFFFFFFF, s11;
	s16 =	sand.u32 $0x7FFFFFF0, s11;
	s17 =	sand.u32 $0x1FF, s20  }
0xea: {  	s21 =	sshra.s32 s20, $0x1F;
	p0 =	slt.s32 s20, $0x0;
	p1 =	sne.s32 s17, $0x0  }
0xeb: {  	v3 =	vmov s15;
	v6 =	vor.u32 s16, v2;
	s16 =	sshrl.u32 s21, $0x17;
	p0 =	por !p0, !p1  }
0xec: {  	s15 =	sadd.s32 s16, s20;
	s16 =	simm.s32 $0x1;
	p0 =	por !p0, !p0  }
0xed: {  	s15 =	sshrl.u32 s15, $0x9;
	s16 =	simm.s32 @!p0 $0x0  }
0xee: {  	s16 =	ssub.s32 s15, s16  }
0xef: {  	s18 =	simm.s32 $0x10B80;
	vm0 =	vge.s32 v6, s11;
	s15 =	sshrl.u32 s11, $0x4;
	s16 =	sshll.u32 s16, $0x9  }
0xf0: {  	s19 =	simm.s32 $0x14980;
	v4 =	vld.idx.msk [tilespmem:v3+s18+$0x0], $0xffff;
	s24 =	sadd.s32 $0x1, s15;
	s16 =	sshra.s32 s16, $0x4  }
0xf1: {  	v5 =	vld.idx.msk [tilespmem:v3+s19+$0x0], $0xffff;
	p0 =	sge.s32 s24, s16  }
.Ltmp8:
0xf2: {  	_ = 	snop;
	(pc) =	sbr.rel @p0 .LBB2_14-.Ltmp8, $3  }
0xf3: {  	_ =	sdelay $0x1  }
0xf4: {  	[tilespmem:v6+s18+$0x0] =	vst.idx.msk vm0, v4  }
0xf5: {  	v3 =	vmov s11;
	[tilespmem:v6+s19+$0x0] =	vst.idx.msk vm0, v5  }
0xf6: {  	s11 =	ssub.s32 s15, s16  }
0xf7: {  	s11 =	sadd.s32 $0x1, s11  }
0xf8: {  	s11 =	sadd.s32 $0x1, s11  }
0xf9: {  	p0 =	seq.s32 s11, $0x0  }
.Ltmp9:
0xfa: {  	_ = 	snop;
	(pc) =	sbr.rel @p0 .LBB2_17-.Ltmp9, $4  }
0xfb: {  	s21 =	sshll.u32 s15, $0x6  }
0xfc: {  	s24 =	sshra.s32 s21, $0x2  }
0xfd: {  	s15 =	sadd.s32 $0x10B90, s24  }
0xfe: {  	s16 =	sadd.s32 $0x14990, s24;
	[tilespmem:s15+$0x0] =	vst v4  }
.LBB2_16:
0xff: {  	s11 =	sadd.s32 $0x1, s11  }
0x100: {  	[tilespmem:s16+$0x0] =	vst v5;
	s15 =	sadd.s32 $0x10, s15;
	s16 =	sadd.s32 $0x10, s16;
	p0 =	seq.s32 s11, $0x0  }
.Ltmp10:
0x101: {  	(pc) =	sbr.rel @!p0 .LBB2_16-.Ltmp10, $2  }
0x102: {  	_ =	sdelay $0x2  }
0x103: {  	[tilespmem:s15+$0x0] =	vst v4  }
.LBB2_17:
.Ltmp11:
0x104: {  	(pc) =	sbr.rel .LBB2_18-.Ltmp11, $2  }
0x105: {  	_ =	sdelay $0x2  }
0x106: {  	[tilespmem:s16+$0x0] =	vst v5;
	s17 =	rddreg [dreg:$0xf]  }
.LBB2_14:
.Ltmp12:
0x107: {  	(pc) =	sbr.rel .LBB2_18-.Ltmp12, $2  }
0x108: {  	_ =	sdelay $0x2  }
0x109: {  	s17 =	rddreg [dreg:$0xf]  }
.LBB2_19:
0x10a: {  	_ =	sfence.sel $0x180000  }
0x10b: {  	[bflag:$0x0] =	sbarrier.arrive $0xFFFF  }
0x10c: {  	_ =	strace $0x90000047  }
0x10d: {  	s0 =	stileid.u32;
	[bflag:$0x2] =	sbarrier.arrive $0xFFFF  }
0x10e: {  	p0 =	sne.s32 s0, $0x0;
	s0 =	rddreg [dreg:$0x3]  }
0x10f: {  	s0 =	sadd.s32 @!p0 $0x100000, s0  }
0x110: {  	[sflag:s0] =	ssyncadd.tile.s32 @!p0 $0x1;
	_ =	shalt  }
.Lfunc_end2:
_tile_overlayer_lowered:
.L_overlay_start_2:
0x111: {  	(tag) =	ssettag $0x2  }
0x112: {  	s0 =	rddreg [dreg:$0x0];
	s2 =	stileid.u32  }
0x113: {  	s1 =	rddreg [dreg:$0x1];
	p0 =	sne.s32 s2, $0x0  }
0x114: {  	s3 =	rddreg [dreg:$0x2];
	[bflag:$0x3] =	sbarrier.arrive $0xFFFF;
	s2 =	simm.s32 @!p0 $0x1C0B  }
0x115: {  	[timem:s3], [sflag:s2] =	dma.local @!p0 [hbm:s0], s1  }
0x116: {  	s0 =	simm.s32 @!p0 $0xB  }
0x117: {  	_ =	swait.ge @!p0 [sflag:s0], s1  }
0x118: {  	s1 =	ssub.s32 @!p0 $0x0, s1;
	[sflag:s0] =	ssyncset.done @!p0 $0x0  }
0x119: {  	[sflag:s0] =	ssyncadd.s32 @!p0 s1  }
0x11a: {  	[bflag:$0x3] =	sbarrier.arrive $0xFFFF  }
0x11b: {  	_ =	shalt  }

</sc_bundles>
